<compile_context>
chip_gen: v7x
topology: tpu7x:2x2x1
jax: 0.10.2.dev20260603
libtpu: 0.0.44.dev20260713+nightly
codegen_flags: <defaults>
</compile_context>

<pallas_src>
import functools

import jax
import jax.numpy as jnp
from jax import lax
from jax.experimental import pallas as pl
from jax.experimental.pallas import tpu as pltpu
from jax.experimental.pallas import tpu_sc as plsc

N = 10000
E = 160000
D = 256
H = 128
NC = 2
NS = 16
STRIPE = 624
TAIL = N - NS * STRIPE
TAIL_OFF = NS * STRIPE
EPT_HOP = E // NS
EPT_DEG = E // (NC * NS)
CH = 80
CH_D = 40

_MESH = plsc.VectorSubcoreMesh(
    core_axis_name="c", subcore_axis_name="s", num_cores=NC, num_subcores=NS
)


def _stripe_copy(src, dst, s):
    pltpu.sync_copy(
        src.at[pl.ds(s * STRIPE, STRIPE)], dst.at[pl.ds(s * STRIPE, STRIPE)]
    )
    @pl.when(s == 0)
    def _():
        pltpu.sync_copy(
            src.at[pl.ds(TAIL_OFF, TAIL)], dst.at[pl.ds(TAIL_OFF, TAIL)]
        )


@functools.partial(
    pl.kernel,
    out_type=jax.ShapeDtypeStruct((NC * N,), jnp.float32),
    mesh=_MESH,
    scratch_types=[
        pltpu.VMEM((EPT_DEG,), jnp.int32),
        pltpu.VMEM((CH_D,), jnp.float32),
        pltpu.VMEM((STRIPE,), jnp.float32),
        pltpu.VMEM_SHARED((N,), jnp.float32),
        pltpu.SemaphoreType.DMA,
    ],
)
def _deg_kernel(row_hbm, zeros_hbm, ones_hbm, out_hbm, idx_v, ones_v,
                stg_v, acc, sem_d):
    c = lax.axis_index("c")
    s = lax.axis_index("s")
    pltpu.sync_copy(zeros_hbm.at[pl.ds(0, STRIPE)], stg_v)
    pltpu.sync_copy(stg_v, acc.at[pl.ds(s * STRIPE, STRIPE)])
    @pl.when(s == 0)
    def _():
        pltpu.sync_copy(stg_v.at[pl.ds(0, TAIL)], acc.at[pl.ds(TAIL_OFF, TAIL)])
    pltpu.sync_copy(ones_hbm, ones_v)
    pltpu.sync_copy(row_hbm.at[pl.ds((c * NS + s) * EPT_DEG, EPT_DEG)], idx_v)
    plsc.subcore_barrier()

    def body(k, _):
        ia = idx_v.at[pl.ds(2 * k * CH_D, CH_D)]
        ib = idx_v.at[pl.ds((2 * k + 1) * CH_D, CH_D)]
        pltpu.async_copy(ones_v, acc.at[ia], sem_d, add=True)
        pltpu.async_copy(ones_v, acc.at[ib], sem_d, add=True)
        pltpu.make_async_copy(ones_v, acc.at[ia], sem_d).wait()
        pltpu.make_async_copy(ones_v, acc.at[ib], sem_d).wait()
        return 0

    nch_d = EPT_DEG // CH_D
    lax.fori_loop(0, nch_d // 2, body, 0)
    pltpu.sync_copy(
        ones_v, acc.at[idx_v.at[pl.ds((nch_d - 1) * CH_D, CH_D)]], add=True
    )
    plsc.subcore_barrier()
    pltpu.sync_copy(acc.at[pl.ds(s * STRIPE, STRIPE)], stg_v)
    pltpu.sync_copy(stg_v, out_hbm.at[pl.ds(c * N + s * STRIPE, STRIPE)])
    @pl.when(s == 0)
    def _():
        pltpu.sync_copy(acc.at[pl.ds(TAIL_OFF, TAIL)], stg_v.at[pl.ds(0, TAIL)])
        pltpu.sync_copy(
            stg_v.at[pl.ds(0, TAIL)], out_hbm.at[pl.ds(c * N + TAIL_OFF, TAIL)]
        )


@functools.partial(
    pl.kernel,
    out_type=jax.ShapeDtypeStruct((NC, N, H), jnp.float32),
    mesh=_MESH,
    scratch_types=[
        pltpu.VMEM((EPT_HOP,), jnp.int32),
        pltpu.VMEM((EPT_HOP,), jnp.int32),
        pltpu.VMEM((CH, H), jnp.float32),
        pltpu.VMEM((CH, H), jnp.float32),
        pltpu.VMEM((CH, H), jnp.float32),
        pltpu.VMEM_SHARED((N, H), jnp.float32),
        pltpu.SemaphoreType.DMA,
        pltpu.SemaphoreType.DMA,
        pltpu.SemaphoreType.DMA,
    ],
)
def _hop_kernel(y_hbm, col_hbm, row_hbm, out_hbm,
                col_v, row_v, buf_a, buf_b, buf_c, acc, sem_a, sem_b, sem_c):
    c = lax.axis_index("c")
    s = lax.axis_index("s")
    def zrow(r, _):
        for j in range(H // 16):
            buf_a[r, pl.ds(j * 16, 16)] = jnp.zeros((16,), jnp.float32)
        return 0

    lax.fori_loop(0, CH, zrow, 0)
    for j in range(STRIPE // CH):
        pltpu.sync_copy(buf_a, acc.at[pl.ds(s * STRIPE + j * CH, CH)])
    pltpu.sync_copy(
        buf_a.at[pl.ds(0, STRIPE - (STRIPE // CH) * CH)],
        acc.at[pl.ds(s * STRIPE + (STRIPE // CH) * CH,
                     STRIPE - (STRIPE // CH) * CH)],
    )
    @pl.when(s == 0)
    def _():
        pltpu.sync_copy(buf_a.at[pl.ds(0, TAIL)], acc.at[pl.ds(TAIL_OFF, TAIL)])
    y_half = y_hbm.at[c]
    nch = EPT_HOP // CH
    pltpu.sync_copy(col_hbm.at[pl.ds(s * EPT_HOP, EPT_HOP)], col_v)
    pltpu.sync_copy(row_hbm.at[pl.ds(s * EPT_HOP, EPT_HOP)], row_v)
    plsc.subcore_barrier()

    def cidx(k):
        return col_v.at[pl.ds(k * CH, CH)]

    def ridx(k):
        return row_v.at[pl.ds(k * CH, CH)]

    pltpu.async_copy(y_half.at[cidx(0)], buf_a, sem_a)
    pltpu.async_copy(y_half.at[cidx(1)], buf_b, sem_b)

    def trio(j, _):
        k = 3 * j
        pltpu.async_copy(y_half.at[cidx(k + 2)], buf_c, sem_c)
        pltpu.make_async_copy(y_half.at[cidx(k)], buf_a, sem_a).wait()
        pltpu.sync_copy(buf_a, acc.at[ridx(k)], add=True)
        pltpu.async_copy(y_half.at[cidx(k + 3)], buf_a, sem_a)
        pltpu.make_async_copy(y_half.at[cidx(k + 1)], buf_b, sem_b).wait()
        pltpu.sync_copy(buf_b, acc.at[ridx(k + 1)], add=True)
        pltpu.async_copy(y_half.at[cidx(k + 4)], buf_b, sem_b)
        pltpu.make_async_copy(y_half.at[cidx(k + 2)], buf_c, sem_c).wait()
        pltpu.sync_copy(buf_c, acc.at[ridx(k + 2)], add=True)
        return 0

    lax.fori_loop(0, (nch - 2) // 3, trio, 0)
    pltpu.make_async_copy(y_half.at[cidx(nch - 2)], buf_a, sem_a).wait()
    pltpu.sync_copy(buf_a, acc.at[ridx(nch - 2)], add=True)
    pltpu.make_async_copy(y_half.at[cidx(nch - 1)], buf_b, sem_b).wait()
    pltpu.sync_copy(buf_b, acc.at[ridx(nch - 1)], add=True)
    plsc.subcore_barrier()
    _stripe_copy(acc, out_hbm.at[c], s)


def _prep_body(x_ref, degp_ref, y0_ref, deg_ref):
    xh = x_ref[...]
    n = jnp.float32(N)
    mean = jnp.sum(xh, axis=0, keepdims=True) / n
    xc = xh - mean
    var = jnp.sum(xc * xc, axis=0, keepdims=True) / (n - 1.0)
    std = jnp.sqrt(var)
    std = jnp.where(std == 0.0, 1.0, std)
    deg = degp_ref[0] + degp_ref[1] + 1.0
    d = lax.rsqrt(deg)
    y0_ref[...] = (d * (xc / std))[None]
    deg_ref[...] = deg


def _mid_body(agg_ref, y_ref, deg_ref, out_ref):
    d2 = 1.0 / deg_ref[...]
    out_ref[...] = d2[None] * (agg_ref[...] + y_ref[...])


def _final_body(agg_ref, y_ref, deg_ref, out_ref):
    d = lax.rsqrt(deg_ref[...])
    out_ref[...] = d * (agg_ref[0] + y_ref[0])


_prep = pl.pallas_call(
    _prep_body,
    grid=(NC,),
    in_specs=[
        pl.BlockSpec((N, H), lambda c: (0, c)),
        pl.BlockSpec((NC, N, 1), lambda c: (0, 0, 0)),
    ],
    out_specs=[
        pl.BlockSpec((1, N, H), lambda c: (c, 0, 0)),
        pl.BlockSpec((N, 1), lambda c: (0, 0)),
    ],
    out_shape=[
        jax.ShapeDtypeStruct((NC, N, H), jnp.float32),
        jax.ShapeDtypeStruct((N, 1), jnp.float32),
    ],
)

_mid = pl.pallas_call(
    _mid_body,
    grid=(NC,),
    in_specs=[
        pl.BlockSpec((1, N, H), lambda c: (c, 0, 0)),
        pl.BlockSpec((1, N, H), lambda c: (c, 0, 0)),
        pl.BlockSpec((N, 1), lambda c: (0, 0)),
    ],
    out_specs=pl.BlockSpec((1, N, H), lambda c: (c, 0, 0)),
    out_shape=jax.ShapeDtypeStruct((NC, N, H), jnp.float32),
)

_final = pl.pallas_call(
    _final_body,
    grid=(NC,),
    in_specs=[
        pl.BlockSpec((1, N, H), lambda c: (c, 0, 0)),
        pl.BlockSpec((1, N, H), lambda c: (c, 0, 0)),
        pl.BlockSpec((N, 1), lambda c: (0, 0)),
    ],
    out_specs=pl.BlockSpec((N, H), lambda c: (0, c)),
    out_shape=jax.ShapeDtypeStruct((N, D), jnp.float32),
)


def kernel(x, edge_index):
    row = edge_index[0]
    col = edge_index[1]
    deg_parts = _deg_kernel(
        row, jnp.zeros((N,), jnp.float32), jnp.ones((CH_D,), jnp.float32)
    ).reshape(NC, N, 1)
    y0, deg = _prep(x, deg_parts)
    agg0 = _hop_kernel(y0, col, row)
    y1 = _mid(agg0, y0, deg)
    agg1 = _hop_kernel(y1, col, row)
    return _final(agg1, y1, deg)

# --- scband reference (transcript-rebuilt; emitter-appended) ---
"""Pipeline reference for scband-ogb-data-loader-13477607375119 (READ-ONLY COPY).

The authoritative reference and input builder live on the scoring server;
editing this copy changes nothing except your own understanding.
"""

import jax, jax.numpy as jnp
import numpy as np

N_NODES = 10000
N_EDGES = 160000
D_FEAT = 256
K_HOPS = 2


def setup_inputs(seed: int = 0) -> dict:
    key = jax.random.key(seed)
    k1, k2 = jax.random.split(key)
    x = jax.random.normal(k1, (N_NODES, D_FEAT), dtype=jnp.float32)
    edge_index = jax.random.randint(k2, (2, N_EDGES), 0, N_NODES, dtype=jnp.int32)
    return {"x": x, "edge_index": edge_index}


def reference(x, edge_index):
    """Faithful JAX port of OgbDataLoader's feature pipeline: normalize_data + GCF.

    normalize_data: per-feature standardization (unbiased std, zeros -> 1).
    GCF: k applications of D^{-1/2} (A + I) D^{-1/2} x, with D the degree of
    the self-looped adjacency, realized as edge gather + segment-sum scatter.
    """
    n = x.shape[0]
    # normalize_data
    mean = jnp.mean(x, axis=0)
    std = jnp.std(x, axis=0, ddof=1)  # torch.std default is unbiased
    std = jnp.where(std == 0, jnp.ones_like(std), std)
    x = (x - mean) / std
    # GCF: build degree of self-looped adjacency A + I
    row = edge_index[0]
    col = edge_index[1]
    ones_e = jnp.ones((row.shape[0],), dtype=x.dtype)
    deg = jax.ops.segment_sum(ones_e, row, num_segments=n) + 1.0  # +1 from self-loop
    d_inv_sqrt = jnp.power(deg, -0.5)
    # filter = D^{-1/2} (A + I) D^{-1/2}, applied K_HOPS times
    for _ in range(K_HOPS):
        msg = d_inv_sqrt[col][:, None] * x[col]                 # gather + scale
        agg = jax.ops.segment_sum(msg, row, num_segments=n)     # scatter-add
        x = d_inv_sqrt[:, None] * (agg + d_inv_sqrt[:, None] * x)  # self-loop term
    return x


if False:  # reference __main__ guard neutralized (emitter)
    inp = setup_inputs()
    out = reference(**inp)
    print(out.shape, out.dtype)

if __name__ == "__main__":
    import jax
    _d = setup_inputs()
    print(jax.jit(kernel)(*tuple(_d.values())))

</pallas_src>

<mosaic_0001>
#map = affine_map<(d0, d1) -> (0, 0, 0)>
#map1 = affine_map<(d0, d1) -> (0)>
module attributes {stable_mosaic.version = 14 : i64} {
  func.func @_hop_kernel(%arg0: i32, %arg1: i32, %arg2: memref<2x10000x128xf32, #tpu.memory_space<hbm>>, %arg3: memref<160000xi32, #tpu.memory_space<hbm>>, %arg4: memref<160000xi32, #tpu.memory_space<hbm>>, %arg5: memref<2x10000x128xf32, #tpu.memory_space<hbm>>, %arg6: memref<10000xi32, #tpu.memory_space<vmem>>, %arg7: memref<10000xi32, #tpu.memory_space<vmem>>, %arg8: memref<80x128xf32, #tpu.memory_space<vmem>>, %arg9: memref<80x128xf32, #tpu.memory_space<vmem>>, %arg10: memref<80x128xf32, #tpu.memory_space<vmem>>, %arg11: memref<10000x128xf32, #tpu.memory_space<vmem_shared>>, %arg12: memref<!tpu.dma_semaphore, #tpu.memory_space<semaphore_mem>>, %arg13: memref<!tpu.dma_semaphore, #tpu.memory_space<semaphore_mem>>, %arg14: memref<!tpu.dma_semaphore, #tpu.memory_space<semaphore_mem>>) attributes {dimension_semantics = [#tpu.dimension_semantics<core_parallel>, #tpu.dimension_semantics<subcore_parallel>], iteration_bounds = array<i64: 2, 16>, scalar_prefetch = 0 : i64, scratch_operands = 9 : i64, tpu.core_type = #tpu.core_type<sc_vector_subcore>, window_params = [{transform_indices = #map}, {transform_indices = #map1}, {transform_indices = #map1}, {transform_indices = #map}]} {
    %scan3A = arith.constant 0 : i32
    %scan3A_0 = arith.constant 0 : i32
    %scan3A_1 = arith.constant 80 : i32
    %scan3A_2 = arith.addi %scan3A_0, %scan3A_1 : i32
    %scan3A_3 = arith.constant 1 : i32
    %scan3A_4 = scf.for %scan3A_93 = %scan3A_0 to %scan3A_2 step %scan3A_3 iter_args(%scan3A_94 = %scan3A) -> (i32)  : i32 {
      %broadcast_in_dim3A = arith.constant 0.000000e+00 : f32
      %broadcast_in_dim3A_95 = vector.broadcast %broadcast_in_dim3A : f32 to vector<16xf32>
      %swap3A = arith.index_cast %scan3A_93 : i32 to index
      %swap3A_96 = arith.constant 0 : index
      %swap3A_97 = tpu.vector_load %arg8[%swap3A, %swap3A_96] {strides = array<i32>} : memref<80x128xf32, #tpu.memory_space<vmem>>, vector<1x16xf32>,
      %swap3A_98 = vector.shape_cast %swap3A_97 : vector<1x16xf32> to vector<16xf32>
      %swap3A_99 = vector.shape_cast %broadcast_in_dim3A_95 : vector<16xf32> to vector<1x16xf32>
      tpu.vector_store %arg8[%swap3A, %swap3A_96], %swap3A_99 {strides = array<i32>} : memref<80x128xf32, #tpu.memory_space<vmem>>, vector<1x16xf32>,
      %broadcast_in_dim3A_100 = arith.constant 0.000000e+00 : f32
      %broadcast_in_dim3A_101 = vector.broadcast %broadcast_in_dim3A_100 : f32 to vector<16xf32>
      %swap3A_102 = arith.index_cast %scan3A_93 : i32 to index
      %swap3A_103 = arith.constant 16 : index
      %swap3A_104 = tpu.vector_load %arg8[%swap3A_102, %swap3A_103] {strides = array<i32>} : memref<80x128xf32, #tpu.memory_space<vmem>>, vector<1x16xf32>,
      %swap3A_105 = vector.shape_cast %swap3A_104 : vector<1x16xf32> to vector<16xf32>
      %swap3A_106 = vector.shape_cast %broadcast_in_dim3A_101 : vector<16xf32> to vector<1x16xf32>
      tpu.vector_store %arg8[%swap3A_102, %swap3A_103], %swap3A_106 {strides = array<i32>} : memref<80x128xf32, #tpu.memory_space<vmem>>, vector<1x16xf32>,
      %broadcast_in_dim3A_107 = arith.constant 0.000000e+00 : f32
      %broadcast_in_dim3A_108 = vector.broadcast %broadcast_in_dim3A_107 : f32 to vector<16xf32>
      %swap3A_109 = arith.index_cast %scan3A_93 : i32 to index
      %swap3A_110 = arith.constant 32 : index
      %swap3A_111 = tpu.vector_load %arg8[%swap3A_109, %swap3A_110] {strides = array<i32>} : memref<80x128xf32, #tpu.memory_space<vmem>>, vector<1x16xf32>,
      %swap3A_112 = vector.shape_cast %swap3A_111 : vector<1x16xf32> to vector<16xf32>
      %swap3A_113 = vector.shape_cast %broadcast_in_dim3A_108 : vector<16xf32> to vector<1x16xf32>
      tpu.vector_store %arg8[%swap3A_109, %swap3A_110], %swap3A_113 {strides = array<i32>} : memref<80x128xf32, #tpu.memory_space<vmem>>, vector<1x16xf32>,
      %broadcast_in_dim3A_114 = arith.constant 0.000000e+00 : f32
      %broadcast_in_dim3A_115 = vector.broadcast %broadcast_in_dim3A_114 : f32 to vector<16xf32>
      %swap3A_116 = arith.index_cast %scan3A_93 : i32 to index
      %swap3A_117 = arith.constant 48 : index
      %swap3A_118 = tpu.vector_load %arg8[%swap3A_116, %swap3A_117] {strides = array<i32>} : memref<80x128xf32, #tpu.memory_space<vmem>>, vector<1x16xf32>,
      %swap3A_119 = vector.shape_cast %swap3A_118 : vector<1x16xf32> to vector<16xf32>
      %swap3A_120 = vector.shape_cast %broadcast_in_dim3A_115 : vector<16xf32> to vector<1x16xf32>
      tpu.vector_store %arg8[%swap3A_116, %swap3A_117], %swap3A_120 {strides = array<i32>} : memref<80x128xf32, #tpu.memory_space<vmem>>, vector<1x16xf32>,
      %broadcast_in_dim3A_121 = arith.constant 0.000000e+00 : f32
      %broadcast_in_dim3A_122 = vector.broadcast %broadcast_in_dim3A_121 : f32 to vector<16xf32>
      %swap3A_123 = arith.index_cast %scan3A_93 : i32 to index
      %swap3A_124 = arith.constant 64 : index
      %swap3A_125 = tpu.vector_load %arg8[%swap3A_123, %swap3A_124] {strides = array<i32>} : memref<80x128xf32, #tpu.memory_space<vmem>>, vector<1x16xf32>,
      %swap3A_126 = vector.shape_cast %swap3A_125 : vector<1x16xf32> to vector<16xf32>
      %swap3A_127 = vector.shape_cast %broadcast_in_dim3A_122 : vector<16xf32> to vector<1x16xf32>
      tpu.vector_store %arg8[%swap3A_123, %swap3A_124], %swap3A_127 {strides = array<i32>} : memref<80x128xf32, #tpu.memory_space<vmem>>, vector<1x16xf32>,
      %broadcast_in_dim3A_128 = arith.constant 0.000000e+00 : f32
      %broadcast_in_dim3A_129 = vector.broadcast %broadcast_in_dim3A_128 : f32 to vector<16xf32>
      %swap3A_130 = arith.index_cast %scan3A_93 : i32 to index
      %swap3A_131 = arith.constant 80 : index
      %swap3A_132 = tpu.vector_load %arg8[%swap3A_130, %swap3A_131] {strides = array<i32>} : memref<80x128xf32, #tpu.memory_space<vmem>>, vector<1x16xf32>,
      %swap3A_133 = vector.shape_cast %swap3A_132 : vector<1x16xf32> to vector<16xf32>
      %swap3A_134 = vector.shape_cast %broadcast_in_dim3A_129 : vector<16xf32> to vector<1x16xf32>
      tpu.vector_store %arg8[%swap3A_130, %swap3A_131], %swap3A_134 {strides = array<i32>} : memref<80x128xf32, #tpu.memory_space<vmem>>, vector<1x16xf32>,
      %broadcast_in_dim3A_135 = arith.constant 0.000000e+00 : f32
      %broadcast_in_dim3A_136 = vector.broadcast %broadcast_in_dim3A_135 : f32 to vector<16xf32>
      %swap3A_137 = arith.index_cast %scan3A_93 : i32 to index
      %swap3A_138 = arith.constant 96 : index
      %swap3A_139 = tpu.vector_load %arg8[%swap3A_137, %swap3A_138] {strides = array<i32>} : memref<80x128xf32, #tpu.memory_space<vmem>>, vector<1x16xf32>,
      %swap3A_140 = vector.shape_cast %swap3A_139 : vector<1x16xf32> to vector<16xf32>
      %swap3A_141 = vector.shape_cast %broadcast_in_dim3A_136 : vector<16xf32> to vector<1x16xf32>
      tpu.vector_store %arg8[%swap3A_137, %swap3A_138], %swap3A_141 {strides = array<i32>} : memref<80x128xf32, #tpu.memory_space<vmem>>, vector<1x16xf32>,
      %broadcast_in_dim3A_142 = arith.constant 0.000000e+00 : f32
      %broadcast_in_dim3A_143 = vector.broadcast %broadcast_in_dim3A_142 : f32 to vector<16xf32>
      %swap3A_144 = arith.index_cast %scan3A_93 : i32 to index
      %swap3A_145 = arith.constant 112 : index
      %swap3A_146 = tpu.vector_load %arg8[%swap3A_144, %swap3A_145] {strides = array<i32>} : memref<80x128xf32, #tpu.memory_space<vmem>>, vector<1x16xf32>,
      %swap3A_147 = vector.shape_cast %swap3A_146 : vector<1x16xf32> to vector<16xf32>
      %swap3A_148 = vector.shape_cast %broadcast_in_dim3A_143 : vector<16xf32> to vector<1x16xf32>
      tpu.vector_store %arg8[%swap3A_144, %swap3A_145], %swap3A_148 {strides = array<i32>} : memref<80x128xf32, #tpu.memory_space<vmem>>, vector<1x16xf32>,
      %scan3A_149 = arith.constant 0 : i32
      scf.yield %scan3A_149 : i32
    }
    %scan3A_5 = arith.constant 80 : i32
    %mul3A = arith.constant 624 : i32
    %mul3A_6 = arith.muli %arg1, %mul3A : i32
    %add3A = arith.constant 0 : i32
    %add3A_7 = arith.addi %mul3A_6, %add3A : i32
    "tpu.region"() ({
      %run_scoped3A = tpu.sem_alloc : memref<!tpu.dma_semaphore, #tpu.memory_space<semaphore_mem>>
      %dma_start3A_93 = arith.constant 0 : i32
      %dma_start3A_94 = tpu.memref_slice %arg11[%add3A_7, %dma_start3A_93] : memref<10000x128xf32, #tpu.memory_space<vmem_shared>> -> memref<80x128xf32, #tpu.memory_space<vmem_shared>>
      %dma_start3A_95 = arith.constant 0 : i32
      %dma_start3A_96 = tpu.memref_slice %arg11[%add3A_7, %dma_start3A_95] : memref<10000x128xf32, #tpu.memory_space<vmem_shared>> -> memref<80x128xf32, #tpu.memory_space<vmem_shared>>
      tpu.enqueue_dma source(%arg8 : memref<80x128xf32, #tpu.memory_space<vmem>>) target(%dma_start3A_96 : memref<80x128xf32, #tpu.memory_space<vmem_shared>>) target_semaphore(%run_scoped3A : memref<!tpu.dma_semaphore, #tpu.memory_space<semaphore_mem>>)
      %dma_wait3A_97 = arith.constant 0 : i32
      %dma_wait3A_98 = tpu.memref_slice %arg11[%add3A_7, %dma_wait3A_97] : memref<10000x128xf32, #tpu.memory_space<vmem_shared>> -> memref<80x128xf32, #tpu.memory_space<vmem_shared>>
      %dma_wait3A_99 = arith.constant 0 : i32
      %dma_wait3A_100 = tpu.memref_slice %arg11[%add3A_7, %dma_wait3A_99] : memref<10000x128xf32, #tpu.memory_space<vmem_shared>> -> memref<80x128xf32, #tpu.memory_space<vmem_shared>>
      tpu.wait_dma2 semaphore(%run_scoped3A : memref<!tpu.dma_semaphore, #tpu.memory_space<semaphore_mem>>) src(%arg8 : memref<80x128xf32, #tpu.memory_space<vmem>>) dst(%dma_wait3A_100 : memref<80x128xf32, #tpu.memory_space<vmem_shared>>)
      tpu.yield
    }) : () -> ()
    %mul3A_8 = arith.constant 624 : i32
    %mul3A_9 = arith.muli %arg1, %mul3A_8 : i32
    %add3A_10 = arith.constant 80 : i32
    %add3A_11 = arith.addi %mul3A_9, %add3A_10 : i32
    "tpu.region"() ({
      %run_scoped3A = tpu.sem_alloc : memref<!tpu.dma_semaphore, #tpu.memory_space<semaphore_mem>>
      %dma_start3A_93 = arith.constant 0 : i32
      %dma_start3A_94 = tpu.memref_slice %arg11[%add3A_11, %dma_start3A_93] : memref<10000x128xf32, #tpu.memory_space<vmem_shared>> -> memref<80x128xf32, #tpu.memory_space<vmem_shared>>
      %dma_start3A_95 = arith.constant 0 : i32
      %dma_start3A_96 = tpu.memref_slice %arg11[%add3A_11, %dma_start3A_95] : memref<10000x128xf32, #tpu.memory_space<vmem_shared>> -> memref<80x128xf32, #tpu.memory_space<vmem_shared>>
      tpu.enqueue_dma source(%arg8 : memref<80x128xf32, #tpu.memory_space<vmem>>) target(%dma_start3A_96 : memref<80x128xf32, #tpu.memory_space<vmem_shared>>) target_semaphore(%run_scoped3A : memref<!tpu.dma_semaphore, #tpu.memory_space<semaphore_mem>>)
      %dma_wait3A_97 = arith.constant 0 : i32
      %dma_wait3A_98 = tpu.memref_slice %arg11[%add3A_11, %dma_wait3A_97] : memref<10000x128xf32, #tpu.memory_space<vmem_shared>> -> memref<80x128xf32, #tpu.memory_space<vmem_shared>>
      %dma_wait3A_99 = arith.constant 0 : i32
      %dma_wait3A_100 = tpu.memref_slice %arg11[%add3A_11, %dma_wait3A_99] : memref<10000x128xf32, #tpu.memory_space<vmem_shared>> -> memref<80x128xf32, #tpu.memory_space<vmem_shared>>
      tpu.wait_dma2 semaphore(%run_scoped3A : memref<!tpu.dma_semaphore, #tpu.memory_space<semaphore_mem>>) src(%arg8 : memref<80x128xf32, #tpu.memory_space<vmem>>) dst(%dma_wait3A_100 : memref<80x128xf32, #tpu.memory_space<vmem_shared>>)
      tpu.yield
    }) : () -> ()
    %mul3A_12 = arith.constant 624 : i32
    %mul3A_13 = arith.muli %arg1, %mul3A_12 : i32
    %add3A_14 = arith.constant 160 : i32
    %add3A_15 = arith.addi %mul3A_13, %add3A_14 : i32
    "tpu.region"() ({
      %run_scoped3A = tpu.sem_alloc : memref<!tpu.dma_semaphore, #tpu.memory_space<semaphore_mem>>
      %dma_start3A_93 = arith.constant 0 : i32
      %dma_start3A_94 = tpu.memref_slice %arg11[%add3A_15, %dma_start3A_93] : memref<10000x128xf32, #tpu.memory_space<vmem_shared>> -> memref<80x128xf32, #tpu.memory_space<vmem_shared>>
      %dma_start3A_95 = arith.constant 0 : i32
      %dma_start3A_96 = tpu.memref_slice %arg11[%add3A_15, %dma_start3A_95] : memref<10000x128xf32, #tpu.memory_space<vmem_shared>> -> memref<80x128xf32, #tpu.memory_space<vmem_shared>>
      tpu.enqueue_dma source(%arg8 : memref<80x128xf32, #tpu.memory_space<vmem>>) target(%dma_start3A_96 : memref<80x128xf32, #tpu.memory_space<vmem_shared>>) target_semaphore(%run_scoped3A : memref<!tpu.dma_semaphore, #tpu.memory_space<semaphore_mem>>)
      %dma_wait3A_97 = arith.constant 0 : i32
      %dma_wait3A_98 = tpu.memref_slice %arg11[%add3A_15, %dma_wait3A_97] : memref<10000x128xf32, #tpu.memory_space<vmem_shared>> -> memref<80x128xf32, #tpu.memory_space<vmem_shared>>
      %dma_wait3A_99 = arith.constant 0 : i32
      %dma_wait3A_100 = tpu.memref_slice %arg11[%add3A_15, %dma_wait3A_99] : memref<10000x128xf32, #tpu.memory_space<vmem_shared>> -> memref<80x128xf32, #tpu.memory_space<vmem_shared>>
      tpu.wait_dma2 semaphore(%run_scoped3A : memref<!tpu.dma_semaphore, #tpu.memory_space<semaphore_mem>>) src(%arg8 : memref<80x128xf32, #tpu.memory_space<vmem>>) dst(%dma_wait3A_100 : memref<80x128xf32, #tpu.memory_space<vmem_shared>>)
      tpu.yield
    }) : () -> ()
    %mul3A_16 = arith.constant 624 : i32
    %mul3A_17 = arith.muli %arg1, %mul3A_16 : i32
    %add3A_18 = arith.constant 240 : i32
    %add3A_19 = arith.addi %mul3A_17, %add3A_18 : i32
    "tpu.region"() ({
      %run_scoped3A = tpu.sem_alloc : memref<!tpu.dma_semaphore, #tpu.memory_space<semaphore_mem>>
      %dma_start3A_93 = arith.constant 0 : i32
      %dma_start3A_94 = tpu.memref_slice %arg11[%add3A_19, %dma_start3A_93] : memref<10000x128xf32, #tpu.memory_space<vmem_shared>> -> memref<80x128xf32, #tpu.memory_space<vmem_shared>>
      %dma_start3A_95 = arith.constant 0 : i32
      %dma_start3A_96 = tpu.memref_slice %arg11[%add3A_19, %dma_start3A_95] : memref<10000x128xf32, #tpu.memory_space<vmem_shared>> -> memref<80x128xf32, #tpu.memory_space<vmem_shared>>
      tpu.enqueue_dma source(%arg8 : memref<80x128xf32, #tpu.memory_space<vmem>>) target(%dma_start3A_96 : memref<80x128xf32, #tpu.memory_space<vmem_shared>>) target_semaphore(%run_scoped3A : memref<!tpu.dma_semaphore, #tpu.memory_space<semaphore_mem>>)
      %dma_wait3A_97 = arith.constant 0 : i32
      %dma_wait3A_98 = tpu.memref_slice %arg11[%add3A_19, %dma_wait3A_97] : memref<10000x128xf32, #tpu.memory_space<vmem_shared>> -> memref<80x128xf32, #tpu.memory_space<vmem_shared>>
      %dma_wait3A_99 = arith.constant 0 : i32
      %dma_wait3A_100 = tpu.memref_slice %arg11[%add3A_19, %dma_wait3A_99] : memref<10000x128xf32, #tpu.memory_space<vmem_shared>> -> memref<80x128xf32, #tpu.memory_space<vmem_shared>>
      tpu.wait_dma2 semaphore(%run_scoped3A : memref<!tpu.dma_semaphore, #tpu.memory_space<semaphore_mem>>) src(%arg8 : memref<80x128xf32, #tpu.memory_space<vmem>>) dst(%dma_wait3A_100 : memref<80x128xf32, #tpu.memory_space<vmem_shared>>)
      tpu.yield
    }) : () -> ()
    %mul3A_20 = arith.constant 624 : i32
    %mul3A_21 = arith.muli %arg1, %mul3A_20 : i32
    %add3A_22 = arith.constant 320 : i32
    %add3A_23 = arith.addi %mul3A_21, %add3A_22 : i32
    "tpu.region"() ({
      %run_scoped3A = tpu.sem_alloc : memref<!tpu.dma_semaphore, #tpu.memory_space<semaphore_mem>>
      %dma_start3A_93 = arith.constant 0 : i32
      %dma_start3A_94 = tpu.memref_slice %arg11[%add3A_23, %dma_start3A_93] : memref<10000x128xf32, #tpu.memory_space<vmem_shared>> -> memref<80x128xf32, #tpu.memory_space<vmem_shared>>
      %dma_start3A_95 = arith.constant 0 : i32
      %dma_start3A_96 = tpu.memref_slice %arg11[%add3A_23, %dma_start3A_95] : memref<10000x128xf32, #tpu.memory_space<vmem_shared>> -> memref<80x128xf32, #tpu.memory_space<vmem_shared>>
      tpu.enqueue_dma source(%arg8 : memref<80x128xf32, #tpu.memory_space<vmem>>) target(%dma_start3A_96 : memref<80x128xf32, #tpu.memory_space<vmem_shared>>) target_semaphore(%run_scoped3A : memref<!tpu.dma_semaphore, #tpu.memory_space<semaphore_mem>>)
      %dma_wait3A_97 = arith.constant 0 : i32
      %dma_wait3A_98 = tpu.memref_slice %arg11[%add3A_23, %dma_wait3A_97] : memref<10000x128xf32, #tpu.memory_space<vmem_shared>> -> memref<80x128xf32, #tpu.memory_space<vmem_shared>>
      %dma_wait3A_99 = arith.constant 0 : i32
      %dma_wait3A_100 = tpu.memref_slice %arg11[%add3A_23, %dma_wait3A_99] : memref<10000x128xf32, #tpu.memory_space<vmem_shared>> -> memref<80x128xf32, #tpu.memory_space<vmem_shared>>
      tpu.wait_dma2 semaphore(%run_scoped3A : memref<!tpu.dma_semaphore, #tpu.memory_space<semaphore_mem>>) src(%arg8 : memref<80x128xf32, #tpu.memory_space<vmem>>) dst(%dma_wait3A_100 : memref<80x128xf32, #tpu.memory_space<vmem_shared>>)
      tpu.yield
    }) : () -> ()
    %mul3A_24 = arith.constant 624 : i32
    %mul3A_25 = arith.muli %arg1, %mul3A_24 : i32
    %add3A_26 = arith.constant 400 : i32
    %add3A_27 = arith.addi %mul3A_25, %add3A_26 : i32
    "tpu.region"() ({
      %run_scoped3A = tpu.sem_alloc : memref<!tpu.dma_semaphore, #tpu.memory_space<semaphore_mem>>
      %dma_start3A_93 = arith.constant 0 : i32
      %dma_start3A_94 = tpu.memref_slice %arg11[%add3A_27, %dma_start3A_93] : memref<10000x128xf32, #tpu.memory_space<vmem_shared>> -> memref<80x128xf32, #tpu.memory_space<vmem_shared>>
      %dma_start3A_95 = arith.constant 0 : i32
      %dma_start3A_96 = tpu.memref_slice %arg11[%add3A_27, %dma_start3A_95] : memref<10000x128xf32, #tpu.memory_space<vmem_shared>> -> memref<80x128xf32, #tpu.memory_space<vmem_shared>>
      tpu.enqueue_dma source(%arg8 : memref<80x128xf32, #tpu.memory_space<vmem>>) target(%dma_start3A_96 : memref<80x128xf32, #tpu.memory_space<vmem_shared>>) target_semaphore(%run_scoped3A : memref<!tpu.dma_semaphore, #tpu.memory_space<semaphore_mem>>)
      %dma_wait3A_97 = arith.constant 0 : i32
      %dma_wait3A_98 = tpu.memref_slice %arg11[%add3A_27, %dma_wait3A_97] : memref<10000x128xf32, #tpu.memory_space<vmem_shared>> -> memref<80x128xf32, #tpu.memory_space<vmem_shared>>
      %dma_wait3A_99 = arith.constant 0 : i32
      %dma_wait3A_100 = tpu.memref_slice %arg11[%add3A_27, %dma_wait3A_99] : memref<10000x128xf32, #tpu.memory_space<vmem_shared>> -> memref<80x128xf32, #tpu.memory_space<vmem_shared>>
      tpu.wait_dma2 semaphore(%run_scoped3A : memref<!tpu.dma_semaphore, #tpu.memory_space<semaphore_mem>>) src(%arg8 : memref<80x128xf32, #tpu.memory_space<vmem>>) dst(%dma_wait3A_100 : memref<80x128xf32, #tpu.memory_space<vmem_shared>>)
      tpu.yield
    }) : () -> ()
    %mul3A_28 = arith.constant 624 : i32
    %mul3A_29 = arith.muli %arg1, %mul3A_28 : i32
    %add3A_30 = arith.constant 480 : i32
    %add3A_31 = arith.addi %mul3A_29, %add3A_30 : i32
    "tpu.region"() ({
      %run_scoped3A = tpu.sem_alloc : memref<!tpu.dma_semaphore, #tpu.memory_space<semaphore_mem>>
      %dma_start3A_93 = arith.constant 0 : i32
      %dma_start3A_94 = tpu.memref_slice %arg11[%add3A_31, %dma_start3A_93] : memref<10000x128xf32, #tpu.memory_space<vmem_shared>> -> memref<80x128xf32, #tpu.memory_space<vmem_shared>>
      %dma_start3A_95 = arith.constant 0 : i32
      %dma_start3A_96 = tpu.memref_slice %arg11[%add3A_31, %dma_start3A_95] : memref<10000x128xf32, #tpu.memory_space<vmem_shared>> -> memref<80x128xf32, #tpu.memory_space<vmem_shared>>
      tpu.enqueue_dma source(%arg8 : memref<80x128xf32, #tpu.memory_space<vmem>>) target(%dma_start3A_96 : memref<80x128xf32, #tpu.memory_space<vmem_shared>>) target_semaphore(%run_scoped3A : memref<!tpu.dma_semaphore, #tpu.memory_space<semaphore_mem>>)
      %dma_wait3A_97 = arith.constant 0 : i32
      %dma_wait3A_98 = tpu.memref_slice %arg11[%add3A_31, %dma_wait3A_97] : memref<10000x128xf32, #tpu.memory_space<vmem_shared>> -> memref<80x128xf32, #tpu.memory_space<vmem_shared>>
      %dma_wait3A_99 = arith.constant 0 : i32
      %dma_wait3A_100 = tpu.memref_slice %arg11[%add3A_31, %dma_wait3A_99] : memref<10000x128xf32, #tpu.memory_space<vmem_shared>> -> memref<80x128xf32, #tpu.memory_space<vmem_shared>>
      tpu.wait_dma2 semaphore(%run_scoped3A : memref<!tpu.dma_semaphore, #tpu.memory_space<semaphore_mem>>) src(%arg8 : memref<80x128xf32, #tpu.memory_space<vmem>>) dst(%dma_wait3A_100 : memref<80x128xf32, #tpu.memory_space<vmem_shared>>)
      tpu.yield
    }) : () -> ()
    %mul3A_32 = arith.constant 624 : i32
    %mul3A_33 = arith.muli %arg1, %mul3A_32 : i32
    %add3A_34 = arith.constant 560 : i32
    %add3A_35 = arith.addi %mul3A_33, %add3A_34 : i32
    "tpu.region"() ({
      %run_scoped3A = tpu.sem_alloc : memref<!tpu.dma_semaphore, #tpu.memory_space<semaphore_mem>>
      %dma_start3A_93 = arith.constant 0 : i32
      %dma_start3A_94 = arith.constant 0 : i32
      %dma_start3A_95 = tpu.memref_slice %arg8[%dma_start3A_93, %dma_start3A_94] : memref<80x128xf32, #tpu.memory_space<vmem>> -> memref<64x128xf32, #tpu.memory_space<vmem>>
      %dma_start3A_96 = arith.constant 0 : i32
      %dma_start3A_97 = tpu.memref_slice %arg11[%add3A_35, %dma_start3A_96] : memref<10000x128xf32, #tpu.memory_space<vmem_shared>> -> memref<64x128xf32, #tpu.memory_space<vmem_shared>>
      %dma_start3A_98 = arith.constant 0 : i32
      %dma_start3A_99 = tpu.memref_slice %arg11[%add3A_35, %dma_start3A_98] : memref<10000x128xf32, #tpu.memory_space<vmem_shared>> -> memref<64x128xf32, #tpu.memory_space<vmem_shared>>
      %dma_start3A_100 = arith.constant 0 : i32
      %dma_start3A_101 = arith.constant 0 : i32
      %dma_start3A_102 = tpu.memref_slice %arg8[%dma_start3A_100, %dma_start3A_101] : memref<80x128xf32, #tpu.memory_space<vmem>> -> memref<64x128xf32, #tpu.memory_space<vmem>>
      tpu.enqueue_dma source(%dma_start3A_102 : memref<64x128xf32, #tpu.memory_space<vmem>>) target(%dma_start3A_99 : memref<64x128xf32, #tpu.memory_space<vmem_shared>>) target_semaphore(%run_scoped3A : memref<!tpu.dma_semaphore, #tpu.memory_space<semaphore_mem>>)
      %dma_wait3A_103 = arith.constant 0 : i32
      %dma_wait3A_104 = arith.constant 0 : i32
      %dma_wait3A_105 = tpu.memref_slice %arg8[%dma_wait3A_103, %dma_wait3A_104] : memref<80x128xf32, #tpu.memory_space<vmem>> -> memref<64x128xf32, #tpu.memory_space<vmem>>
      %dma_wait3A_106 = arith.constant 0 : i32
      %dma_wait3A_107 = tpu.memref_slice %arg11[%add3A_35, %dma_wait3A_106] : memref<10000x128xf32, #tpu.memory_space<vmem_shared>> -> memref<64x128xf32, #tpu.memory_space<vmem_shared>>
      %dma_wait3A_108 = arith.constant 0 : i32
      %dma_wait3A_109 = tpu.memref_slice %arg11[%add3A_35, %dma_wait3A_108] : memref<10000x128xf32, #tpu.memory_space<vmem_shared>> -> memref<64x128xf32, #tpu.memory_space<vmem_shared>>
      %dma_wait3A_110 = arith.constant 0 : i32
      %dma_wait3A_111 = arith.constant 0 : i32
      %dma_wait3A_112 = tpu.memref_slice %arg8[%dma_wait3A_110, %dma_wait3A_111] : memref<80x128xf32, #tpu.memory_space<vmem>> -> memref<64x128xf32, #tpu.memory_space<vmem>>
      tpu.wait_dma2 semaphore(%run_scoped3A : memref<!tpu.dma_semaphore, #tpu.memory_space<semaphore_mem>>) src(%dma_wait3A_112 : memref<64x128xf32, #tpu.memory_space<vmem>>) dst(%dma_wait3A_109 : memref<64x128xf32, #tpu.memory_space<vmem_shared>>)
      tpu.yield
    }) : () -> ()
    %eq3A = arith.constant 0 : i32
    %eq3A_36 = arith.cmpi eq, %arg1, %eq3A : i32
    %convert_element_type3A = arith.extui %eq3A_36 : i1 to i32
    %cond3A = arith.constant 0 : i32
    %cond3A_37 = arith.cmpi ne, %convert_element_type3A, %cond3A : i32
    scf.if %cond3A_37 {
      "tpu.region"() ({
        %run_scoped3A = tpu.sem_alloc : memref<!tpu.dma_semaphore, #tpu.memory_space<semaphore_mem>>
        %dma_start3A_93 = arith.constant 0 : i32
        %dma_start3A_94 = arith.constant 0 : i32
        %dma_start3A_95 = tpu.memref_slice %arg8[%dma_start3A_93, %dma_start3A_94] : memref<80x128xf32, #tpu.memory_space<vmem>> -> memref<16x128xf32, #tpu.memory_space<vmem>>
        %dma_start3A_96 = arith.constant 9984 : i32
        %dma_start3A_97 = arith.constant 0 : i32
        %dma_start3A_98 = tpu.memref_slice %arg11[%dma_start3A_96, %dma_start3A_97] : memref<10000x128xf32, #tpu.memory_space<vmem_shared>> -> memref<16x128xf32, #tpu.memory_space<vmem_shared>>
        %dma_start3A_99 = arith.constant 9984 : i32
        %dma_start3A_100 = arith.constant 0 : i32
        %dma_start3A_101 = tpu.memref_slice %arg11[%dma_start3A_99, %dma_start3A_100] : memref<10000x128xf32, #tpu.memory_space<vmem_shared>> -> memref<16x128xf32, #tpu.memory_space<vmem_shared>>
        %dma_start3A_102 = arith.constant 0 : i32
        %dma_start3A_103 = arith.constant 0 : i32
        %dma_start3A_104 = tpu.memref_slice %arg8[%dma_start3A_102, %dma_start3A_103] : memref<80x128xf32, #tpu.memory_space<vmem>> -> memref<16x128xf32, #tpu.memory_space<vmem>>
        tpu.enqueue_dma source(%dma_start3A_104 : memref<16x128xf32, #tpu.memory_space<vmem>>) target(%dma_start3A_101 : memref<16x128xf32, #tpu.memory_space<vmem_shared>>) target_semaphore(%run_scoped3A : memref<!tpu.dma_semaphore, #tpu.memory_space<semaphore_mem>>)
        %dma_wait3A_105 = arith.constant 0 : i32
        %dma_wait3A_106 = arith.constant 0 : i32
        %dma_wait3A_107 = tpu.memref_slice %arg8[%dma_wait3A_105, %dma_wait3A_106] : memref<80x128xf32, #tpu.memory_space<vmem>> -> memref<16x128xf32, #tpu.memory_space<vmem>>
        %dma_wait3A_108 = arith.constant 9984 : i32
        %dma_wait3A_109 = arith.constant 0 : i32
        %dma_wait3A_110 = tpu.memref_slice %arg11[%dma_wait3A_108, %dma_wait3A_109] : memref<10000x128xf32, #tpu.memory_space<vmem_shared>> -> memref<16x128xf32, #tpu.memory_space<vmem_shared>>
        %dma_wait3A_111 = arith.constant 9984 : i32
        %dma_wait3A_112 = arith.constant 0 : i32
        %dma_wait3A_113 = tpu.memref_slice %arg11[%dma_wait3A_111, %dma_wait3A_112] : memref<10000x128xf32, #tpu.memory_space<vmem_shared>> -> memref<16x128xf32, #tpu.memory_space<vmem_shared>>
        %dma_wait3A_114 = arith.constant 0 : i32
        %dma_wait3A_115 = arith.constant 0 : i32
        %dma_wait3A_116 = tpu.memref_slice %arg8[%dma_wait3A_114, %dma_wait3A_115] : memref<80x128xf32, #tpu.memory_space<vmem>> -> memref<16x128xf32, #tpu.memory_space<vmem>>
        tpu.wait_dma2 semaphore(%run_scoped3A : memref<!tpu.dma_semaphore, #tpu.memory_space<semaphore_mem>>) src(%dma_wait3A_116 : memref<16x128xf32, #tpu.memory_space<vmem>>) dst(%dma_wait3A_113 : memref<16x128xf32, #tpu.memory_space<vmem_shared>>)
        tpu.yield
      }) : () -> ()
    } else {
    }
    %mul3A_38 = arith.constant 10000 : i32
    %mul3A_39 = arith.muli %arg1, %mul3A_38 : i32
    "tpu.region"() ({
      %run_scoped3A = tpu.sem_alloc : memref<!tpu.dma_semaphore, #tpu.memory_space<semaphore_mem>>
      %dma_start3A_93 = tpu.memref_slice %arg3[%mul3A_39] : memref<160000xi32, #tpu.memory_space<hbm>> -> memref<10000xi32, #tpu.memory_space<hbm>>
      %dma_start3A_94 = tpu.memref_slice %arg3[%mul3A_39] : memref<160000xi32, #tpu.memory_space<hbm>> -> memref<10000xi32, #tpu.memory_space<hbm>>
      tpu.enqueue_dma source(%dma_start3A_94 : memref<10000xi32, #tpu.memory_space<hbm>>) target(%arg6 : memref<10000xi32, #tpu.memory_space<vmem>>) target_semaphore(%run_scoped3A : memref<!tpu.dma_semaphore, #tpu.memory_space<semaphore_mem>>)
      %dma_wait3A_95 = tpu.memref_slice %arg3[%mul3A_39] : memref<160000xi32, #tpu.memory_space<hbm>> -> memref<10000xi32, #tpu.memory_space<hbm>>
      %dma_wait3A_96 = tpu.memref_slice %arg3[%mul3A_39] : memref<160000xi32, #tpu.memory_space<hbm>> -> memref<10000xi32, #tpu.memory_space<hbm>>
      tpu.wait_dma2 semaphore(%run_scoped3A : memref<!tpu.dma_semaphore, #tpu.memory_space<semaphore_mem>>) src(%dma_wait3A_96 : memref<10000xi32, #tpu.memory_space<hbm>>) dst(%arg6 : memref<10000xi32, #tpu.memory_space<vmem>>)
      tpu.yield
    }) : () -> ()
    %mul3A_40 = arith.constant 10000 : i32
    %mul3A_41 = arith.muli %arg1, %mul3A_40 : i32
    "tpu.region"() ({
      %run_scoped3A = tpu.sem_alloc : memref<!tpu.dma_semaphore, #tpu.memory_space<semaphore_mem>>
      %dma_start3A_93 = tpu.memref_slice %arg4[%mul3A_41] : memref<160000xi32, #tpu.memory_space<hbm>> -> memref<10000xi32, #tpu.memory_space<hbm>>
      %dma_start3A_94 = tpu.memref_slice %arg4[%mul3A_41] : memref<160000xi32, #tpu.memory_space<hbm>> -> memref<10000xi32, #tpu.memory_space<hbm>>
      tpu.enqueue_dma source(%dma_start3A_94 : memref<10000xi32, #tpu.memory_space<hbm>>) target(%arg7 : memref<10000xi32, #tpu.memory_space<vmem>>) target_semaphore(%run_scoped3A : memref<!tpu.dma_semaphore, #tpu.memory_space<semaphore_mem>>)
      %dma_wait3A_95 = tpu.memref_slice %arg4[%mul3A_41] : memref<160000xi32, #tpu.memory_space<hbm>> -> memref<10000xi32, #tpu.memory_space<hbm>>
      %dma_wait3A_96 = tpu.memref_slice %arg4[%mul3A_41] : memref<160000xi32, #tpu.memory_space<hbm>> -> memref<10000xi32, #tpu.memory_space<hbm>>
      tpu.wait_dma2 semaphore(%run_scoped3A : memref<!tpu.dma_semaphore, #tpu.memory_space<semaphore_mem>>) src(%dma_wait3A_96 : memref<10000xi32, #tpu.memory_space<hbm>>) dst(%arg7 : memref<10000xi32, #tpu.memory_space<vmem>>)
      tpu.yield
    }) : () -> ()
    %barrier3A = arith.constant 0 : index
    tpu.barrier barrier_id(%barrier3A)
    %dma_start3A = arith.constant 0 : i32
    %dma_start3A_42 = tpu.memref_slice %arg6[%dma_start3A] : memref<10000xi32, #tpu.memory_space<vmem>> -> memref<80xi32, #tpu.memory_space<vmem>>
    %dma_start3A_43 = arith.constant 0 : i32
    %dma_start3A_44 = arith.constant 0 : i32
    %dma_start3A_45 = tpu.memref_slice %arg2[%arg0, %dma_start3A_43, %dma_start3A_44] : memref<2x10000x128xf32, #tpu.memory_space<hbm>> -> memref<1x10000x128xf32, #tpu.memory_space<hbm>>
    %dma_start3A_46 = tpu.memref_squeeze %dma_start3A_45 : memref<1x10000x128xf32, #tpu.memory_space<hbm>> -> memref<10000x128xf32, #tpu.memory_space<hbm>>
    %dma_start3A_47 = arith.constant 0 : i32
    %dma_start3A_48 = arith.constant 0 : i32
    %dma_start3A_49 = tpu.memref_slice %dma_start3A_46[%dma_start3A_47, %dma_start3A_48] : memref<10000x128xf32, #tpu.memory_space<hbm>> -> memref<10000x128xf32, #tpu.memory_space<hbm>>
    tpu.enqueue_indirect_dma source(%dma_start3A_49 : memref<10000x128xf32, #tpu.memory_space<hbm>>) target(%arg8 : memref<80x128xf32, #tpu.memory_space<vmem>>) offsets(%dma_start3A_42 : memref<80xi32, #tpu.memory_space<vmem>>) semaphore(%arg12 : memref<!tpu.dma_semaphore, #tpu.memory_space<semaphore_mem>>)
    %dma_start3A_50 = arith.constant 80 : i32
    %dma_start3A_51 = tpu.memref_slice %arg6[%dma_start3A_50] : memref<10000xi32, #tpu.memory_space<vmem>> -> memref<80xi32, #tpu.memory_space<vmem>>
    %dma_start3A_52 = arith.constant 0 : i32
    %dma_start3A_53 = arith.constant 0 : i32
    %dma_start3A_54 = tpu.memref_slice %arg2[%arg0, %dma_start3A_52, %dma_start3A_53] : memref<2x10000x128xf32, #tpu.memory_space<hbm>> -> memref<1x10000x128xf32, #tpu.memory_space<hbm>>
    %dma_start3A_55 = tpu.memref_squeeze %dma_start3A_54 : memref<1x10000x128xf32, #tpu.memory_space<hbm>> -> memref<10000x128xf32, #tpu.memory_space<hbm>>
    %dma_start3A_56 = arith.constant 0 : i32
    %dma_start3A_57 = arith.constant 0 : i32
    %dma_start3A_58 = tpu.memref_slice %dma_start3A_55[%dma_start3A_56, %dma_start3A_57] : memref<10000x128xf32, #tpu.memory_space<hbm>> -> memref<10000x128xf32, #tpu.memory_space<hbm>>
    tpu.enqueue_indirect_dma source(%dma_start3A_58 : memref<10000x128xf32, #tpu.memory_space<hbm>>) target(%arg9 : memref<80x128xf32, #tpu.memory_space<vmem>>) offsets(%dma_start3A_51 : memref<80xi32, #tpu.memory_space<vmem>>) semaphore(%arg13 : memref<!tpu.dma_semaphore, #tpu.memory_space<semaphore_mem>>)
    %scan3A_59 = arith.constant 0 : i32
    %scan3A_60 = arith.constant 0 : i32
    %scan3A_61 = arith.constant 41 : i32
    %scan3A_62 = arith.addi %scan3A_60, %scan3A_61 : i32
    %scan3A_63 = arith.constant 1 : i32
    %scan3A_64 = scf.for %scan3A_93 = %scan3A_60 to %scan3A_62 step %scan3A_63 iter_args(%scan3A_94 = %scan3A_59) -> (i32)  : i32 {
      %mul3A_95 = arith.constant 3 : i32
      %mul3A_96 = arith.muli %mul3A_95, %scan3A_93 : i32
      %add3A_97 = arith.constant 2 : i32
      %add3A_98 = arith.addi %mul3A_96, %add3A_97 : i32
      %mul3A_99 = arith.constant 80 : i32
      %mul3A_100 = arith.muli %add3A_98, %mul3A_99 : i32
      %dma_start3A_101 = tpu.memref_slice %arg6[%mul3A_100] : memref<10000xi32, #tpu.memory_space<vmem>> -> memref<80xi32, #tpu.memory_space<vmem>>
      %dma_start3A_102 = arith.constant 0 : i32
      %dma_start3A_103 = arith.constant 0 : i32
      %dma_start3A_104 = tpu.memref_slice %arg2[%arg0, %dma_start3A_102, %dma_start3A_103] : memref<2x10000x128xf32, #tpu.memory_space<hbm>> -> memref<1x10000x128xf32, #tpu.memory_space<hbm>>
      %dma_start3A_105 = tpu.memref_squeeze %dma_start3A_104 : memref<1x10000x128xf32, #tpu.memory_space<hbm>> -> memref<10000x128xf32, #tpu.memory_space<hbm>>
      %dma_start3A_106 = arith.constant 0 : i32
      %dma_start3A_107 = arith.constant 0 : i32
      %dma_start3A_108 = tpu.memref_slice %dma_start3A_105[%dma_start3A_106, %dma_start3A_107] : memref<10000x128xf32, #tpu.memory_space<hbm>> -> memref<10000x128xf32, #tpu.memory_space<hbm>>
      tpu.enqueue_indirect_dma source(%dma_start3A_108 : memref<10000x128xf32, #tpu.memory_space<hbm>>) target(%arg10 : memref<80x128xf32, #tpu.memory_space<vmem>>) offsets(%dma_start3A_101 : memref<80xi32, #tpu.memory_space<vmem>>) semaphore(%arg14 : memref<!tpu.dma_semaphore, #tpu.memory_space<semaphore_mem>>)
      %mul3A_109 = arith.constant 80 : i32
      %mul3A_110 = arith.muli %mul3A_96, %mul3A_109 : i32
      %dma_wait3A_111 = tpu.memref_slice %arg6[%mul3A_110] : memref<10000xi32, #tpu.memory_space<vmem>> -> memref<80xi32, #tpu.memory_space<vmem>>
      %dma_wait3A_112 = arith.constant 0 : i32
      %dma_wait3A_113 = arith.constant 0 : i32
      %dma_wait3A_114 = tpu.memref_slice %arg2[%arg0, %dma_wait3A_112, %dma_wait3A_113] : memref<2x10000x128xf32, #tpu.memory_space<hbm>> -> memref<1x10000x128xf32, #tpu.memory_space<hbm>>
      %dma_wait3A_115 = tpu.memref_squeeze %dma_wait3A_114 : memref<1x10000x128xf32, #tpu.memory_space<hbm>> -> memref<10000x128xf32, #tpu.memory_space<hbm>>
      %dma_wait3A_116 = arith.constant 0 : i32
      %dma_wait3A_117 = arith.constant 0 : i32
      %dma_wait3A_118 = tpu.memref_slice %dma_wait3A_115[%dma_wait3A_116, %dma_wait3A_117] : memref<10000x128xf32, #tpu.memory_space<hbm>> -> memref<10000x128xf32, #tpu.memory_space<hbm>>
      tpu.wait_indirect_dma semaphore(%arg12 : memref<!tpu.dma_semaphore, #tpu.memory_space<semaphore_mem>>) src(%dma_wait3A_118 : memref<10000x128xf32, #tpu.memory_space<hbm>>) dst(%arg8 : memref<80x128xf32, #tpu.memory_space<vmem>>)
      %mul3A_119 = arith.constant 80 : i32
      %mul3A_120 = arith.muli %mul3A_96, %mul3A_119 : i32
      "tpu.region"() ({
        %run_scoped3A = tpu.sem_alloc : memref<!tpu.dma_semaphore, #tpu.memory_space<semaphore_mem>>
        %dma_start3A_178 = tpu.memref_slice %arg7[%mul3A_120] : memref<10000xi32, #tpu.memory_space<vmem>> -> memref<80xi32, #tpu.memory_space<vmem>>
        %dma_start3A_179 = arith.constant 0 : i32
        %dma_start3A_180 = arith.constant 0 : i32
        %dma_start3A_181 = tpu.memref_slice %arg11[%dma_start3A_179, %dma_start3A_180] : memref<10000x128xf32, #tpu.memory_space<vmem_shared>> -> memref<10000x128xf32, #tpu.memory_space<vmem_shared>>
        tpu.enqueue_indirect_dma source(%arg8 : memref<80x128xf32, #tpu.memory_space<vmem>>) target(%dma_start3A_181 : memref<10000x128xf32, #tpu.memory_space<vmem_shared>>) offsets(%dma_start3A_178 : memref<80xi32, #tpu.memory_space<vmem>>) semaphore(%run_scoped3A : memref<!tpu.dma_semaphore, #tpu.memory_space<semaphore_mem>>) {add = true}
        %dma_wait3A_182 = tpu.memref_slice %arg7[%mul3A_120] : memref<10000xi32, #tpu.memory_space<vmem>> -> memref<80xi32, #tpu.memory_space<vmem>>
        %dma_wait3A_183 = arith.constant 0 : i32
        %dma_wait3A_184 = arith.constant 0 : i32
        %dma_wait3A_185 = tpu.memref_slice %arg11[%dma_wait3A_183, %dma_wait3A_184] : memref<10000x128xf32, #tpu.memory_space<vmem_shared>> -> memref<10000x128xf32, #tpu.memory_space<vmem_shared>>
        tpu.wait_indirect_dma semaphore(%run_scoped3A : memref<!tpu.dma_semaphore, #tpu.memory_space<semaphore_mem>>) src(%arg8 : memref<80x128xf32, #tpu.memory_space<vmem>>) dst(%dma_wait3A_185 : memref<10000x128xf32, #tpu.memory_space<vmem_shared>>)
        tpu.yield
      }) : () -> ()
      %add3A_121 = arith.constant 3 : i32
      %add3A_122 = arith.addi %mul3A_96, %add3A_121 : i32
      %mul3A_123 = arith.constant 80 : i32
      %mul3A_124 = arith.muli %add3A_122, %mul3A_123 : i32
      %dma_start3A_125 = tpu.memref_slice %arg6[%mul3A_124] : memref<10000xi32, #tpu.memory_space<vmem>> -> memref<80xi32, #tpu.memory_space<vmem>>
      %dma_start3A_126 = arith.constant 0 : i32
      %dma_start3A_127 = arith.constant 0 : i32
      %dma_start3A_128 = tpu.memref_slice %arg2[%arg0, %dma_start3A_126, %dma_start3A_127] : memref<2x10000x128xf32, #tpu.memory_space<hbm>> -> memref<1x10000x128xf32, #tpu.memory_space<hbm>>
      %dma_start3A_129 = tpu.memref_squeeze %dma_start3A_128 : memref<1x10000x128xf32, #tpu.memory_space<hbm>> -> memref<10000x128xf32, #tpu.memory_space<hbm>>
      %dma_start3A_130 = arith.constant 0 : i32
      %dma_start3A_131 = arith.constant 0 : i32
      %dma_start3A_132 = tpu.memref_slice %dma_start3A_129[%dma_start3A_130, %dma_start3A_131] : memref<10000x128xf32, #tpu.memory_space<hbm>> -> memref<10000x128xf32, #tpu.memory_space<hbm>>
      tpu.enqueue_indirect_dma source(%dma_start3A_132 : memref<10000x128xf32, #tpu.memory_space<hbm>>) target(%arg8 : memref<80x128xf32, #tpu.memory_space<vmem>>) offsets(%dma_start3A_125 : memref<80xi32, #tpu.memory_space<vmem>>) semaphore(%arg12 : memref<!tpu.dma_semaphore, #tpu.memory_space<semaphore_mem>>)
      %add3A_133 = arith.constant 1 : i32
      %add3A_134 = arith.addi %mul3A_96, %add3A_133 : i32
      %mul3A_135 = arith.constant 80 : i32
      %mul3A_136 = arith.muli %add3A_134, %mul3A_135 : i32
      %dma_wait3A_137 = tpu.memref_slice %arg6[%mul3A_136] : memref<10000xi32, #tpu.memory_space<vmem>> -> memref<80xi32, #tpu.memory_space<vmem>>
      %dma_wait3A_138 = arith.constant 0 : i32
      %dma_wait3A_139 = arith.constant 0 : i32
      %dma_wait3A_140 = tpu.memref_slice %arg2[%arg0, %dma_wait3A_138, %dma_wait3A_139] : memref<2x10000x128xf32, #tpu.memory_space<hbm>> -> memref<1x10000x128xf32, #tpu.memory_space<hbm>>
      %dma_wait3A_141 = tpu.memref_squeeze %dma_wait3A_140 : memref<1x10000x128xf32, #tpu.memory_space<hbm>> -> memref<10000x128xf32, #tpu.memory_space<hbm>>
      %dma_wait3A_142 = arith.constant 0 : i32
      %dma_wait3A_143 = arith.constant 0 : i32
      %dma_wait3A_144 = tpu.memref_slice %dma_wait3A_141[%dma_wait3A_142, %dma_wait3A_143] : memref<10000x128xf32, #tpu.memory_space<hbm>> -> memref<10000x128xf32, #tpu.memory_space<hbm>>
      tpu.wait_indirect_dma semaphore(%arg13 : memref<!tpu.dma_semaphore, #tpu.memory_space<semaphore_mem>>) src(%dma_wait3A_144 : memref<10000x128xf32, #tpu.memory_space<hbm>>) dst(%arg9 : memref<80x128xf32, #tpu.memory_space<vmem>>)
      %add3A_145 = arith.constant 1 : i32
      %add3A_146 = arith.addi %mul3A_96, %add3A_145 : i32
      %mul3A_147 = arith.constant 80 : i32
      %mul3A_148 = arith.muli %add3A_146, %mul3A_147 : i32
      "tpu.region"() ({
        %run_scoped3A = tpu.sem_alloc : memref<!tpu.dma_semaphore, #tpu.memory_space<semaphore_mem>>
        %dma_start3A_178 = tpu.memref_slice %arg7[%mul3A_148] : memref<10000xi32, #tpu.memory_space<vmem>> -> memref<80xi32, #tpu.memory_space<vmem>>
        %dma_start3A_179 = arith.constant 0 : i32
        %dma_start3A_180 = arith.constant 0 : i32
        %dma_start3A_181 = tpu.memref_slice %arg11[%dma_start3A_179, %dma_start3A_180] : memref<10000x128xf32, #tpu.memory_space<vmem_shared>> -> memref<10000x128xf32, #tpu.memory_space<vmem_shared>>
        tpu.enqueue_indirect_dma source(%arg9 : memref<80x128xf32, #tpu.memory_space<vmem>>) target(%dma_start3A_181 : memref<10000x128xf32, #tpu.memory_space<vmem_shared>>) offsets(%dma_start3A_178 : memref<80xi32, #tpu.memory_space<vmem>>) semaphore(%run_scoped3A : memref<!tpu.dma_semaphore, #tpu.memory_space<semaphore_mem>>) {add = true}
        %dma_wait3A_182 = tpu.memref_slice %arg7[%mul3A_148] : memref<10000xi32, #tpu.memory_space<vmem>> -> memref<80xi32, #tpu.memory_space<vmem>>
        %dma_wait3A_183 = arith.constant 0 : i32
        %dma_wait3A_184 = arith.constant 0 : i32
        %dma_wait3A_185 = tpu.memref_slice %arg11[%dma_wait3A_183, %dma_wait3A_184] : memref<10000x128xf32, #tpu.memory_space<vmem_shared>> -> memref<10000x128xf32, #tpu.memory_space<vmem_shared>>
        tpu.wait_indirect_dma semaphore(%run_scoped3A : memref<!tpu.dma_semaphore, #tpu.memory_space<semaphore_mem>>) src(%arg9 : memref<80x128xf32, #tpu.memory_space<vmem>>) dst(%dma_wait3A_185 : memref<10000x128xf32, #tpu.memory_space<vmem_shared>>)
        tpu.yield
      }) : () -> ()
      %add3A_149 = arith.constant 4 : i32
      %add3A_150 = arith.addi %mul3A_96, %add3A_149 : i32
      %mul3A_151 = arith.constant 80 : i32
      %mul3A_152 = arith.muli %add3A_150, %mul3A_151 : i32
      %dma_start3A_153 = tpu.memref_slice %arg6[%mul3A_152] : memref<10000xi32, #tpu.memory_space<vmem>> -> memref<80xi32, #tpu.memory_space<vmem>>
      %dma_start3A_154 = arith.constant 0 : i32
      %dma_start3A_155 = arith.constant 0 : i32
      %dma_start3A_156 = tpu.memref_slice %arg2[%arg0, %dma_start3A_154, %dma_start3A_155] : memref<2x10000x128xf32, #tpu.memory_space<hbm>> -> memref<1x10000x128xf32, #tpu.memory_space<hbm>>
      %dma_start3A_157 = tpu.memref_squeeze %dma_start3A_156 : memref<1x10000x128xf32, #tpu.memory_space<hbm>> -> memref<10000x128xf32, #tpu.memory_space<hbm>>
      %dma_start3A_158 = arith.constant 0 : i32
      %dma_start3A_159 = arith.constant 0 : i32
      %dma_start3A_160 = tpu.memref_slice %dma_start3A_157[%dma_start3A_158, %dma_start3A_159] : memref<10000x128xf32, #tpu.memory_space<hbm>> -> memref<10000x128xf32, #tpu.memory_space<hbm>>
      tpu.enqueue_indirect_dma source(%dma_start3A_160 : memref<10000x128xf32, #tpu.memory_space<hbm>>) target(%arg9 : memref<80x128xf32, #tpu.memory_space<vmem>>) offsets(%dma_start3A_153 : memref<80xi32, #tpu.memory_space<vmem>>) semaphore(%arg13 : memref<!tpu.dma_semaphore, #tpu.memory_space<semaphore_mem>>)
      %add3A_161 = arith.constant 2 : i32
      %add3A_162 = arith.addi %mul3A_96, %add3A_161 : i32
      %mul3A_163 = arith.constant 80 : i32
      %mul3A_164 = arith.muli %add3A_162, %mul3A_163 : i32
      %dma_wait3A_165 = tpu.memref_slice %arg6[%mul3A_164] : memref<10000xi32, #tpu.memory_space<vmem>> -> memref<80xi32, #tpu.memory_space<vmem>>
      %dma_wait3A_166 = arith.constant 0 : i32
      %dma_wait3A_167 = arith.constant 0 : i32
      %dma_wait3A_168 = tpu.memref_slice %arg2[%arg0, %dma_wait3A_166, %dma_wait3A_167] : memref<2x10000x128xf32, #tpu.memory_space<hbm>> -> memref<1x10000x128xf32, #tpu.memory_space<hbm>>
      %dma_wait3A_169 = tpu.memref_squeeze %dma_wait3A_168 : memref<1x10000x128xf32, #tpu.memory_space<hbm>> -> memref<10000x128xf32, #tpu.memory_space<hbm>>
      %dma_wait3A_170 = arith.constant 0 : i32
      %dma_wait3A_171 = arith.constant 0 : i32
      %dma_wait3A_172 = tpu.memref_slice %dma_wait3A_169[%dma_wait3A_170, %dma_wait3A_171] : memref<10000x128xf32, #tpu.memory_space<hbm>> -> memref<10000x128xf32, #tpu.memory_space<hbm>>
      tpu.wait_indirect_dma semaphore(%arg14 : memref<!tpu.dma_semaphore, #tpu.memory_space<semaphore_mem>>) src(%dma_wait3A_172 : memref<10000x128xf32, #tpu.memory_space<hbm>>) dst(%arg10 : memref<80x128xf32, #tpu.memory_space<vmem>>)
      %add3A_173 = arith.constant 2 : i32
      %add3A_174 = arith.addi %mul3A_96, %add3A_173 : i32
      %mul3A_175 = arith.constant 80 : i32
      %mul3A_176 = arith.muli %add3A_174, %mul3A_175 : i32
      "tpu.region"() ({
        %run_scoped3A = tpu.sem_alloc : memref<!tpu.dma_semaphore, #tpu.memory_space<semaphore_mem>>
        %dma_start3A_178 = tpu.memref_slice %arg7[%mul3A_176] : memref<10000xi32, #tpu.memory_space<vmem>> -> memref<80xi32, #tpu.memory_space<vmem>>
        %dma_start3A_179 = arith.constant 0 : i32
        %dma_start3A_180 = arith.constant 0 : i32
        %dma_start3A_181 = tpu.memref_slice %arg11[%dma_start3A_179, %dma_start3A_180] : memref<10000x128xf32, #tpu.memory_space<vmem_shared>> -> memref<10000x128xf32, #tpu.memory_space<vmem_shared>>
        tpu.enqueue_indirect_dma source(%arg10 : memref<80x128xf32, #tpu.memory_space<vmem>>) target(%dma_start3A_181 : memref<10000x128xf32, #tpu.memory_space<vmem_shared>>) offsets(%dma_start3A_178 : memref<80xi32, #tpu.memory_space<vmem>>) semaphore(%run_scoped3A : memref<!tpu.dma_semaphore, #tpu.memory_space<semaphore_mem>>) {add = true}
        %dma_wait3A_182 = tpu.memref_slice %arg7[%mul3A_176] : memref<10000xi32, #tpu.memory_space<vmem>> -> memref<80xi32, #tpu.memory_space<vmem>>
        %dma_wait3A_183 = arith.constant 0 : i32
        %dma_wait3A_184 = arith.constant 0 : i32
        %dma_wait3A_185 = tpu.memref_slice %arg11[%dma_wait3A_183, %dma_wait3A_184] : memref<10000x128xf32, #tpu.memory_space<vmem_shared>> -> memref<10000x128xf32, #tpu.memory_space<vmem_shared>>
        tpu.wait_indirect_dma semaphore(%run_scoped3A : memref<!tpu.dma_semaphore, #tpu.memory_space<semaphore_mem>>) src(%arg10 : memref<80x128xf32, #tpu.memory_space<vmem>>) dst(%dma_wait3A_185 : memref<10000x128xf32, #tpu.memory_space<vmem_shared>>)
        tpu.yield
      }) : () -> ()
      %scan3A_177 = arith.constant 0 : i32
      scf.yield %scan3A_177 : i32
    }
    %scan3A_65 = arith.constant 41 : i32
    %dma_wait3A = arith.constant 9840 : i32
    %dma_wait3A_66 = tpu.memref_slice %arg6[%dma_wait3A] : memref<10000xi32, #tpu.memory_space<vmem>> -> memref<80xi32, #tpu.memory_space<vmem>>
    %dma_wait3A_67 = arith.constant 0 : i32
    %dma_wait3A_68 = arith.constant 0 : i32
    %dma_wait3A_69 = tpu.memref_slice %arg2[%arg0, %dma_wait3A_67, %dma_wait3A_68] : memref<2x10000x128xf32, #tpu.memory_space<hbm>> -> memref<1x10000x128xf32, #tpu.memory_space<hbm>>
    %dma_wait3A_70 = tpu.memref_squeeze %dma_wait3A_69 : memref<1x10000x128xf32, #tpu.memory_space<hbm>> -> memref<10000x128xf32, #tpu.memory_space<hbm>>
    %dma_wait3A_71 = arith.constant 0 : i32
    %dma_wait3A_72 = arith.constant 0 : i32
    %dma_wait3A_73 = tpu.memref_slice %dma_wait3A_70[%dma_wait3A_71, %dma_wait3A_72] : memref<10000x128xf32, #tpu.memory_space<hbm>> -> memref<10000x128xf32, #tpu.memory_space<hbm>>
    tpu.wait_indirect_dma semaphore(%arg12 : memref<!tpu.dma_semaphore, #tpu.memory_space<semaphore_mem>>) src(%dma_wait3A_73 : memref<10000x128xf32, #tpu.memory_space<hbm>>) dst(%arg8 : memref<80x128xf32, #tpu.memory_space<vmem>>)
    "tpu.region"() ({
      %run_scoped3A = tpu.sem_alloc : memref<!tpu.dma_semaphore, #tpu.memory_space<semaphore_mem>>
      %dma_start3A_93 = arith.constant 9840 : i32
      %dma_start3A_94 = tpu.memref_slice %arg7[%dma_start3A_93] : memref<10000xi32, #tpu.memory_space<vmem>> -> memref<80xi32, #tpu.memory_space<vmem>>
      %dma_start3A_95 = arith.constant 0 : i32
      %dma_start3A_96 = arith.constant 0 : i32
      %dma_start3A_97 = tpu.memref_slice %arg11[%dma_start3A_95, %dma_start3A_96] : memref<10000x128xf32, #tpu.memory_space<vmem_shared>> -> memref<10000x128xf32, #tpu.memory_space<vmem_shared>>
      tpu.enqueue_indirect_dma source(%arg8 : memref<80x128xf32, #tpu.memory_space<vmem>>) target(%dma_start3A_97 : memref<10000x128xf32, #tpu.memory_space<vmem_shared>>) offsets(%dma_start3A_94 : memref<80xi32, #tpu.memory_space<vmem>>) semaphore(%run_scoped3A : memref<!tpu.dma_semaphore, #tpu.memory_space<semaphore_mem>>) {add = true}
      %dma_wait3A_98 = arith.constant 9840 : i32
      %dma_wait3A_99 = tpu.memref_slice %arg7[%dma_wait3A_98] : memref<10000xi32, #tpu.memory_space<vmem>> -> memref<80xi32, #tpu.memory_space<vmem>>
      %dma_wait3A_100 = arith.constant 0 : i32
      %dma_wait3A_101 = arith.constant 0 : i32
      %dma_wait3A_102 = tpu.memref_slice %arg11[%dma_wait3A_100, %dma_wait3A_101] : memref<10000x128xf32, #tpu.memory_space<vmem_shared>> -> memref<10000x128xf32, #tpu.memory_space<vmem_shared>>
      tpu.wait_indirect_dma semaphore(%run_scoped3A : memref<!tpu.dma_semaphore, #tpu.memory_space<semaphore_mem>>) src(%arg8 : memref<80x128xf32, #tpu.memory_space<vmem>>) dst(%dma_wait3A_102 : memref<10000x128xf32, #tpu.memory_space<vmem_shared>>)
      tpu.yield
    }) : () -> ()
    %dma_wait3A_74 = arith.constant 9920 : i32
    %dma_wait3A_75 = tpu.memref_slice %arg6[%dma_wait3A_74] : memref<10000xi32, #tpu.memory_space<vmem>> -> memref<80xi32, #tpu.memory_space<vmem>>
    %dma_wait3A_76 = arith.constant 0 : i32
    %dma_wait3A_77 = arith.constant 0 : i32
    %dma_wait3A_78 = tpu.memref_slice %arg2[%arg0, %dma_wait3A_76, %dma_wait3A_77] : memref<2x10000x128xf32, #tpu.memory_space<hbm>> -> memref<1x10000x128xf32, #tpu.memory_space<hbm>>
    %dma_wait3A_79 = tpu.memref_squeeze %dma_wait3A_78 : memref<1x10000x128xf32, #tpu.memory_space<hbm>> -> memref<10000x128xf32, #tpu.memory_space<hbm>>
    %dma_wait3A_80 = arith.constant 0 : i32
    %dma_wait3A_81 = arith.constant 0 : i32
    %dma_wait3A_82 = tpu.memref_slice %dma_wait3A_79[%dma_wait3A_80, %dma_wait3A_81] : memref<10000x128xf32, #tpu.memory_space<hbm>> -> memref<10000x128xf32, #tpu.memory_space<hbm>>
    tpu.wait_indirect_dma semaphore(%arg13 : memref<!tpu.dma_semaphore, #tpu.memory_space<semaphore_mem>>) src(%dma_wait3A_82 : memref<10000x128xf32, #tpu.memory_space<hbm>>) dst(%arg9 : memref<80x128xf32, #tpu.memory_space<vmem>>)
    "tpu.region"() ({
      %run_scoped3A = tpu.sem_alloc : memref<!tpu.dma_semaphore, #tpu.memory_space<semaphore_mem>>
      %dma_start3A_93 = arith.constant 9920 : i32
      %dma_start3A_94 = tpu.memref_slice %arg7[%dma_start3A_93] : memref<10000xi32, #tpu.memory_space<vmem>> -> memref<80xi32, #tpu.memory_space<vmem>>
      %dma_start3A_95 = arith.constant 0 : i32
      %dma_start3A_96 = arith.constant 0 : i32
      %dma_start3A_97 = tpu.memref_slice %arg11[%dma_start3A_95, %dma_start3A_96] : memref<10000x128xf32, #tpu.memory_space<vmem_shared>> -> memref<10000x128xf32, #tpu.memory_space<vmem_shared>>
      tpu.enqueue_indirect_dma source(%arg9 : memref<80x128xf32, #tpu.memory_space<vmem>>) target(%dma_start3A_97 : memref<10000x128xf32, #tpu.memory_space<vmem_shared>>) offsets(%dma_start3A_94 : memref<80xi32, #tpu.memory_space<vmem>>) semaphore(%run_scoped3A : memref<!tpu.dma_semaphore, #tpu.memory_space<semaphore_mem>>) {add = true}
      %dma_wait3A_98 = arith.constant 9920 : i32
      %dma_wait3A_99 = tpu.memref_slice %arg7[%dma_wait3A_98] : memref<10000xi32, #tpu.memory_space<vmem>> -> memref<80xi32, #tpu.memory_space<vmem>>
      %dma_wait3A_100 = arith.constant 0 : i32
      %dma_wait3A_101 = arith.constant 0 : i32
      %dma_wait3A_102 = tpu.memref_slice %arg11[%dma_wait3A_100, %dma_wait3A_101] : memref<10000x128xf32, #tpu.memory_space<vmem_shared>> -> memref<10000x128xf32, #tpu.memory_space<vmem_shared>>
      tpu.wait_indirect_dma semaphore(%run_scoped3A : memref<!tpu.dma_semaphore, #tpu.memory_space<semaphore_mem>>) src(%arg9 : memref<80x128xf32, #tpu.memory_space<vmem>>) dst(%dma_wait3A_102 : memref<10000x128xf32, #tpu.memory_space<vmem_shared>>)
      tpu.yield
    }) : () -> ()
    %barrier3A_83 = arith.constant 0 : index
    tpu.barrier barrier_id(%barrier3A_83)
    %mul3A_84 = arith.constant 624 : i32
    %mul3A_85 = arith.muli %arg1, %mul3A_84 : i32
    %mul3A_86 = arith.constant 624 : i32
    %mul3A_87 = arith.muli %arg1, %mul3A_86 : i32
    "tpu.region"() ({
      %run_scoped3A = tpu.sem_alloc : memref<!tpu.dma_semaphore, #tpu.memory_space<semaphore_mem>>
      %dma_start3A_93 = arith.constant 0 : i32
      %dma_start3A_94 = arith.constant 0 : i32
      %dma_start3A_95 = tpu.memref_slice %arg5[%arg0, %dma_start3A_93, %dma_start3A_94] : memref<2x10000x128xf32, #tpu.memory_space<hbm>> -> memref<1x10000x128xf32, #tpu.memory_space<hbm>>
      %dma_start3A_96 = tpu.memref_squeeze %dma_start3A_95 : memref<1x10000x128xf32, #tpu.memory_space<hbm>> -> memref<10000x128xf32, #tpu.memory_space<hbm>>
      %dma_start3A_97 = arith.constant 0 : i32
      %dma_start3A_98 = tpu.memref_slice %dma_start3A_96[%mul3A_87, %dma_start3A_97] : memref<10000x128xf32, #tpu.memory_space<hbm>> -> memref<624x128xf32, #tpu.memory_space<hbm>>
      %dma_start3A_99 = arith.constant 0 : i32
      %dma_start3A_100 = tpu.memref_slice %arg11[%mul3A_85, %dma_start3A_99] : memref<10000x128xf32, #tpu.memory_space<vmem_shared>> -> memref<624x128xf32, #tpu.memory_space<vmem_shared>>
      tpu.enqueue_dma source(%dma_start3A_100 : memref<624x128xf32, #tpu.memory_space<vmem_shared>>) target(%dma_start3A_98 : memref<624x128xf32, #tpu.memory_space<hbm>>) target_semaphore(%run_scoped3A : memref<!tpu.dma_semaphore, #tpu.memory_space<semaphore_mem>>)
      %dma_wait3A_101 = arith.constant 0 : i32
      %dma_wait3A_102 = arith.constant 0 : i32
      %dma_wait3A_103 = tpu.memref_slice %arg5[%arg0, %dma_wait3A_101, %dma_wait3A_102] : memref<2x10000x128xf32, #tpu.memory_space<hbm>> -> memref<1x10000x128xf32, #tpu.memory_space<hbm>>
      %dma_wait3A_104 = tpu.memref_squeeze %dma_wait3A_103 : memref<1x10000x128xf32, #tpu.memory_space<hbm>> -> memref<10000x128xf32, #tpu.memory_space<hbm>>
      %dma_wait3A_105 = arith.constant 0 : i32
      %dma_wait3A_106 = tpu.memref_slice %dma_wait3A_104[%mul3A_87, %dma_wait3A_105] : memref<10000x128xf32, #tpu.memory_space<hbm>> -> memref<624x128xf32, #tpu.memory_space<hbm>>
      %dma_wait3A_107 = arith.constant 0 : i32
      %dma_wait3A_108 = tpu.memref_slice %arg11[%mul3A_85, %dma_wait3A_107] : memref<10000x128xf32, #tpu.memory_space<vmem_shared>> -> memref<624x128xf32, #tpu.memory_space<vmem_shared>>
      tpu.wait_dma2 semaphore(%run_scoped3A : memref<!tpu.dma_semaphore, #tpu.memory_space<semaphore_mem>>) src(%dma_wait3A_108 : memref<624x128xf32, #tpu.memory_space<vmem_shared>>) dst(%dma_wait3A_106 : memref<624x128xf32, #tpu.memory_space<hbm>>)
      tpu.yield
    }) : () -> ()
    %eq3A_88 = arith.constant 0 : i32
    %eq3A_89 = arith.cmpi eq, %arg1, %eq3A_88 : i32
    %convert_element_type3A_90 = arith.extui %eq3A_89 : i1 to i32
    %cond3A_91 = arith.constant 0 : i32
    %cond3A_92 = arith.cmpi ne, %convert_element_type3A_90, %cond3A_91 : i32
    scf.if %cond3A_92 {
      "tpu.region"() ({
        %run_scoped3A = tpu.sem_alloc : memref<!tpu.dma_semaphore, #tpu.memory_space<semaphore_mem>>
        %dma_start3A_93 = arith.constant 0 : i32
        %dma_start3A_94 = arith.constant 0 : i32
        %dma_start3A_95 = tpu.memref_slice %arg5[%arg0, %dma_start3A_93, %dma_start3A_94] : memref<2x10000x128xf32, #tpu.memory_space<hbm>> -> memref<1x10000x128xf32, #tpu.memory_space<hbm>>
        %dma_start3A_96 = tpu.memref_squeeze %dma_start3A_95 : memref<1x10000x128xf32, #tpu.memory_space<hbm>> -> memref<10000x128xf32, #tpu.memory_space<hbm>>
        %dma_start3A_97 = arith.constant 9984 : i32
        %dma_start3A_98 = arith.constant 0 : i32
        %dma_start3A_99 = tpu.memref_slice %dma_start3A_96[%dma_start3A_97, %dma_start3A_98] : memref<10000x128xf32, #tpu.memory_space<hbm>> -> memref<16x128xf32, #tpu.memory_space<hbm>>
        %dma_start3A_100 = arith.constant 9984 : i32
        %dma_start3A_101 = arith.constant 0 : i32
        %dma_start3A_102 = tpu.memref_slice %arg11[%dma_start3A_100, %dma_start3A_101] : memref<10000x128xf32, #tpu.memory_space<vmem_shared>> -> memref<16x128xf32, #tpu.memory_space<vmem_shared>>
        tpu.enqueue_dma source(%dma_start3A_102 : memref<16x128xf32, #tpu.memory_space<vmem_shared>>) target(%dma_start3A_99 : memref<16x128xf32, #tpu.memory_space<hbm>>) target_semaphore(%run_scoped3A : memref<!tpu.dma_semaphore, #tpu.memory_space<semaphore_mem>>)
        %dma_wait3A_103 = arith.constant 0 : i32
        %dma_wait3A_104 = arith.constant 0 : i32
        %dma_wait3A_105 = tpu.memref_slice %arg5[%arg0, %dma_wait3A_103, %dma_wait3A_104] : memref<2x10000x128xf32, #tpu.memory_space<hbm>> -> memref<1x10000x128xf32, #tpu.memory_space<hbm>>
        %dma_wait3A_106 = tpu.memref_squeeze %dma_wait3A_105 : memref<1x10000x128xf32, #tpu.memory_space<hbm>> -> memref<10000x128xf32, #tpu.memory_space<hbm>>
        %dma_wait3A_107 = arith.constant 9984 : i32
        %dma_wait3A_108 = arith.constant 0 : i32
        %dma_wait3A_109 = tpu.memref_slice %dma_wait3A_106[%dma_wait3A_107, %dma_wait3A_108] : memref<10000x128xf32, #tpu.memory_space<hbm>> -> memref<16x128xf32, #tpu.memory_space<hbm>>
        %dma_wait3A_110 = arith.constant 9984 : i32
        %dma_wait3A_111 = arith.constant 0 : i32
        %dma_wait3A_112 = tpu.memref_slice %arg11[%dma_wait3A_110, %dma_wait3A_111] : memref<10000x128xf32, #tpu.memory_space<vmem_shared>> -> memref<16x128xf32, #tpu.memory_space<vmem_shared>>
        tpu.wait_dma2 semaphore(%run_scoped3A : memref<!tpu.dma_semaphore, #tpu.memory_space<semaphore_mem>>) src(%dma_wait3A_112 : memref<16x128xf32, #tpu.memory_space<vmem_shared>>) dst(%dma_wait3A_109 : memref<16x128xf32, #tpu.memory_space<hbm>>)
        tpu.yield
      }) : () -> ()
    } else {
    }
    return
  }
}

#map = affine_map<(d0, d1) -> (0)>
module attributes {stable_mosaic.version = 14 : i64} {
  func.func @_deg_kernel(%arg0: i32, %arg1: i32, %arg2: memref<160000xi32, #tpu.memory_space<hbm>>, %arg3: memref<10000xf32, #tpu.memory_space<hbm>>, %arg4: memref<40xf32, #tpu.memory_space<hbm>>, %arg5: memref<20000xf32, #tpu.memory_space<hbm>>, %arg6: memref<5000xi32, #tpu.memory_space<vmem>>, %arg7: memref<40xf32, #tpu.memory_space<vmem>>, %arg8: memref<624xf32, #tpu.memory_space<vmem>>, %arg9: memref<10000xf32, #tpu.memory_space<vmem_shared>>, %arg10: memref<!tpu.dma_semaphore, #tpu.memory_space<semaphore_mem>>) attributes {dimension_semantics = [#tpu.dimension_semantics<core_parallel>, #tpu.dimension_semantics<subcore_parallel>], iteration_bounds = array<i64: 2, 16>, scalar_prefetch = 0 : i64, scratch_operands = 5 : i64, tpu.core_type = #tpu.core_type<sc_vector_subcore>, window_params = [{transform_indices = #map}, {transform_indices = #map}, {transform_indices = #map}, {transform_indices = #map}]} {
    "tpu.region"() ({
      %run_scoped3A = tpu.sem_alloc : memref<!tpu.dma_semaphore, #tpu.memory_space<semaphore_mem>>
      %dma_start3A = arith.constant 0 : i32
      %dma_start3A_26 = tpu.memref_slice %arg3[%dma_start3A] : memref<10000xf32, #tpu.memory_space<hbm>> -> memref<624xf32, #tpu.memory_space<hbm>>
      %dma_start3A_27 = arith.constant 0 : i32
      %dma_start3A_28 = tpu.memref_slice %arg3[%dma_start3A_27] : memref<10000xf32, #tpu.memory_space<hbm>> -> memref<624xf32, #tpu.memory_space<hbm>>
      tpu.enqueue_dma source(%dma_start3A_28 : memref<624xf32, #tpu.memory_space<hbm>>) target(%arg8 : memref<624xf32, #tpu.memory_space<vmem>>) target_semaphore(%run_scoped3A : memref<!tpu.dma_semaphore, #tpu.memory_space<semaphore_mem>>)
      %dma_wait3A = arith.constant 0 : i32
      %dma_wait3A_29 = tpu.memref_slice %arg3[%dma_wait3A] : memref<10000xf32, #tpu.memory_space<hbm>> -> memref<624xf32, #tpu.memory_space<hbm>>
      %dma_wait3A_30 = arith.constant 0 : i32
      %dma_wait3A_31 = tpu.memref_slice %arg3[%dma_wait3A_30] : memref<10000xf32, #tpu.memory_space<hbm>> -> memref<624xf32, #tpu.memory_space<hbm>>
      tpu.wait_dma2 semaphore(%run_scoped3A : memref<!tpu.dma_semaphore, #tpu.memory_space<semaphore_mem>>) src(%dma_wait3A_31 : memref<624xf32, #tpu.memory_space<hbm>>) dst(%arg8 : memref<624xf32, #tpu.memory_space<vmem>>)
      tpu.yield
    }) : () -> ()
    %mul3A = arith.constant 624 : i32
    %mul3A_0 = arith.muli %arg1, %mul3A : i32
    "tpu.region"() ({
      %run_scoped3A = tpu.sem_alloc : memref<!tpu.dma_semaphore, #tpu.memory_space<semaphore_mem>>
      %dma_start3A = tpu.memref_slice %arg9[%mul3A_0] : memref<10000xf32, #tpu.memory_space<vmem_shared>> -> memref<624xf32, #tpu.memory_space<vmem_shared>>
      %dma_start3A_26 = tpu.memref_slice %arg9[%mul3A_0] : memref<10000xf32, #tpu.memory_space<vmem_shared>> -> memref<624xf32, #tpu.memory_space<vmem_shared>>
      tpu.enqueue_dma source(%arg8 : memref<624xf32, #tpu.memory_space<vmem>>) target(%dma_start3A_26 : memref<624xf32, #tpu.memory_space<vmem_shared>>) target_semaphore(%run_scoped3A : memref<!tpu.dma_semaphore, #tpu.memory_space<semaphore_mem>>)
      %dma_wait3A = tpu.memref_slice %arg9[%mul3A_0] : memref<10000xf32, #tpu.memory_space<vmem_shared>> -> memref<624xf32, #tpu.memory_space<vmem_shared>>
      %dma_wait3A_27 = tpu.memref_slice %arg9[%mul3A_0] : memref<10000xf32, #tpu.memory_space<vmem_shared>> -> memref<624xf32, #tpu.memory_space<vmem_shared>>
      tpu.wait_dma2 semaphore(%run_scoped3A : memref<!tpu.dma_semaphore, #tpu.memory_space<semaphore_mem>>) src(%arg8 : memref<624xf32, #tpu.memory_space<vmem>>) dst(%dma_wait3A_27 : memref<624xf32, #tpu.memory_space<vmem_shared>>)
      tpu.yield
    }) : () -> ()
    %eq3A = arith.constant 0 : i32
    %eq3A_1 = arith.cmpi eq, %arg1, %eq3A : i32
    %convert_element_type3A = arith.extui %eq3A_1 : i1 to i32
    %cond3A = arith.constant 0 : i32
    %cond3A_2 = arith.cmpi ne, %convert_element_type3A, %cond3A : i32
    scf.if %cond3A_2 {
      "tpu.region"() ({
        %run_scoped3A = tpu.sem_alloc : memref<!tpu.dma_semaphore, #tpu.memory_space<semaphore_mem>>
        %dma_start3A = arith.constant 0 : i32
        %dma_start3A_26 = tpu.memref_slice %arg8[%dma_start3A] : memref<624xf32, #tpu.memory_space<vmem>> -> memref<16xf32, #tpu.memory_space<vmem>>
        %dma_start3A_27 = arith.constant 9984 : i32
        %dma_start3A_28 = tpu.memref_slice %arg9[%dma_start3A_27] : memref<10000xf32, #tpu.memory_space<vmem_shared>> -> memref<16xf32, #tpu.memory_space<vmem_shared>>
        %dma_start3A_29 = arith.constant 9984 : i32
        %dma_start3A_30 = tpu.memref_slice %arg9[%dma_start3A_29] : memref<10000xf32, #tpu.memory_space<vmem_shared>> -> memref<16xf32, #tpu.memory_space<vmem_shared>>
        %dma_start3A_31 = arith.constant 0 : i32
        %dma_start3A_32 = tpu.memref_slice %arg8[%dma_start3A_31] : memref<624xf32, #tpu.memory_space<vmem>> -> memref<16xf32, #tpu.memory_space<vmem>>
        tpu.enqueue_dma source(%dma_start3A_32 : memref<16xf32, #tpu.memory_space<vmem>>) target(%dma_start3A_30 : memref<16xf32, #tpu.memory_space<vmem_shared>>) target_semaphore(%run_scoped3A : memref<!tpu.dma_semaphore, #tpu.memory_space<semaphore_mem>>)
        %dma_wait3A = arith.constant 0 : i32
        %dma_wait3A_33 = tpu.memref_slice %arg8[%dma_wait3A] : memref<624xf32, #tpu.memory_space<vmem>> -> memref<16xf32, #tpu.memory_space<vmem>>
        %dma_wait3A_34 = arith.constant 9984 : i32
        %dma_wait3A_35 = tpu.memref_slice %arg9[%dma_wait3A_34] : memref<10000xf32, #tpu.memory_space<vmem_shared>> -> memref<16xf32, #tpu.memory_space<vmem_shared>>
        %dma_wait3A_36 = arith.constant 9984 : i32
        %dma_wait3A_37 = tpu.memref_slice %arg9[%dma_wait3A_36] : memref<10000xf32, #tpu.memory_space<vmem_shared>> -> memref<16xf32, #tpu.memory_space<vmem_shared>>
        %dma_wait3A_38 = arith.constant 0 : i32
        %dma_wait3A_39 = tpu.memref_slice %arg8[%dma_wait3A_38] : memref<624xf32, #tpu.memory_space<vmem>> -> memref<16xf32, #tpu.memory_space<vmem>>
        tpu.wait_dma2 semaphore(%run_scoped3A : memref<!tpu.dma_semaphore, #tpu.memory_space<semaphore_mem>>) src(%dma_wait3A_39 : memref<16xf32, #tpu.memory_space<vmem>>) dst(%dma_wait3A_37 : memref<16xf32, #tpu.memory_space<vmem_shared>>)
        tpu.yield
      }) : () -> ()
    } else {
    }
    "tpu.region"() ({
      %run_scoped3A = tpu.sem_alloc : memref<!tpu.dma_semaphore, #tpu.memory_space<semaphore_mem>>
      tpu.enqueue_dma source(%arg4 : memref<40xf32, #tpu.memory_space<hbm>>) target(%arg7 : memref<40xf32, #tpu.memory_space<vmem>>) target_semaphore(%run_scoped3A : memref<!tpu.dma_semaphore, #tpu.memory_space<semaphore_mem>>)
      tpu.wait_dma2 semaphore(%run_scoped3A : memref<!tpu.dma_semaphore, #tpu.memory_space<semaphore_mem>>) src(%arg4 : memref<40xf32, #tpu.memory_space<hbm>>) dst(%arg7 : memref<40xf32, #tpu.memory_space<vmem>>)
      tpu.yield
    }) : () -> ()
    %mul3A_3 = arith.constant 16 : i32
    %mul3A_4 = arith.muli %arg0, %mul3A_3 : i32
    %add3A = arith.addi %mul3A_4, %arg1 : i32
    %mul3A_5 = arith.constant 5000 : i32
    %mul3A_6 = arith.muli %add3A, %mul3A_5 : i32
    "tpu.region"() ({
      %run_scoped3A = tpu.sem_alloc : memref<!tpu.dma_semaphore, #tpu.memory_space<semaphore_mem>>
      %dma_start3A = tpu.memref_slice %arg2[%mul3A_6] : memref<160000xi32, #tpu.memory_space<hbm>> -> memref<5000xi32, #tpu.memory_space<hbm>>
      %dma_start3A_26 = tpu.memref_slice %arg2[%mul3A_6] : memref<160000xi32, #tpu.memory_space<hbm>> -> memref<5000xi32, #tpu.memory_space<hbm>>
      tpu.enqueue_dma source(%dma_start3A_26 : memref<5000xi32, #tpu.memory_space<hbm>>) target(%arg6 : memref<5000xi32, #tpu.memory_space<vmem>>) target_semaphore(%run_scoped3A : memref<!tpu.dma_semaphore, #tpu.memory_space<semaphore_mem>>)
      %dma_wait3A = tpu.memref_slice %arg2[%mul3A_6] : memref<160000xi32, #tpu.memory_space<hbm>> -> memref<5000xi32, #tpu.memory_space<hbm>>
      %dma_wait3A_27 = tpu.memref_slice %arg2[%mul3A_6] : memref<160000xi32, #tpu.memory_space<hbm>> -> memref<5000xi32, #tpu.memory_space<hbm>>
      tpu.wait_dma2 semaphore(%run_scoped3A : memref<!tpu.dma_semaphore, #tpu.memory_space<semaphore_mem>>) src(%dma_wait3A_27 : memref<5000xi32, #tpu.memory_space<hbm>>) dst(%arg6 : memref<5000xi32, #tpu.memory_space<vmem>>)
      tpu.yield
    }) : () -> ()
    %barrier3A = arith.constant 0 : index
    tpu.barrier barrier_id(%barrier3A)
    %scan3A = arith.constant 0 : i32
    %scan3A_7 = arith.constant 0 : i32
    %scan3A_8 = arith.constant 62 : i32
    %scan3A_9 = arith.addi %scan3A_7, %scan3A_8 : i32
    %scan3A_10 = arith.constant 1 : i32
    %scan3A_11 = scf.for %scan3A_26 = %scan3A_7 to %scan3A_9 step %scan3A_10 iter_args(%scan3A_27 = %scan3A) -> (i32)  : i32 {
      %mul3A_28 = arith.constant 2 : i32
      %mul3A_29 = arith.muli %mul3A_28, %scan3A_26 : i32
      %mul3A_30 = arith.constant 40 : i32
      %mul3A_31 = arith.muli %mul3A_29, %mul3A_30 : i32
      %mul3A_32 = arith.constant 2 : i32
      %mul3A_33 = arith.muli %mul3A_32, %scan3A_26 : i32
      %add3A_34 = arith.constant 1 : i32
      %add3A_35 = arith.addi %mul3A_33, %add3A_34 : i32
      %mul3A_36 = arith.constant 40 : i32
      %mul3A_37 = arith.muli %add3A_35, %mul3A_36 : i32
      %dma_start3A = tpu.memref_slice %arg6[%mul3A_31] : memref<5000xi32, #tpu.memory_space<vmem>> -> memref<40xi32, #tpu.memory_space<vmem>>
      %dma_start3A_38 = arith.constant 0 : i32
      %dma_start3A_39 = tpu.memref_slice %arg9[%dma_start3A_38] : memref<10000xf32, #tpu.memory_space<vmem_shared>> -> memref<10000xf32, #tpu.memory_space<vmem_shared>>
      tpu.enqueue_indirect_dma source(%arg7 : memref<40xf32, #tpu.memory_space<vmem>>) target(%dma_start3A_39 : memref<10000xf32, #tpu.memory_space<vmem_shared>>) offsets(%dma_start3A : memref<40xi32, #tpu.memory_space<vmem>>) semaphore(%arg10 : memref<!tpu.dma_semaphore, #tpu.memory_space<semaphore_mem>>) {add = true}
      %dma_start3A_40 = tpu.memref_slice %arg6[%mul3A_37] : memref<5000xi32, #tpu.memory_space<vmem>> -> memref<40xi32, #tpu.memory_space<vmem>>
      %dma_start3A_41 = arith.constant 0 : i32
      %dma_start3A_42 = tpu.memref_slice %arg9[%dma_start3A_41] : memref<10000xf32, #tpu.memory_space<vmem_shared>> -> memref<10000xf32, #tpu.memory_space<vmem_shared>>
      tpu.enqueue_indirect_dma source(%arg7 : memref<40xf32, #tpu.memory_space<vmem>>) target(%dma_start3A_42 : memref<10000xf32, #tpu.memory_space<vmem_shared>>) offsets(%dma_start3A_40 : memref<40xi32, #tpu.memory_space<vmem>>) semaphore(%arg10 : memref<!tpu.dma_semaphore, #tpu.memory_space<semaphore_mem>>) {add = true}
      %dma_wait3A = tpu.memref_slice %arg6[%mul3A_31] : memref<5000xi32, #tpu.memory_space<vmem>> -> memref<40xi32, #tpu.memory_space<vmem>>
      %dma_wait3A_43 = arith.constant 0 : i32
      %dma_wait3A_44 = tpu.memref_slice %arg9[%dma_wait3A_43] : memref<10000xf32, #tpu.memory_space<vmem_shared>> -> memref<10000xf32, #tpu.memory_space<vmem_shared>>
      tpu.wait_indirect_dma semaphore(%arg10 : memref<!tpu.dma_semaphore, #tpu.memory_space<semaphore_mem>>) src(%arg7 : memref<40xf32, #tpu.memory_space<vmem>>) dst(%dma_wait3A_44 : memref<10000xf32, #tpu.memory_space<vmem_shared>>)
      %dma_wait3A_45 = tpu.memref_slice %arg6[%mul3A_37] : memref<5000xi32, #tpu.memory_space<vmem>> -> memref<40xi32, #tpu.memory_space<vmem>>
      %dma_wait3A_46 = arith.constant 0 : i32
      %dma_wait3A_47 = tpu.memref_slice %arg9[%dma_wait3A_46] : memref<10000xf32, #tpu.memory_space<vmem_shared>> -> memref<10000xf32, #tpu.memory_space<vmem_shared>>
      tpu.wait_indirect_dma semaphore(%arg10 : memref<!tpu.dma_semaphore, #tpu.memory_space<semaphore_mem>>) src(%arg7 : memref<40xf32, #tpu.memory_space<vmem>>) dst(%dma_wait3A_47 : memref<10000xf32, #tpu.memory_space<vmem_shared>>)
      %scan3A_48 = arith.constant 0 : i32
      scf.yield %scan3A_48 : i32
    }
    %scan3A_12 = arith.constant 62 : i32
    "tpu.region"() ({
      %run_scoped3A = tpu.sem_alloc : memref<!tpu.dma_semaphore, #tpu.memory_space<semaphore_mem>>
      %dma_start3A = arith.constant 4960 : i32
      %dma_start3A_26 = tpu.memref_slice %arg6[%dma_start3A] : memref<5000xi32, #tpu.memory_space<vmem>> -> memref<40xi32, #tpu.memory_space<vmem>>
      %dma_start3A_27 = arith.constant 0 : i32
      %dma_start3A_28 = tpu.memref_slice %arg9[%dma_start3A_27] : memref<10000xf32, #tpu.memory_space<vmem_shared>> -> memref<10000xf32, #tpu.memory_space<vmem_shared>>
      tpu.enqueue_indirect_dma source(%arg7 : memref<40xf32, #tpu.memory_space<vmem>>) target(%dma_start3A_28 : memref<10000xf32, #tpu.memory_space<vmem_shared>>) offsets(%dma_start3A_26 : memref<40xi32, #tpu.memory_space<vmem>>) semaphore(%run_scoped3A : memref<!tpu.dma_semaphore, #tpu.memory_space<semaphore_mem>>) {add = true}
      %dma_wait3A = arith.constant 4960 : i32
      %dma_wait3A_29 = tpu.memref_slice %arg6[%dma_wait3A] : memref<5000xi32, #tpu.memory_space<vmem>> -> memref<40xi32, #tpu.memory_space<vmem>>
      %dma_wait3A_30 = arith.constant 0 : i32
      %dma_wait3A_31 = tpu.memref_slice %arg9[%dma_wait3A_30] : memref<10000xf32, #tpu.memory_space<vmem_shared>> -> memref<10000xf32, #tpu.memory_space<vmem_shared>>
      tpu.wait_indirect_dma semaphore(%run_scoped3A : memref<!tpu.dma_semaphore, #tpu.memory_space<semaphore_mem>>) src(%arg7 : memref<40xf32, #tpu.memory_space<vmem>>) dst(%dma_wait3A_31 : memref<10000xf32, #tpu.memory_space<vmem_shared>>)
      tpu.yield
    }) : () -> ()
    %barrier3A_13 = arith.constant 0 : index
    tpu.barrier barrier_id(%barrier3A_13)
    %mul3A_14 = arith.constant 624 : i32
    %mul3A_15 = arith.muli %arg1, %mul3A_14 : i32
    "tpu.region"() ({
      %run_scoped3A = tpu.sem_alloc : memref<!tpu.dma_semaphore, #tpu.memory_space<semaphore_mem>>
      %dma_start3A = tpu.memref_slice %arg9[%mul3A_15] : memref<10000xf32, #tpu.memory_space<vmem_shared>> -> memref<624xf32, #tpu.memory_space<vmem_shared>>
      %dma_start3A_26 = tpu.memref_slice %arg9[%mul3A_15] : memref<10000xf32, #tpu.memory_space<vmem_shared>> -> memref<624xf32, #tpu.memory_space<vmem_shared>>
      tpu.enqueue_dma source(%dma_start3A_26 : memref<624xf32, #tpu.memory_space<vmem_shared>>) target(%arg8 : memref<624xf32, #tpu.memory_space<vmem>>) target_semaphore(%run_scoped3A : memref<!tpu.dma_semaphore, #tpu.memory_space<semaphore_mem>>)
      %dma_wait3A = tpu.memref_slice %arg9[%mul3A_15] : memref<10000xf32, #tpu.memory_space<vmem_shared>> -> memref<624xf32, #tpu.memory_space<vmem_shared>>
      %dma_wait3A_27 = tpu.memref_slice %arg9[%mul3A_15] : memref<10000xf32, #tpu.memory_space<vmem_shared>> -> memref<624xf32, #tpu.memory_space<vmem_shared>>
      tpu.wait_dma2 semaphore(%run_scoped3A : memref<!tpu.dma_semaphore, #tpu.memory_space<semaphore_mem>>) src(%dma_wait3A_27 : memref<624xf32, #tpu.memory_space<vmem_shared>>) dst(%arg8 : memref<624xf32, #tpu.memory_space<vmem>>)
      tpu.yield
    }) : () -> ()
    %mul3A_16 = arith.constant 10000 : i32
    %mul3A_17 = arith.muli %arg0, %mul3A_16 : i32
    %mul3A_18 = arith.constant 624 : i32
    %mul3A_19 = arith.muli %arg1, %mul3A_18 : i32
    %add3A_20 = arith.addi %mul3A_17, %mul3A_19 : i32
    "tpu.region"() ({
      %run_scoped3A = tpu.sem_alloc : memref<!tpu.dma_semaphore, #tpu.memory_space<semaphore_mem>>
      %dma_start3A = tpu.memref_slice %arg5[%add3A_20] : memref<20000xf32, #tpu.memory_space<hbm>> -> memref<624xf32, #tpu.memory_space<hbm>>
      %dma_start3A_26 = tpu.memref_slice %arg5[%add3A_20] : memref<20000xf32, #tpu.memory_space<hbm>> -> memref<624xf32, #tpu.memory_space<hbm>>
      tpu.enqueue_dma source(%arg8 : memref<624xf32, #tpu.memory_space<vmem>>) target(%dma_start3A_26 : memref<624xf32, #tpu.memory_space<hbm>>) target_semaphore(%run_scoped3A : memref<!tpu.dma_semaphore, #tpu.memory_space<semaphore_mem>>)
      %dma_wait3A = tpu.memref_slice %arg5[%add3A_20] : memref<20000xf32, #tpu.memory_space<hbm>> -> memref<624xf32, #tpu.memory_space<hbm>>
      %dma_wait3A_27 = tpu.memref_slice %arg5[%add3A_20] : memref<20000xf32, #tpu.memory_space<hbm>> -> memref<624xf32, #tpu.memory_space<hbm>>
      tpu.wait_dma2 semaphore(%run_scoped3A : memref<!tpu.dma_semaphore, #tpu.memory_space<semaphore_mem>>) src(%arg8 : memref<624xf32, #tpu.memory_space<vmem>>) dst(%dma_wait3A_27 : memref<624xf32, #tpu.memory_space<hbm>>)
      tpu.yield
    }) : () -> ()
    %eq3A_21 = arith.constant 0 : i32
    %eq3A_22 = arith.cmpi eq, %arg1, %eq3A_21 : i32
    %convert_element_type3A_23 = arith.extui %eq3A_22 : i1 to i32
    %cond3A_24 = arith.constant 0 : i32
    %cond3A_25 = arith.cmpi ne, %convert_element_type3A_23, %cond3A_24 : i32
    scf.if %cond3A_25 {
      "tpu.region"() ({
        %run_scoped3A = tpu.sem_alloc : memref<!tpu.dma_semaphore, #tpu.memory_space<semaphore_mem>>
        %dma_start3A = arith.constant 0 : i32
        %dma_start3A_30 = tpu.memref_slice %arg8[%dma_start3A] : memref<624xf32, #tpu.memory_space<vmem>> -> memref<16xf32, #tpu.memory_space<vmem>>
        %dma_start3A_31 = arith.constant 9984 : i32
        %dma_start3A_32 = tpu.memref_slice %arg9[%dma_start3A_31] : memref<10000xf32, #tpu.memory_space<vmem_shared>> -> memref<16xf32, #tpu.memory_space<vmem_shared>>
        %dma_start3A_33 = arith.constant 0 : i32
        %dma_start3A_34 = tpu.memref_slice %arg8[%dma_start3A_33] : memref<624xf32, #tpu.memory_space<vmem>> -> memref<16xf32, #tpu.memory_space<vmem>>
        %dma_start3A_35 = arith.constant 9984 : i32
        %dma_start3A_36 = tpu.memref_slice %arg9[%dma_start3A_35] : memref<10000xf32, #tpu.memory_space<vmem_shared>> -> memref<16xf32, #tpu.memory_space<vmem_shared>>
        tpu.enqueue_dma source(%dma_start3A_36 : memref<16xf32, #tpu.memory_space<vmem_shared>>) target(%dma_start3A_34 : memref<16xf32, #tpu.memory_space<vmem>>) target_semaphore(%run_scoped3A : memref<!tpu.dma_semaphore, #tpu.memory_space<semaphore_mem>>)
        %dma_wait3A = arith.constant 0 : i32
        %dma_wait3A_37 = tpu.memref_slice %arg8[%dma_wait3A] : memref<624xf32, #tpu.memory_space<vmem>> -> memref<16xf32, #tpu.memory_space<vmem>>
        %dma_wait3A_38 = arith.constant 9984 : i32
        %dma_wait3A_39 = tpu.memref_slice %arg9[%dma_wait3A_38] : memref<10000xf32, #tpu.memory_space<vmem_shared>> -> memref<16xf32, #tpu.memory_space<vmem_shared>>
        %dma_wait3A_40 = arith.constant 0 : i32
        %dma_wait3A_41 = tpu.memref_slice %arg8[%dma_wait3A_40] : memref<624xf32, #tpu.memory_space<vmem>> -> memref<16xf32, #tpu.memory_space<vmem>>
        %dma_wait3A_42 = arith.constant 9984 : i32
        %dma_wait3A_43 = tpu.memref_slice %arg9[%dma_wait3A_42] : memref<10000xf32, #tpu.memory_space<vmem_shared>> -> memref<16xf32, #tpu.memory_space<vmem_shared>>
        tpu.wait_dma2 semaphore(%run_scoped3A : memref<!tpu.dma_semaphore, #tpu.memory_space<semaphore_mem>>) src(%dma_wait3A_43 : memref<16xf32, #tpu.memory_space<vmem_shared>>) dst(%dma_wait3A_41 : memref<16xf32, #tpu.memory_space<vmem>>)
        tpu.yield
      }) : () -> ()
      %mul3A_26 = arith.constant 10000 : i32
      %mul3A_27 = arith.muli %arg0, %mul3A_26 : i32
      %add3A_28 = arith.constant 9984 : i32
      %add3A_29 = arith.addi %mul3A_27, %add3A_28 : i32
      "tpu.region"() ({
        %run_scoped3A = tpu.sem_alloc : memref<!tpu.dma_semaphore, #tpu.memory_space<semaphore_mem>>
        %dma_start3A = arith.constant 0 : i32
        %dma_start3A_30 = tpu.memref_slice %arg8[%dma_start3A] : memref<624xf32, #tpu.memory_space<vmem>> -> memref<16xf32, #tpu.memory_space<vmem>>
        %dma_start3A_31 = tpu.memref_slice %arg5[%add3A_29] : memref<20000xf32, #tpu.memory_space<hbm>> -> memref<16xf32, #tpu.memory_space<hbm>>
        %dma_start3A_32 = tpu.memref_slice %arg5[%add3A_29] : memref<20000xf32, #tpu.memory_space<hbm>> -> memref<16xf32, #tpu.memory_space<hbm>>
        %dma_start3A_33 = arith.constant 0 : i32
        %dma_start3A_34 = tpu.memref_slice %arg8[%dma_start3A_33] : memref<624xf32, #tpu.memory_space<vmem>> -> memref<16xf32, #tpu.memory_space<vmem>>
        tpu.enqueue_dma source(%dma_start3A_34 : memref<16xf32, #tpu.memory_space<vmem>>) target(%dma_start3A_32 : memref<16xf32, #tpu.memory_space<hbm>>) target_semaphore(%run_scoped3A : memref<!tpu.dma_semaphore, #tpu.memory_space<semaphore_mem>>)
        %dma_wait3A = arith.constant 0 : i32
        %dma_wait3A_35 = tpu.memref_slice %arg8[%dma_wait3A] : memref<624xf32, #tpu.memory_space<vmem>> -> memref<16xf32, #tpu.memory_space<vmem>>
        %dma_wait3A_36 = tpu.memref_slice %arg5[%add3A_29] : memref<20000xf32, #tpu.memory_space<hbm>> -> memref<16xf32, #tpu.memory_space<hbm>>
        %dma_wait3A_37 = tpu.memref_slice %arg5[%add3A_29] : memref<20000xf32, #tpu.memory_space<hbm>> -> memref<16xf32, #tpu.memory_space<hbm>>
        %dma_wait3A_38 = arith.constant 0 : i32
        %dma_wait3A_39 = tpu.memref_slice %arg8[%dma_wait3A_38] : memref<624xf32, #tpu.memory_space<vmem>> -> memref<16xf32, #tpu.memory_space<vmem>>
        tpu.wait_dma2 semaphore(%run_scoped3A : memref<!tpu.dma_semaphore, #tpu.memory_space<semaphore_mem>>) src(%dma_wait3A_39 : memref<16xf32, #tpu.memory_space<vmem>>) dst(%dma_wait3A_37 : memref<16xf32, #tpu.memory_space<hbm>>)
        tpu.yield
      }) : () -> ()
    } else {
    }
    return
  }
}

#map = affine_map<(d0, d1) -> (0, 0, 0)>
#map1 = affine_map<(d0, d1) -> (0)>
module attributes {stable_mosaic.version = 14 : i64} {
  func.func @_hop_kernel(%arg0: i32, %arg1: i32, %arg2: memref<2x10000x128xf32, #tpu.memory_space<hbm>>, %arg3: memref<160000xi32, #tpu.memory_space<hbm>>, %arg4: memref<160000xi32, #tpu.memory_space<hbm>>, %arg5: memref<2x10000x128xf32, #tpu.memory_space<hbm>>, %arg6: memref<10000xi32, #tpu.memory_space<vmem>>, %arg7: memref<10000xi32, #tpu.memory_space<vmem>>, %arg8: memref<80x128xf32, #tpu.memory_space<vmem>>, %arg9: memref<80x128xf32, #tpu.memory_space<vmem>>, %arg10: memref<80x128xf32, #tpu.memory_space<vmem>>, %arg11: memref<10000x128xf32, #tpu.memory_space<vmem_shared>>, %arg12: memref<!tpu.dma_semaphore, #tpu.memory_space<semaphore_mem>>, %arg13: memref<!tpu.dma_semaphore, #tpu.memory_space<semaphore_mem>>, %arg14: memref<!tpu.dma_semaphore, #tpu.memory_space<semaphore_mem>>) attributes {dimension_semantics = [#tpu.dimension_semantics<core_parallel>, #tpu.dimension_semantics<subcore_parallel>], iteration_bounds = array<i64: 2, 16>, scalar_prefetch = 0 : i64, scratch_operands = 9 : i64, tpu.core_type = #tpu.core_type<sc_vector_subcore>, window_params = [{transform_indices = #map}, {transform_indices = #map1}, {transform_indices = #map1}, {transform_indices = #map}]} {
    %scan3A = arith.constant 0 : i32
    %scan3A_0 = arith.constant 0 : i32
    %scan3A_1 = arith.constant 80 : i32
    %scan3A_2 = arith.addi %scan3A_0, %scan3A_1 : i32
    %scan3A_3 = arith.constant 1 : i32
    %scan3A_4 = scf.for %scan3A_93 = %scan3A_0 to %scan3A_2 step %scan3A_3 iter_args(%scan3A_94 = %scan3A) -> (i32)  : i32 {
      %broadcast_in_dim3A = arith.constant 0.000000e+00 : f32
      %broadcast_in_dim3A_95 = vector.broadcast %broadcast_in_dim3A : f32 to vector<16xf32>
      %swap3A = arith.index_cast %scan3A_93 : i32 to index
      %swap3A_96 = arith.constant 0 : index
      %swap3A_97 = tpu.vector_load %arg8[%swap3A, %swap3A_96] {strides = array<i32>} : memref<80x128xf32, #tpu.memory_space<vmem>>, vector<1x16xf32>,
      %swap3A_98 = vector.shape_cast %swap3A_97 : vector<1x16xf32> to vector<16xf32>
      %swap3A_99 = vector.shape_cast %broadcast_in_dim3A_95 : vector<16xf32> to vector<1x16xf32>
      tpu.vector_store %arg8[%swap3A, %swap3A_96], %swap3A_99 {strides = array<i32>} : memref<80x128xf32, #tpu.memory_space<vmem>>, vector<1x16xf32>,
      %broadcast_in_dim3A_100 = arith.constant 0.000000e+00 : f32
      %broadcast_in_dim3A_101 = vector.broadcast %broadcast_in_dim3A_100 : f32 to vector<16xf32>
      %swap3A_102 = arith.index_cast %scan3A_93 : i32 to index
      %swap3A_103 = arith.constant 16 : index
      %swap3A_104 = tpu.vector_load %arg8[%swap3A_102, %swap3A_103] {strides = array<i32>} : memref<80x128xf32, #tpu.memory_space<vmem>>, vector<1x16xf32>,
      %swap3A_105 = vector.shape_cast %swap3A_104 : vector<1x16xf32> to vector<16xf32>
      %swap3A_106 = vector.shape_cast %broadcast_in_dim3A_101 : vector<16xf32> to vector<1x16xf32>
      tpu.vector_store %arg8[%swap3A_102, %swap3A_103], %swap3A_106 {strides = array<i32>} : memref<80x128xf32, #tpu.memory_space<vmem>>, vector<1x16xf32>,
      %broadcast_in_dim3A_107 = arith.constant 0.000000e+00 : f32
      %broadcast_in_dim3A_108 = vector.broadcast %broadcast_in_dim3A_107 : f32 to vector<16xf32>
      %swap3A_109 = arith.index_cast %scan3A_93 : i32 to index
      %swap3A_110 = arith.constant 32 : index
      %swap3A_111 = tpu.vector_load %arg8[%swap3A_109, %swap3A_110] {strides = array<i32>} : memref<80x128xf32, #tpu.memory_space<vmem>>, vector<1x16xf32>,
      %swap3A_112 = vector.shape_cast %swap3A_111 : vector<1x16xf32> to vector<16xf32>
      %swap3A_113 = vector.shape_cast %broadcast_in_dim3A_108 : vector<16xf32> to vector<1x16xf32>
      tpu.vector_store %arg8[%swap3A_109, %swap3A_110], %swap3A_113 {strides = array<i32>} : memref<80x128xf32, #tpu.memory_space<vmem>>, vector<1x16xf32>,
      %broadcast_in_dim3A_114 = arith.constant 0.000000e+00 : f32
      %broadcast_in_dim3A_115 = vector.broadcast %broadcast_in_dim3A_114 : f32 to vector<16xf32>
      %swap3A_116 = arith.index_cast %scan3A_93 : i32 to index
      %swap3A_117 = arith.constant 48 : index
      %swap3A_118 = tpu.vector_load %arg8[%swap3A_116, %swap3A_117] {strides = array<i32>} : memref<80x128xf32, #tpu.memory_space<vmem>>, vector<1x16xf32>,
      %swap3A_119 = vector.shape_cast %swap3A_118 : vector<1x16xf32> to vector<16xf32>
      %swap3A_120 = vector.shape_cast %broadcast_in_dim3A_115 : vector<16xf32> to vector<1x16xf32>
      tpu.vector_store %arg8[%swap3A_116, %swap3A_117], %swap3A_120 {strides = array<i32>} : memref<80x128xf32, #tpu.memory_space<vmem>>, vector<1x16xf32>,
      %broadcast_in_dim3A_121 = arith.constant 0.000000e+00 : f32
      %broadcast_in_dim3A_122 = vector.broadcast %broadcast_in_dim3A_121 : f32 to vector<16xf32>
      %swap3A_123 = arith.index_cast %scan3A_93 : i32 to index
      %swap3A_124 = arith.constant 64 : index
      %swap3A_125 = tpu.vector_load %arg8[%swap3A_123, %swap3A_124] {strides = array<i32>} : memref<80x128xf32, #tpu.memory_space<vmem>>, vector<1x16xf32>,
      %swap3A_126 = vector.shape_cast %swap3A_125 : vector<1x16xf32> to vector<16xf32>
      %swap3A_127 = vector.shape_cast %broadcast_in_dim3A_122 : vector<16xf32> to vector<1x16xf32>
      tpu.vector_store %arg8[%swap3A_123, %swap3A_124], %swap3A_127 {strides = array<i32>} : memref<80x128xf32, #tpu.memory_space<vmem>>, vector<1x16xf32>,
      %broadcast_in_dim3A_128 = arith.constant 0.000000e+00 : f32
      %broadcast_in_dim3A_129 = vector.broadcast %broadcast_in_dim3A_128 : f32 to vector<16xf32>
      %swap3A_130 = arith.index_cast %scan3A_93 : i32 to index
      %swap3A_131 = arith.constant 80 : index
      %swap3A_132 = tpu.vector_load %arg8[%swap3A_130, %swap3A_131] {strides = array<i32>} : memref<80x128xf32, #tpu.memory_space<vmem>>, vector<1x16xf32>,
      %swap3A_133 = vector.shape_cast %swap3A_132 : vector<1x16xf32> to vector<16xf32>
      %swap3A_134 = vector.shape_cast %broadcast_in_dim3A_129 : vector<16xf32> to vector<1x16xf32>
      tpu.vector_store %arg8[%swap3A_130, %swap3A_131], %swap3A_134 {strides = array<i32>} : memref<80x128xf32, #tpu.memory_space<vmem>>, vector<1x16xf32>,
      %broadcast_in_dim3A_135 = arith.constant 0.000000e+00 : f32
      %broadcast_in_dim3A_136 = vector.broadcast %broadcast_in_dim3A_135 : f32 to vector<16xf32>
      %swap3A_137 = arith.index_cast %scan3A_93 : i32 to index
      %swap3A_138 = arith.constant 96 : index
      %swap3A_139 = tpu.vector_load %arg8[%swap3A_137, %swap3A_138] {strides = array<i32>} : memref<80x128xf32, #tpu.memory_space<vmem>>, vector<1x16xf32>,
      %swap3A_140 = vector.shape_cast %swap3A_139 : vector<1x16xf32> to vector<16xf32>
      %swap3A_141 = vector.shape_cast %broadcast_in_dim3A_136 : vector<16xf32> to vector<1x16xf32>
      tpu.vector_store %arg8[%swap3A_137, %swap3A_138], %swap3A_141 {strides = array<i32>} : memref<80x128xf32, #tpu.memory_space<vmem>>, vector<1x16xf32>,
      %broadcast_in_dim3A_142 = arith.constant 0.000000e+00 : f32
      %broadcast_in_dim3A_143 = vector.broadcast %broadcast_in_dim3A_142 : f32 to vector<16xf32>
      %swap3A_144 = arith.index_cast %scan3A_93 : i32 to index
      %swap3A_145 = arith.constant 112 : index
      %swap3A_146 = tpu.vector_load %arg8[%swap3A_144, %swap3A_145] {strides = array<i32>} : memref<80x128xf32, #tpu.memory_space<vmem>>, vector<1x16xf32>,
      %swap3A_147 = vector.shape_cast %swap3A_146 : vector<1x16xf32> to vector<16xf32>
      %swap3A_148 = vector.shape_cast %broadcast_in_dim3A_143 : vector<16xf32> to vector<1x16xf32>
      tpu.vector_store %arg8[%swap3A_144, %swap3A_145], %swap3A_148 {strides = array<i32>} : memref<80x128xf32, #tpu.memory_space<vmem>>, vector<1x16xf32>,
      %scan3A_149 = arith.constant 0 : i32
      scf.yield %scan3A_149 : i32
    }
    %scan3A_5 = arith.constant 80 : i32
    %mul3A = arith.constant 624 : i32
    %mul3A_6 = arith.muli %arg1, %mul3A : i32
    %add3A = arith.constant 0 : i32
    %add3A_7 = arith.addi %mul3A_6, %add3A : i32
    "tpu.region"() ({
      %run_scoped3A = tpu.sem_alloc : memref<!tpu.dma_semaphore, #tpu.memory_space<semaphore_mem>>
      %dma_start3A_93 = arith.constant 0 : i32
      %dma_start3A_94 = tpu.memref_slice %arg11[%add3A_7, %dma_start3A_93] : memref<10000x128xf32, #tpu.memory_space<vmem_shared>> -> memref<80x128xf32, #tpu.memory_space<vmem_shared>>
      %dma_start3A_95 = arith.constant 0 : i32
      %dma_start3A_96 = tpu.memref_slice %arg11[%add3A_7, %dma_start3A_95] : memref<10000x128xf32, #tpu.memory_space<vmem_shared>> -> memref<80x128xf32, #tpu.memory_space<vmem_shared>>
      tpu.enqueue_dma source(%arg8 : memref<80x128xf32, #tpu.memory_space<vmem>>) target(%dma_start3A_96 : memref<80x128xf32, #tpu.memory_space<vmem_shared>>) target_semaphore(%run_scoped3A : memref<!tpu.dma_semaphore, #tpu.memory_space<semaphore_mem>>)
      %dma_wait3A_97 = arith.constant 0 : i32
      %dma_wait3A_98 = tpu.memref_slice %arg11[%add3A_7, %dma_wait3A_97] : memref<10000x128xf32, #tpu.memory_space<vmem_shared>> -> memref<80x128xf32, #tpu.memory_space<vmem_shared>>
      %dma_wait3A_99 = arith.constant 0 : i32
      %dma_wait3A_100 = tpu.memref_slice %arg11[%add3A_7, %dma_wait3A_99] : memref<10000x128xf32, #tpu.memory_space<vmem_shared>> -> memref<80x128xf32, #tpu.memory_space<vmem_shared>>
      tpu.wait_dma2 semaphore(%run_scoped3A : memref<!tpu.dma_semaphore, #tpu.memory_space<semaphore_mem>>) src(%arg8 : memref<80x128xf32, #tpu.memory_space<vmem>>) dst(%dma_wait3A_100 : memref<80x128xf32, #tpu.memory_space<vmem_shared>>)
      tpu.yield
    }) : () -> ()
    %mul3A_8 = arith.constant 624 : i32
    %mul3A_9 = arith.muli %arg1, %mul3A_8 : i32
    %add3A_10 = arith.constant 80 : i32
    %add3A_11 = arith.addi %mul3A_9, %add3A_10 : i32
    "tpu.region"() ({
      %run_scoped3A = tpu.sem_alloc : memref<!tpu.dma_semaphore, #tpu.memory_space<semaphore_mem>>
      %dma_start3A_93 = arith.constant 0 : i32
      %dma_start3A_94 = tpu.memref_slice %arg11[%add3A_11, %dma_start3A_93] : memref<10000x128xf32, #tpu.memory_space<vmem_shared>> -> memref<80x128xf32, #tpu.memory_space<vmem_shared>>
      %dma_start3A_95 = arith.constant 0 : i32
      %dma_start3A_96 = tpu.memref_slice %arg11[%add3A_11, %dma_start3A_95] : memref<10000x128xf32, #tpu.memory_space<vmem_shared>> -> memref<80x128xf32, #tpu.memory_space<vmem_shared>>
      tpu.enqueue_dma source(%arg8 : memref<80x128xf32, #tpu.memory_space<vmem>>) target(%dma_start3A_96 : memref<80x128xf32, #tpu.memory_space<vmem_shared>>) target_semaphore(%run_scoped3A : memref<!tpu.dma_semaphore, #tpu.memory_space<semaphore_mem>>)
      %dma_wait3A_97 = arith.constant 0 : i32
      %dma_wait3A_98 = tpu.memref_slice %arg11[%add3A_11, %dma_wait3A_97] : memref<10000x128xf32, #tpu.memory_space<vmem_shared>> -> memref<80x128xf32, #tpu.memory_space<vmem_shared>>
      %dma_wait3A_99 = arith.constant 0 : i32
      %dma_wait3A_100 = tpu.memref_slice %arg11[%add3A_11, %dma_wait3A_99] : memref<10000x128xf32, #tpu.memory_space<vmem_shared>> -> memref<80x128xf32, #tpu.memory_space<vmem_shared>>
      tpu.wait_dma2 semaphore(%run_scoped3A : memref<!tpu.dma_semaphore, #tpu.memory_space<semaphore_mem>>) src(%arg8 : memref<80x128xf32, #tpu.memory_space<vmem>>) dst(%dma_wait3A_100 : memref<80x128xf32, #tpu.memory_space<vmem_shared>>)
      tpu.yield
    }) : () -> ()
    %mul3A_12 = arith.constant 624 : i32
    %mul3A_13 = arith.muli %arg1, %mul3A_12 : i32
    %add3A_14 = arith.constant 160 : i32
    %add3A_15 = arith.addi %mul3A_13, %add3A_14 : i32
    "tpu.region"() ({
      %run_scoped3A = tpu.sem_alloc : memref<!tpu.dma_semaphore, #tpu.memory_space<semaphore_mem>>
      %dma_start3A_93 = arith.constant 0 : i32
      %dma_start3A_94 = tpu.memref_slice %arg11[%add3A_15, %dma_start3A_93] : memref<10000x128xf32, #tpu.memory_space<vmem_shared>> -> memref<80x128xf32, #tpu.memory_space<vmem_shared>>
      %dma_start3A_95 = arith.constant 0 : i32
      %dma_start3A_96 = tpu.memref_slice %arg11[%add3A_15, %dma_start3A_95] : memref<10000x128xf32, #tpu.memory_space<vmem_shared>> -> memref<80x128xf32, #tpu.memory_space<vmem_shared>>
      tpu.enqueue_dma source(%arg8 : memref<80x128xf32, #tpu.memory_space<vmem>>) target(%dma_start3A_96 : memref<80x128xf32, #tpu.memory_space<vmem_shared>>) target_semaphore(%run_scoped3A : memref<!tpu.dma_semaphore, #tpu.memory_space<semaphore_mem>>)
      %dma_wait3A_97 = arith.constant 0 : i32
      %dma_wait3A_98 = tpu.memref_slice %arg11[%add3A_15, %dma_wait3A_97] : memref<10000x128xf32, #tpu.memory_space<vmem_shared>> -> memref<80x128xf32, #tpu.memory_space<vmem_shared>>
      %dma_wait3A_99 = arith.constant 0 : i32
      %dma_wait3A_100 = tpu.memref_slice %arg11[%add3A_15, %dma_wait3A_99] : memref<10000x128xf32, #tpu.memory_space<vmem_shared>> -> memref<80x128xf32, #tpu.memory_space<vmem_shared>>
      tpu.wait_dma2 semaphore(%run_scoped3A : memref<!tpu.dma_semaphore, #tpu.memory_space<semaphore_mem>>) src(%arg8 : memref<80x128xf32, #tpu.memory_space<vmem>>) dst(%dma_wait3A_100 : memref<80x128xf32, #tpu.memory_space<vmem_shared>>)
      tpu.yield
    }) : () -> ()
    %mul3A_16 = arith.constant 624 : i32
    %mul3A_17 = arith.muli %arg1, %mul3A_16 : i32
    %add3A_18 = arith.constant 240 : i32
    %add3A_19 = arith.addi %mul3A_17, %add3A_18 : i32
    "tpu.region"() ({
      %run_scoped3A = tpu.sem_alloc : memref<!tpu.dma_semaphore, #tpu.memory_space<semaphore_mem>>
      %dma_start3A_93 = arith.constant 0 : i32
      %dma_start3A_94 = tpu.memref_slice %arg11[%add3A_19, %dma_start3A_93] : memref<10000x128xf32, #tpu.memory_space<vmem_shared>> -> memref<80x128xf32, #tpu.memory_space<vmem_shared>>
      %dma_start3A_95 = arith.constant 0 : i32
      %dma_start3A_96 = tpu.memref_slice %arg11[%add3A_19, %dma_start3A_95] : memref<10000x128xf32, #tpu.memory_space<vmem_shared>> -> memref<80x128xf32, #tpu.memory_space<vmem_shared>>
      tpu.enqueue_dma source(%arg8 : memref<80x128xf32, #tpu.memory_space<vmem>>) target(%dma_start3A_96 : memref<80x128xf32, #tpu.memory_space<vmem_shared>>) target_semaphore(%run_scoped3A : memref<!tpu.dma_semaphore, #tpu.memory_space<semaphore_mem>>)
      %dma_wait3A_97 = arith.constant 0 : i32
      %dma_wait3A_98 = tpu.memref_slice %arg11[%add3A_19, %dma_wait3A_97] : memref<10000x128xf32, #tpu.memory_space<vmem_shared>> -> memref<80x128xf32, #tpu.memory_space<vmem_shared>>
      %dma_wait3A_99 = arith.constant 0 : i32
      %dma_wait3A_100 = tpu.memref_slice %arg11[%add3A_19, %dma_wait3A_99] : memref<10000x128xf32, #tpu.memory_space<vmem_shared>> -> memref<80x128xf32, #tpu.memory_space<vmem_shared>>
      tpu.wait_dma2 semaphore(%run_scoped3A : memref<!tpu.dma_semaphore, #tpu.memory_space<semaphore_mem>>) src(%arg8 : memref<80x128xf32, #tpu.memory_space<vmem>>) dst(%dma_wait3A_100 : memref<80x128xf32, #tpu.memory_space<vmem_shared>>)
      tpu.yield
    }) : () -> ()
    %mul3A_20 = arith.constant 624 : i32
    %mul3A_21 = arith.muli %arg1, %mul3A_20 : i32
    %add3A_22 = arith.constant 320 : i32
    %add3A_23 = arith.addi %mul3A_21, %add3A_22 : i32
    "tpu.region"() ({
      %run_scoped3A = tpu.sem_alloc : memref<!tpu.dma_semaphore, #tpu.memory_space<semaphore_mem>>
      %dma_start3A_93 = arith.constant 0 : i32
      %dma_start3A_94 = tpu.memref_slice %arg11[%add3A_23, %dma_start3A_93] : memref<10000x128xf32, #tpu.memory_space<vmem_shared>> -> memref<80x128xf32, #tpu.memory_space<vmem_shared>>
      %dma_start3A_95 = arith.constant 0 : i32
      %dma_start3A_96 = tpu.memref_slice %arg11[%add3A_23, %dma_start3A_95] : memref<10000x128xf32, #tpu.memory_space<vmem_shared>> -> memref<80x128xf32, #tpu.memory_space<vmem_shared>>
      tpu.enqueue_dma source(%arg8 : memref<80x128xf32, #tpu.memory_space<vmem>>) target(%dma_start3A_96 : memref<80x128xf32, #tpu.memory_space<vmem_shared>>) target_semaphore(%run_scoped3A : memref<!tpu.dma_semaphore, #tpu.memory_space<semaphore_mem>>)
      %dma_wait3A_97 = arith.constant 0 : i32
      %dma_wait3A_98 = tpu.memref_slice %arg11[%add3A_23, %dma_wait3A_97] : memref<10000x128xf32, #tpu.memory_space<vmem_shared>> -> memref<80x128xf32, #tpu.memory_space<vmem_shared>>
      %dma_wait3A_99 = arith.constant 0 : i32
      %dma_wait3A_100 = tpu.memref_slice %arg11[%add3A_23, %dma_wait3A_99] : memref<10000x128xf32, #tpu.memory_space<vmem_shared>> -> memref<80x128xf32, #tpu.memory_space<vmem_shared>>
      tpu.wait_dma2 semaphore(%run_scoped3A : memref<!tpu.dma_semaphore, #tpu.memory_space<semaphore_mem>>) src(%arg8 : memref<80x128xf32, #tpu.memory_space<vmem>>) dst(%dma_wait3A_100 : memref<80x128xf32, #tpu.memory_space<vmem_shared>>)
      tpu.yield
    }) : () -> ()
    %mul3A_24 = arith.constant 624 : i32
    %mul3A_25 = arith.muli %arg1, %mul3A_24 : i32
    %add3A_26 = arith.constant 400 : i32
    %add3A_27 = arith.addi %mul3A_25, %add3A_26 : i32
    "tpu.region"() ({
      %run_scoped3A = tpu.sem_alloc : memref<!tpu.dma_semaphore, #tpu.memory_space<semaphore_mem>>
      %dma_start3A_93 = arith.constant 0 : i32
      %dma_start3A_94 = tpu.memref_slice %arg11[%add3A_27, %dma_start3A_93] : memref<10000x128xf32, #tpu.memory_space<vmem_shared>> -> memref<80x128xf32, #tpu.memory_space<vmem_shared>>
      %dma_start3A_95 = arith.constant 0 : i32
      %dma_start3A_96 = tpu.memref_slice %arg11[%add3A_27, %dma_start3A_95] : memref<10000x128xf32, #tpu.memory_space<vmem_shared>> -> memref<80x128xf32, #tpu.memory_space<vmem_shared>>
      tpu.enqueue_dma source(%arg8 : memref<80x128xf32, #tpu.memory_space<vmem>>) target(%dma_start3A_96 : memref<80x128xf32, #tpu.memory_space<vmem_shared>>) target_semaphore(%run_scoped3A : memref<!tpu.dma_semaphore, #tpu.memory_space<semaphore_mem>>)
      %dma_wait3A_97 = arith.constant 0 : i32
      %dma_wait3A_98 = tpu.memref_slice %arg11[%add3A_27, %dma_wait3A_97] : memref<10000x128xf32, #tpu.memory_space<vmem_shared>> -> memref<80x128xf32, #tpu.memory_space<vmem_shared>>
      %dma_wait3A_99 = arith.constant 0 : i32
      %dma_wait3A_100 = tpu.memref_slice %arg11[%add3A_27, %dma_wait3A_99] : memref<10000x128xf32, #tpu.memory_space<vmem_shared>> -> memref<80x128xf32, #tpu.memory_space<vmem_shared>>
      tpu.wait_dma2 semaphore(%run_scoped3A : memref<!tpu.dma_semaphore, #tpu.memory_space<semaphore_mem>>) src(%arg8 : memref<80x128xf32, #tpu.memory_space<vmem>>) dst(%dma_wait3A_100 : memref<80x128xf32, #tpu.memory_space<vmem_shared>>)
      tpu.yield
    }) : () -> ()
    %mul3A_28 = arith.constant 624 : i32
    %mul3A_29 = arith.muli %arg1, %mul3A_28 : i32
    %add3A_30 = arith.constant 480 : i32
    %add3A_31 = arith.addi %mul3A_29, %add3A_30 : i32
    "tpu.region"() ({
      %run_scoped3A = tpu.sem_alloc : memref<!tpu.dma_semaphore, #tpu.memory_space<semaphore_mem>>
      %dma_start3A_93 = arith.constant 0 : i32
      %dma_start3A_94 = tpu.memref_slice %arg11[%add3A_31, %dma_start3A_93] : memref<10000x128xf32, #tpu.memory_space<vmem_shared>> -> memref<80x128xf32, #tpu.memory_space<vmem_shared>>
      %dma_start3A_95 = arith.constant 0 : i32
      %dma_start3A_96 = tpu.memref_slice %arg11[%add3A_31, %dma_start3A_95] : memref<10000x128xf32, #tpu.memory_space<vmem_shared>> -> memref<80x128xf32, #tpu.memory_space<vmem_shared>>
      tpu.enqueue_dma source(%arg8 : memref<80x128xf32, #tpu.memory_space<vmem>>) target(%dma_start3A_96 : memref<80x128xf32, #tpu.memory_space<vmem_shared>>) target_semaphore(%run_scoped3A : memref<!tpu.dma_semaphore, #tpu.memory_space<semaphore_mem>>)
      %dma_wait3A_97 = arith.constant 0 : i32
      %dma_wait3A_98 = tpu.memref_slice %arg11[%add3A_31, %dma_wait3A_97] : memref<10000x128xf32, #tpu.memory_space<vmem_shared>> -> memref<80x128xf32, #tpu.memory_space<vmem_shared>>
      %dma_wait3A_99 = arith.constant 0 : i32
      %dma_wait3A_100 = tpu.memref_slice %arg11[%add3A_31, %dma_wait3A_99] : memref<10000x128xf32, #tpu.memory_space<vmem_shared>> -> memref<80x128xf32, #tpu.memory_space<vmem_shared>>
      tpu.wait_dma2 semaphore(%run_scoped3A : memref<!tpu.dma_semaphore, #tpu.memory_space<semaphore_mem>>) src(%arg8 : memref<80x128xf32, #tpu.memory_space<vmem>>) dst(%dma_wait3A_100 : memref<80x128xf32, #tpu.memory_space<vmem_shared>>)
      tpu.yield
    }) : () -> ()
    %mul3A_32 = arith.constant 624 : i32
    %mul3A_33 = arith.muli %arg1, %mul3A_32 : i32
    %add3A_34 = arith.constant 560 : i32
    %add3A_35 = arith.addi %mul3A_33, %add3A_34 : i32
    "tpu.region"() ({
      %run_scoped3A = tpu.sem_alloc : memref<!tpu.dma_semaphore, #tpu.memory_space<semaphore_mem>>
      %dma_start3A_93 = arith.constant 0 : i32
      %dma_start3A_94 = arith.constant 0 : i32
      %dma_start3A_95 = tpu.memref_slice %arg8[%dma_start3A_93, %dma_start3A_94] : memref<80x128xf32, #tpu.memory_space<vmem>> -> memref<64x128xf32, #tpu.memory_space<vmem>>
      %dma_start3A_96 = arith.constant 0 : i32
      %dma_start3A_97 = tpu.memref_slice %arg11[%add3A_35, %dma_start3A_96] : memref<10000x128xf32, #tpu.memory_space<vmem_shared>> -> memref<64x128xf32, #tpu.memory_space<vmem_shared>>
      %dma_start3A_98 = arith.constant 0 : i32
      %dma_start3A_99 = tpu.memref_slice %arg11[%add3A_35, %dma_start3A_98] : memref<10000x128xf32, #tpu.memory_space<vmem_shared>> -> memref<64x128xf32, #tpu.memory_space<vmem_shared>>
      %dma_start3A_100 = arith.constant 0 : i32
      %dma_start3A_101 = arith.constant 0 : i32
      %dma_start3A_102 = tpu.memref_slice %arg8[%dma_start3A_100, %dma_start3A_101] : memref<80x128xf32, #tpu.memory_space<vmem>> -> memref<64x128xf32, #tpu.memory_space<vmem>>
      tpu.enqueue_dma source(%dma_start3A_102 : memref<64x128xf32, #tpu.memory_space<vmem>>) target(%dma_start3A_99 : memref<64x128xf32, #tpu.memory_space<vmem_shared>>) target_semaphore(%run_scoped3A : memref<!tpu.dma_semaphore, #tpu.memory_space<semaphore_mem>>)
      %dma_wait3A_103 = arith.constant 0 : i32
      %dma_wait3A_104 = arith.constant 0 : i32
      %dma_wait3A_105 = tpu.memref_slice %arg8[%dma_wait3A_103, %dma_wait3A_104] : memref<80x128xf32, #tpu.memory_space<vmem>> -> memref<64x128xf32, #tpu.memory_space<vmem>>
      %dma_wait3A_106 = arith.constant 0 : i32
      %dma_wait3A_107 = tpu.memref_slice %arg11[%add3A_35, %dma_wait3A_106] : memref<10000x128xf32, #tpu.memory_space<vmem_shared>> -> memref<64x128xf32, #tpu.memory_space<vmem_shared>>
      %dma_wait3A_108 = arith.constant 0 : i32
      %dma_wait3A_109 = tpu.memref_slice %arg11[%add3A_35, %dma_wait3A_108] : memref<10000x128xf32, #tpu.memory_space<vmem_shared>> -> memref<64x128xf32, #tpu.memory_space<vmem_shared>>
      %dma_wait3A_110 = arith.constant 0 : i32
      %dma_wait3A_111 = arith.constant 0 : i32
      %dma_wait3A_112 = tpu.memref_slice %arg8[%dma_wait3A_110, %dma_wait3A_111] : memref<80x128xf32, #tpu.memory_space<vmem>> -> memref<64x128xf32, #tpu.memory_space<vmem>>
      tpu.wait_dma2 semaphore(%run_scoped3A : memref<!tpu.dma_semaphore, #tpu.memory_space<semaphore_mem>>) src(%dma_wait3A_112 : memref<64x128xf32, #tpu.memory_space<vmem>>) dst(%dma_wait3A_109 : memref<64x128xf32, #tpu.memory_space<vmem_shared>>)
      tpu.yield
    }) : () -> ()
    %eq3A = arith.constant 0 : i32
    %eq3A_36 = arith.cmpi eq, %arg1, %eq3A : i32
    %convert_element_type3A = arith.extui %eq3A_36 : i1 to i32
    %cond3A = arith.constant 0 : i32
    %cond3A_37 = arith.cmpi ne, %convert_element_type3A, %cond3A : i32
    scf.if %cond3A_37 {
      "tpu.region"() ({
        %run_scoped3A = tpu.sem_alloc : memref<!tpu.dma_semaphore, #tpu.memory_space<semaphore_mem>>
        %dma_start3A_93 = arith.constant 0 : i32
        %dma_start3A_94 = arith.constant 0 : i32
        %dma_start3A_95 = tpu.memref_slice %arg8[%dma_start3A_93, %dma_start3A_94] : memref<80x128xf32, #tpu.memory_space<vmem>> -> memref<16x128xf32, #tpu.memory_space<vmem>>
        %dma_start3A_96 = arith.constant 9984 : i32
        %dma_start3A_97 = arith.constant 0 : i32
        %dma_start3A_98 = tpu.memref_slice %arg11[%dma_start3A_96, %dma_start3A_97] : memref<10000x128xf32, #tpu.memory_space<vmem_shared>> -> memref<16x128xf32, #tpu.memory_space<vmem_shared>>
        %dma_start3A_99 = arith.constant 9984 : i32
        %dma_start3A_100 = arith.constant 0 : i32
        %dma_start3A_101 = tpu.memref_slice %arg11[%dma_start3A_99, %dma_start3A_100] : memref<10000x128xf32, #tpu.memory_space<vmem_shared>> -> memref<16x128xf32, #tpu.memory_space<vmem_shared>>
        %dma_start3A_102 = arith.constant 0 : i32
        %dma_start3A_103 = arith.constant 0 : i32
        %dma_start3A_104 = tpu.memref_slice %arg8[%dma_start3A_102, %dma_start3A_103] : memref<80x128xf32, #tpu.memory_space<vmem>> -> memref<16x128xf32, #tpu.memory_space<vmem>>
        tpu.enqueue_dma source(%dma_start3A_104 : memref<16x128xf32, #tpu.memory_space<vmem>>) target(%dma_start3A_101 : memref<16x128xf32, #tpu.memory_space<vmem_shared>>) target_semaphore(%run_scoped3A : memref<!tpu.dma_semaphore, #tpu.memory_space<semaphore_mem>>)
        %dma_wait3A_105 = arith.constant 0 : i32
        %dma_wait3A_106 = arith.constant 0 : i32
        %dma_wait3A_107 = tpu.memref_slice %arg8[%dma_wait3A_105, %dma_wait3A_106] : memref<80x128xf32, #tpu.memory_space<vmem>> -> memref<16x128xf32, #tpu.memory_space<vmem>>
        %dma_wait3A_108 = arith.constant 9984 : i32
        %dma_wait3A_109 = arith.constant 0 : i32
        %dma_wait3A_110 = tpu.memref_slice %arg11[%dma_wait3A_108, %dma_wait3A_109] : memref<10000x128xf32, #tpu.memory_space<vmem_shared>> -> memref<16x128xf32, #tpu.memory_space<vmem_shared>>
        %dma_wait3A_111 = arith.constant 9984 : i32
        %dma_wait3A_112 = arith.constant 0 : i32
        %dma_wait3A_113 = tpu.memref_slice %arg11[%dma_wait3A_111, %dma_wait3A_112] : memref<10000x128xf32, #tpu.memory_space<vmem_shared>> -> memref<16x128xf32, #tpu.memory_space<vmem_shared>>
        %dma_wait3A_114 = arith.constant 0 : i32
        %dma_wait3A_115 = arith.constant 0 : i32
        %dma_wait3A_116 = tpu.memref_slice %arg8[%dma_wait3A_114, %dma_wait3A_115] : memref<80x128xf32, #tpu.memory_space<vmem>> -> memref<16x128xf32, #tpu.memory_space<vmem>>
        tpu.wait_dma2 semaphore(%run_scoped3A : memref<!tpu.dma_semaphore, #tpu.memory_space<semaphore_mem>>) src(%dma_wait3A_116 : memref<16x128xf32, #tpu.memory_space<vmem>>) dst(%dma_wait3A_113 : memref<16x128xf32, #tpu.memory_space<vmem_shared>>)
        tpu.yield
      }) : () -> ()
    } else {
    }
    %mul3A_38 = arith.constant 10000 : i32
    %mul3A_39 = arith.muli %arg1, %mul3A_38 : i32
    "tpu.region"() ({
      %run_scoped3A = tpu.sem_alloc : memref<!tpu.dma_semaphore, #tpu.memory_space<semaphore_mem>>
      %dma_start3A_93 = tpu.memref_slice %arg3[%mul3A_39] : memref<160000xi32, #tpu.memory_space<hbm>> -> memref<10000xi32, #tpu.memory_space<hbm>>
      %dma_start3A_94 = tpu.memref_slice %arg3[%mul3A_39] : memref<160000xi32, #tpu.memory_space<hbm>> -> memref<10000xi32, #tpu.memory_space<hbm>>
      tpu.enqueue_dma source(%dma_start3A_94 : memref<10000xi32, #tpu.memory_space<hbm>>) target(%arg6 : memref<10000xi32, #tpu.memory_space<vmem>>) target_semaphore(%run_scoped3A : memref<!tpu.dma_semaphore, #tpu.memory_space<semaphore_mem>>)
      %dma_wait3A_95 = tpu.memref_slice %arg3[%mul3A_39] : memref<160000xi32, #tpu.memory_space<hbm>> -> memref<10000xi32, #tpu.memory_space<hbm>>
      %dma_wait3A_96 = tpu.memref_slice %arg3[%mul3A_39] : memref<160000xi32, #tpu.memory_space<hbm>> -> memref<10000xi32, #tpu.memory_space<hbm>>
      tpu.wait_dma2 semaphore(%run_scoped3A : memref<!tpu.dma_semaphore, #tpu.memory_space<semaphore_mem>>) src(%dma_wait3A_96 : memref<10000xi32, #tpu.memory_space<hbm>>) dst(%arg6 : memref<10000xi32, #tpu.memory_space<vmem>>)
      tpu.yield
    }) : () -> ()
    %mul3A_40 = arith.constant 10000 : i32
    %mul3A_41 = arith.muli %arg1, %mul3A_40 : i32
    "tpu.region"() ({
      %run_scoped3A = tpu.sem_alloc : memref<!tpu.dma_semaphore, #tpu.memory_space<semaphore_mem>>
      %dma_start3A_93 = tpu.memref_slice %arg4[%mul3A_41] : memref<160000xi32, #tpu.memory_space<hbm>> -> memref<10000xi32, #tpu.memory_space<hbm>>
      %dma_start3A_94 = tpu.memref_slice %arg4[%mul3A_41] : memref<160000xi32, #tpu.memory_space<hbm>> -> memref<10000xi32, #tpu.memory_space<hbm>>
      tpu.enqueue_dma source(%dma_start3A_94 : memref<10000xi32, #tpu.memory_space<hbm>>) target(%arg7 : memref<10000xi32, #tpu.memory_space<vmem>>) target_semaphore(%run_scoped3A : memref<!tpu.dma_semaphore, #tpu.memory_space<semaphore_mem>>)
      %dma_wait3A_95 = tpu.memref_slice %arg4[%mul3A_41] : memref<160000xi32, #tpu.memory_space<hbm>> -> memref<10000xi32, #tpu.memory_space<hbm>>
      %dma_wait3A_96 = tpu.memref_slice %arg4[%mul3A_41] : memref<160000xi32, #tpu.memory_space<hbm>> -> memref<10000xi32, #tpu.memory_space<hbm>>
      tpu.wait_dma2 semaphore(%run_scoped3A : memref<!tpu.dma_semaphore, #tpu.memory_space<semaphore_mem>>) src(%dma_wait3A_96 : memref<10000xi32, #tpu.memory_space<hbm>>) dst(%arg7 : memref<10000xi32, #tpu.memory_space<vmem>>)
      tpu.yield
    }) : () -> ()
    %barrier3A = arith.constant 0 : index
    tpu.barrier barrier_id(%barrier3A)
    %dma_start3A = arith.constant 0 : i32
    %dma_start3A_42 = tpu.memref_slice %arg6[%dma_start3A] : memref<10000xi32, #tpu.memory_space<vmem>> -> memref<80xi32, #tpu.memory_space<vmem>>
    %dma_start3A_43 = arith.constant 0 : i32
    %dma_start3A_44 = arith.constant 0 : i32
    %dma_start3A_45 = tpu.memref_slice %arg2[%arg0, %dma_start3A_43, %dma_start3A_44] : memref<2x10000x128xf32, #tpu.memory_space<hbm>> -> memref<1x10000x128xf32, #tpu.memory_space<hbm>>
    %dma_start3A_46 = tpu.memref_squeeze %dma_start3A_45 : memref<1x10000x128xf32, #tpu.memory_space<hbm>> -> memref<10000x128xf32, #tpu.memory_space<hbm>>
    %dma_start3A_47 = arith.constant 0 : i32
    %dma_start3A_48 = arith.constant 0 : i32
    %dma_start3A_49 = tpu.memref_slice %dma_start3A_46[%dma_start3A_47, %dma_start3A_48] : memref<10000x128xf32, #tpu.memory_space<hbm>> -> memref<10000x128xf32, #tpu.memory_space<hbm>>
    tpu.enqueue_indirect_dma source(%dma_start3A_49 : memref<10000x128xf32, #tpu.memory_space<hbm>>) target(%arg8 : memref<80x128xf32, #tpu.memory_space<vmem>>) offsets(%dma_start3A_42 : memref<80xi32, #tpu.memory_space<vmem>>) semaphore(%arg12 : memref<!tpu.dma_semaphore, #tpu.memory_space<semaphore_mem>>)
    %dma_start3A_50 = arith.constant 80 : i32
    %dma_start3A_51 = tpu.memref_slice %arg6[%dma_start3A_50] : memref<10000xi32, #tpu.memory_space<vmem>> -> memref<80xi32, #tpu.memory_space<vmem>>
    %dma_start3A_52 = arith.constant 0 : i32
    %dma_start3A_53 = arith.constant 0 : i32
    %dma_start3A_54 = tpu.memref_slice %arg2[%arg0, %dma_start3A_52, %dma_start3A_53] : memref<2x10000x128xf32, #tpu.memory_space<hbm>> -> memref<1x10000x128xf32, #tpu.memory_space<hbm>>
    %dma_start3A_55 = tpu.memref_squeeze %dma_start3A_54 : memref<1x10000x128xf32, #tpu.memory_space<hbm>> -> memref<10000x128xf32, #tpu.memory_space<hbm>>
    %dma_start3A_56 = arith.constant 0 : i32
    %dma_start3A_57 = arith.constant 0 : i32
    %dma_start3A_58 = tpu.memref_slice %dma_start3A_55[%dma_start3A_56, %dma_start3A_57] : memref<10000x128xf32, #tpu.memory_space<hbm>> -> memref<10000x128xf32, #tpu.memory_space<hbm>>
    tpu.enqueue_indirect_dma source(%dma_start3A_58 : memref<10000x128xf32, #tpu.memory_space<hbm>>) target(%arg9 : memref<80x128xf32, #tpu.memory_space<vmem>>) offsets(%dma_start3A_51 : memref<80xi32, #tpu.memory_space<vmem>>) semaphore(%arg13 : memref<!tpu.dma_semaphore, #tpu.memory_space<semaphore_mem>>)
    %scan3A_59 = arith.constant 0 : i32
    %scan3A_60 = arith.constant 0 : i32
    %scan3A_61 = arith.constant 41 : i32
    %scan3A_62 = arith.addi %scan3A_60, %scan3A_61 : i32
    %scan3A_63 = arith.constant 1 : i32
    %scan3A_64 = scf.for %scan3A_93 = %scan3A_60 to %scan3A_62 step %scan3A_63 iter_args(%scan3A_94 = %scan3A_59) -> (i32)  : i32 {
      %mul3A_95 = arith.constant 3 : i32
      %mul3A_96 = arith.muli %mul3A_95, %scan3A_93 : i32
      %add3A_97 = arith.constant 2 : i32
      %add3A_98 = arith.addi %mul3A_96, %add3A_97 : i32
      %mul3A_99 = arith.constant 80 : i32
      %mul3A_100 = arith.muli %add3A_98, %mul3A_99 : i32
      %dma_start3A_101 = tpu.memref_slice %arg6[%mul3A_100] : memref<10000xi32, #tpu.memory_space<vmem>> -> memref<80xi32, #tpu.memory_space<vmem>>
      %dma_start3A_102 = arith.constant 0 : i32
      %dma_start3A_103 = arith.constant 0 : i32
      %dma_start3A_104 = tpu.memref_slice %arg2[%arg0, %dma_start3A_102, %dma_start3A_103] : memref<2x10000x128xf32, #tpu.memory_space<hbm>> -> memref<1x10000x128xf32, #tpu.memory_space<hbm>>
      %dma_start3A_105 = tpu.memref_squeeze %dma_start3A_104 : memref<1x10000x128xf32, #tpu.memory_space<hbm>> -> memref<10000x128xf32, #tpu.memory_space<hbm>>
      %dma_start3A_106 = arith.constant 0 : i32
      %dma_start3A_107 = arith.constant 0 : i32
      %dma_start3A_108 = tpu.memref_slice %dma_start3A_105[%dma_start3A_106, %dma_start3A_107] : memref<10000x128xf32, #tpu.memory_space<hbm>> -> memref<10000x128xf32, #tpu.memory_space<hbm>>
      tpu.enqueue_indirect_dma source(%dma_start3A_108 : memref<10000x128xf32, #tpu.memory_space<hbm>>) target(%arg10 : memref<80x128xf32, #tpu.memory_space<vmem>>) offsets(%dma_start3A_101 : memref<80xi32, #tpu.memory_space<vmem>>) semaphore(%arg14 : memref<!tpu.dma_semaphore, #tpu.memory_space<semaphore_mem>>)
      %mul3A_109 = arith.constant 80 : i32
      %mul3A_110 = arith.muli %mul3A_96, %mul3A_109 : i32
      %dma_wait3A_111 = tpu.memref_slice %arg6[%mul3A_110] : memref<10000xi32, #tpu.memory_space<vmem>> -> memref<80xi32, #tpu.memory_space<vmem>>
      %dma_wait3A_112 = arith.constant 0 : i32
      %dma_wait3A_113 = arith.constant 0 : i32
      %dma_wait3A_114 = tpu.memref_slice %arg2[%arg0, %dma_wait3A_112, %dma_wait3A_113] : memref<2x10000x128xf32, #tpu.memory_space<hbm>> -> memref<1x10000x128xf32, #tpu.memory_space<hbm>>
      %dma_wait3A_115 = tpu.memref_squeeze %dma_wait3A_114 : memref<1x10000x128xf32, #tpu.memory_space<hbm>> -> memref<10000x128xf32, #tpu.memory_space<hbm>>
      %dma_wait3A_116 = arith.constant 0 : i32
      %dma_wait3A_117 = arith.constant 0 : i32
      %dma_wait3A_118 = tpu.memref_slice %dma_wait3A_115[%dma_wait3A_116, %dma_wait3A_117] : memref<10000x128xf32, #tpu.memory_space<hbm>> -> memref<10000x128xf32, #tpu.memory_space<hbm>>
      tpu.wait_indirect_dma semaphore(%arg12 : memref<!tpu.dma_semaphore, #tpu.memory_space<semaphore_mem>>) src(%dma_wait3A_118 : memref<10000x128xf32, #tpu.memory_space<hbm>>) dst(%arg8 : memref<80x128xf32, #tpu.memory_space<vmem>>)
      %mul3A_119 = arith.constant 80 : i32
      %mul3A_120 = arith.muli %mul3A_96, %mul3A_119 : i32
      "tpu.region"() ({
        %run_scoped3A = tpu.sem_alloc : memref<!tpu.dma_semaphore, #tpu.memory_space<semaphore_mem>>
        %dma_start3A_178 = tpu.memref_slice %arg7[%mul3A_120] : memref<10000xi32, #tpu.memory_space<vmem>> -> memref<80xi32, #tpu.memory_space<vmem>>
        %dma_start3A_179 = arith.constant 0 : i32
        %dma_start3A_180 = arith.constant 0 : i32
        %dma_start3A_181 = tpu.memref_slice %arg11[%dma_start3A_179, %dma_start3A_180] : memref<10000x128xf32, #tpu.memory_space<vmem_shared>> -> memref<10000x128xf32, #tpu.memory_space<vmem_shared>>
        tpu.enqueue_indirect_dma source(%arg8 : memref<80x128xf32, #tpu.memory_space<vmem>>) target(%dma_start3A_181 : memref<10000x128xf32, #tpu.memory_space<vmem_shared>>) offsets(%dma_start3A_178 : memref<80xi32, #tpu.memory_space<vmem>>) semaphore(%run_scoped3A : memref<!tpu.dma_semaphore, #tpu.memory_space<semaphore_mem>>) {add = true}
        %dma_wait3A_182 = tpu.memref_slice %arg7[%mul3A_120] : memref<10000xi32, #tpu.memory_space<vmem>> -> memref<80xi32, #tpu.memory_space<vmem>>
        %dma_wait3A_183 = arith.constant 0 : i32
        %dma_wait3A_184 = arith.constant 0 : i32
        %dma_wait3A_185 = tpu.memref_slice %arg11[%dma_wait3A_183, %dma_wait3A_184] : memref<10000x128xf32, #tpu.memory_space<vmem_shared>> -> memref<10000x128xf32, #tpu.memory_space<vmem_shared>>
        tpu.wait_indirect_dma semaphore(%run_scoped3A : memref<!tpu.dma_semaphore, #tpu.memory_space<semaphore_mem>>) src(%arg8 : memref<80x128xf32, #tpu.memory_space<vmem>>) dst(%dma_wait3A_185 : memref<10000x128xf32, #tpu.memory_space<vmem_shared>>)
        tpu.yield
      }) : () -> ()
      %add3A_121 = arith.constant 3 : i32
      %add3A_122 = arith.addi %mul3A_96, %add3A_121 : i32
      %mul3A_123 = arith.constant 80 : i32
      %mul3A_124 = arith.muli %add3A_122, %mul3A_123 : i32
      %dma_start3A_125 = tpu.memref_slice %arg6[%mul3A_124] : memref<10000xi32, #tpu.memory_space<vmem>> -> memref<80xi32, #tpu.memory_space<vmem>>
      %dma_start3A_126 = arith.constant 0 : i32
      %dma_start3A_127 = arith.constant 0 : i32
      %dma_start3A_128 = tpu.memref_slice %arg2[%arg0, %dma_start3A_126, %dma_start3A_127] : memref<2x10000x128xf32, #tpu.memory_space<hbm>> -> memref<1x10000x128xf32, #tpu.memory_space<hbm>>
      %dma_start3A_129 = tpu.memref_squeeze %dma_start3A_128 : memref<1x10000x128xf32, #tpu.memory_space<hbm>> -> memref<10000x128xf32, #tpu.memory_space<hbm>>
      %dma_start3A_130 = arith.constant 0 : i32
      %dma_start3A_131 = arith.constant 0 : i32
      %dma_start3A_132 = tpu.memref_slice %dma_start3A_129[%dma_start3A_130, %dma_start3A_131] : memref<10000x128xf32, #tpu.memory_space<hbm>> -> memref<10000x128xf32, #tpu.memory_space<hbm>>
      tpu.enqueue_indirect_dma source(%dma_start3A_132 : memref<10000x128xf32, #tpu.memory_space<hbm>>) target(%arg8 : memref<80x128xf32, #tpu.memory_space<vmem>>) offsets(%dma_start3A_125 : memref<80xi32, #tpu.memory_space<vmem>>) semaphore(%arg12 : memref<!tpu.dma_semaphore, #tpu.memory_space<semaphore_mem>>)
      %add3A_133 = arith.constant 1 : i32
      %add3A_134 = arith.addi %mul3A_96, %add3A_133 : i32
      %mul3A_135 = arith.constant 80 : i32
      %mul3A_136 = arith.muli %add3A_134, %mul3A_135 : i32
      %dma_wait3A_137 = tpu.memref_slice %arg6[%mul3A_136] : memref<10000xi32, #tpu.memory_space<vmem>> -> memref<80xi32, #tpu.memory_space<vmem>>
      %dma_wait3A_138 = arith.constant 0 : i32
      %dma_wait3A_139 = arith.constant 0 : i32
      %dma_wait3A_140 = tpu.memref_slice %arg2[%arg0, %dma_wait3A_138, %dma_wait3A_139] : memref<2x10000x128xf32, #tpu.memory_space<hbm>> -> memref<1x10000x128xf32, #tpu.memory_space<hbm>>
      %dma_wait3A_141 = tpu.memref_squeeze %dma_wait3A_140 : memref<1x10000x128xf32, #tpu.memory_space<hbm>> -> memref<10000x128xf32, #tpu.memory_space<hbm>>
      %dma_wait3A_142 = arith.constant 0 : i32
      %dma_wait3A_143 = arith.constant 0 : i32
      %dma_wait3A_144 = tpu.memref_slice %dma_wait3A_141[%dma_wait3A_142, %dma_wait3A_143] : memref<10000x128xf32, #tpu.memory_space<hbm>> -> memref<10000x128xf32, #tpu.memory_space<hbm>>
      tpu.wait_indirect_dma semaphore(%arg13 : memref<!tpu.dma_semaphore, #tpu.memory_space<semaphore_mem>>) src(%dma_wait3A_144 : memref<10000x128xf32, #tpu.memory_space<hbm>>) dst(%arg9 : memref<80x128xf32, #tpu.memory_space<vmem>>)
      %add3A_145 = arith.constant 1 : i32
      %add3A_146 = arith.addi %mul3A_96, %add3A_145 : i32
      %mul3A_147 = arith.constant 80 : i32
      %mul3A_148 = arith.muli %add3A_146, %mul3A_147 : i32
      "tpu.region"() ({
        %run_scoped3A = tpu.sem_alloc : memref<!tpu.dma_semaphore, #tpu.memory_space<semaphore_mem>>
        %dma_start3A_178 = tpu.memref_slice %arg7[%mul3A_148] : memref<10000xi32, #tpu.memory_space<vmem>> -> memref<80xi32, #tpu.memory_space<vmem>>
        %dma_start3A_179 = arith.constant 0 : i32
        %dma_start3A_180 = arith.constant 0 : i32
        %dma_start3A_181 = tpu.memref_slice %arg11[%dma_start3A_179, %dma_start3A_180] : memref<10000x128xf32, #tpu.memory_space<vmem_shared>> -> memref<10000x128xf32, #tpu.memory_space<vmem_shared>>
        tpu.enqueue_indirect_dma source(%arg9 : memref<80x128xf32, #tpu.memory_space<vmem>>) target(%dma_start3A_181 : memref<10000x128xf32, #tpu.memory_space<vmem_shared>>) offsets(%dma_start3A_178 : memref<80xi32, #tpu.memory_space<vmem>>) semaphore(%run_scoped3A : memref<!tpu.dma_semaphore, #tpu.memory_space<semaphore_mem>>) {add = true}
        %dma_wait3A_182 = tpu.memref_slice %arg7[%mul3A_148] : memref<10000xi32, #tpu.memory_space<vmem>> -> memref<80xi32, #tpu.memory_space<vmem>>
        %dma_wait3A_183 = arith.constant 0 : i32
        %dma_wait3A_184 = arith.constant 0 : i32
        %dma_wait3A_185 = tpu.memref_slice %arg11[%dma_wait3A_183, %dma_wait3A_184] : memref<10000x128xf32, #tpu.memory_space<vmem_shared>> -> memref<10000x128xf32, #tpu.memory_space<vmem_shared>>
        tpu.wait_indirect_dma semaphore(%run_scoped3A : memref<!tpu.dma_semaphore, #tpu.memory_space<semaphore_mem>>) src(%arg9 : memref<80x128xf32, #tpu.memory_space<vmem>>) dst(%dma_wait3A_185 : memref<10000x128xf32, #tpu.memory_space<vmem_shared>>)
        tpu.yield
      }) : () -> ()
      %add3A_149 = arith.constant 4 : i32
      %add3A_150 = arith.addi %mul3A_96, %add3A_149 : i32
      %mul3A_151 = arith.constant 80 : i32
      %mul3A_152 = arith.muli %add3A_150, %mul3A_151 : i32
      %dma_start3A_153 = tpu.memref_slice %arg6[%mul3A_152] : memref<10000xi32, #tpu.memory_space<vmem>> -> memref<80xi32, #tpu.memory_space<vmem>>
      %dma_start3A_154 = arith.constant 0 : i32
      %dma_start3A_155 = arith.constant 0 : i32
      %dma_start3A_156 = tpu.memref_slice %arg2[%arg0, %dma_start3A_154, %dma_start3A_155] : memref<2x10000x128xf32, #tpu.memory_space<hbm>> -> memref<1x10000x128xf32, #tpu.memory_space<hbm>>
      %dma_start3A_157 = tpu.memref_squeeze %dma_start3A_156 : memref<1x10000x128xf32, #tpu.memory_space<hbm>> -> memref<10000x128xf32, #tpu.memory_space<hbm>>
      %dma_start3A_158 = arith.constant 0 : i32
      %dma_start3A_159 = arith.constant 0 : i32
      %dma_start3A_160 = tpu.memref_slice %dma_start3A_157[%dma_start3A_158, %dma_start3A_159] : memref<10000x128xf32, #tpu.memory_space<hbm>> -> memref<10000x128xf32, #tpu.memory_space<hbm>>
      tpu.enqueue_indirect_dma source(%dma_start3A_160 : memref<10000x128xf32, #tpu.memory_space<hbm>>) target(%arg9 : memref<80x128xf32, #tpu.memory_space<vmem>>) offsets(%dma_start3A_153 : memref<80xi32, #tpu.memory_space<vmem>>) semaphore(%arg13 : memref<!tpu.dma_semaphore, #tpu.memory_space<semaphore_mem>>)
      %add3A_161 = arith.constant 2 : i32
      %add3A_162 = arith.addi %mul3A_96, %add3A_161 : i32
      %mul3A_163 = arith.constant 80 : i32
      %mul3A_164 = arith.muli %add3A_162, %mul3A_163 : i32
      %dma_wait3A_165 = tpu.memref_slice %arg6[%mul3A_164] : memref<10000xi32, #tpu.memory_space<vmem>> -> memref<80xi32, #tpu.memory_space<vmem>>
      %dma_wait3A_166 = arith.constant 0 : i32
      %dma_wait3A_167 = arith.constant 0 : i32
      %dma_wait3A_168 = tpu.memref_slice %arg2[%arg0, %dma_wait3A_166, %dma_wait3A_167] : memref<2x10000x128xf32, #tpu.memory_space<hbm>> -> memref<1x10000x128xf32, #tpu.memory_space<hbm>>
      %dma_wait3A_169 = tpu.memref_squeeze %dma_wait3A_168 : memref<1x10000x128xf32, #tpu.memory_space<hbm>> -> memref<10000x128xf32, #tpu.memory_space<hbm>>
      %dma_wait3A_170 = arith.constant 0 : i32
      %dma_wait3A_171 = arith.constant 0 : i32
      %dma_wait3A_172 = tpu.memref_slice %dma_wait3A_169[%dma_wait3A_170, %dma_wait3A_171] : memref<10000x128xf32, #tpu.memory_space<hbm>> -> memref<10000x128xf32, #tpu.memory_space<hbm>>
      tpu.wait_indirect_dma semaphore(%arg14 : memref<!tpu.dma_semaphore, #tpu.memory_space<semaphore_mem>>) src(%dma_wait3A_172 : memref<10000x128xf32, #tpu.memory_space<hbm>>) dst(%arg10 : memref<80x128xf32, #tpu.memory_space<vmem>>)
      %add3A_173 = arith.constant 2 : i32
      %add3A_174 = arith.addi %mul3A_96, %add3A_173 : i32
      %mul3A_175 = arith.constant 80 : i32
      %mul3A_176 = arith.muli %add3A_174, %mul3A_175 : i32
      "tpu.region"() ({
        %run_scoped3A = tpu.sem_alloc : memref<!tpu.dma_semaphore, #tpu.memory_space<semaphore_mem>>
        %dma_start3A_178 = tpu.memref_slice %arg7[%mul3A_176] : memref<10000xi32, #tpu.memory_space<vmem>> -> memref<80xi32, #tpu.memory_space<vmem>>
        %dma_start3A_179 = arith.constant 0 : i32
        %dma_start3A_180 = arith.constant 0 : i32
        %dma_start3A_181 = tpu.memref_slice %arg11[%dma_start3A_179, %dma_start3A_180] : memref<10000x128xf32, #tpu.memory_space<vmem_shared>> -> memref<10000x128xf32, #tpu.memory_space<vmem_shared>>
        tpu.enqueue_indirect_dma source(%arg10 : memref<80x128xf32, #tpu.memory_space<vmem>>) target(%dma_start3A_181 : memref<10000x128xf32, #tpu.memory_space<vmem_shared>>) offsets(%dma_start3A_178 : memref<80xi32, #tpu.memory_space<vmem>>) semaphore(%run_scoped3A : memref<!tpu.dma_semaphore, #tpu.memory_space<semaphore_mem>>) {add = true}
        %dma_wait3A_182 = tpu.memref_slice %arg7[%mul3A_176] : memref<10000xi32, #tpu.memory_space<vmem>> -> memref<80xi32, #tpu.memory_space<vmem>>
        %dma_wait3A_183 = arith.constant 0 : i32
        %dma_wait3A_184 = arith.constant 0 : i32
        %dma_wait3A_185 = tpu.memref_slice %arg11[%dma_wait3A_183, %dma_wait3A_184] : memref<10000x128xf32, #tpu.memory_space<vmem_shared>> -> memref<10000x128xf32, #tpu.memory_space<vmem_shared>>
        tpu.wait_indirect_dma semaphore(%run_scoped3A : memref<!tpu.dma_semaphore, #tpu.memory_space<semaphore_mem>>) src(%arg10 : memref<80x128xf32, #tpu.memory_space<vmem>>) dst(%dma_wait3A_185 : memref<10000x128xf32, #tpu.memory_space<vmem_shared>>)
        tpu.yield
      }) : () -> ()
      %scan3A_177 = arith.constant 0 : i32
      scf.yield %scan3A_177 : i32
    }
    %scan3A_65 = arith.constant 41 : i32
    %dma_wait3A = arith.constant 9840 : i32
    %dma_wait3A_66 = tpu.memref_slice %arg6[%dma_wait3A] : memref<10000xi32, #tpu.memory_space<vmem>> -> memref<80xi32, #tpu.memory_space<vmem>>
    %dma_wait3A_67 = arith.constant 0 : i32
    %dma_wait3A_68 = arith.constant 0 : i32
    %dma_wait3A_69 = tpu.memref_slice %arg2[%arg0, %dma_wait3A_67, %dma_wait3A_68] : memref<2x10000x128xf32, #tpu.memory_space<hbm>> -> memref<1x10000x128xf32, #tpu.memory_space<hbm>>
    %dma_wait3A_70 = tpu.memref_squeeze %dma_wait3A_69 : memref<1x10000x128xf32, #tpu.memory_space<hbm>> -> memref<10000x128xf32, #tpu.memory_space<hbm>>
    %dma_wait3A_71 = arith.constant 0 : i32
    %dma_wait3A_72 = arith.constant 0 : i32
    %dma_wait3A_73 = tpu.memref_slice %dma_wait3A_70[%dma_wait3A_71, %dma_wait3A_72] : memref<10000x128xf32, #tpu.memory_space<hbm>> -> memref<10000x128xf32, #tpu.memory_space<hbm>>
    tpu.wait_indirect_dma semaphore(%arg12 : memref<!tpu.dma_semaphore, #tpu.memory_space<semaphore_mem>>) src(%dma_wait3A_73 : memref<10000x128xf32, #tpu.memory_space<hbm>>) dst(%arg8 : memref<80x128xf32, #tpu.memory_space<vmem>>)
    "tpu.region"() ({
      %run_scoped3A = tpu.sem_alloc : memref<!tpu.dma_semaphore, #tpu.memory_space<semaphore_mem>>
      %dma_start3A_93 = arith.constant 9840 : i32
      %dma_start3A_94 = tpu.memref_slice %arg7[%dma_start3A_93] : memref<10000xi32, #tpu.memory_space<vmem>> -> memref<80xi32, #tpu.memory_space<vmem>>
      %dma_start3A_95 = arith.constant 0 : i32
      %dma_start3A_96 = arith.constant 0 : i32
      %dma_start3A_97 = tpu.memref_slice %arg11[%dma_start3A_95, %dma_start3A_96] : memref<10000x128xf32, #tpu.memory_space<vmem_shared>> -> memref<10000x128xf32, #tpu.memory_space<vmem_shared>>
      tpu.enqueue_indirect_dma source(%arg8 : memref<80x128xf32, #tpu.memory_space<vmem>>) target(%dma_start3A_97 : memref<10000x128xf32, #tpu.memory_space<vmem_shared>>) offsets(%dma_start3A_94 : memref<80xi32, #tpu.memory_space<vmem>>) semaphore(%run_scoped3A : memref<!tpu.dma_semaphore, #tpu.memory_space<semaphore_mem>>) {add = true}
      %dma_wait3A_98 = arith.constant 9840 : i32
      %dma_wait3A_99 = tpu.memref_slice %arg7[%dma_wait3A_98] : memref<10000xi32, #tpu.memory_space<vmem>> -> memref<80xi32, #tpu.memory_space<vmem>>
      %dma_wait3A_100 = arith.constant 0 : i32
      %dma_wait3A_101 = arith.constant 0 : i32
      %dma_wait3A_102 = tpu.memref_slice %arg11[%dma_wait3A_100, %dma_wait3A_101] : memref<10000x128xf32, #tpu.memory_space<vmem_shared>> -> memref<10000x128xf32, #tpu.memory_space<vmem_shared>>
      tpu.wait_indirect_dma semaphore(%run_scoped3A : memref<!tpu.dma_semaphore, #tpu.memory_space<semaphore_mem>>) src(%arg8 : memref<80x128xf32, #tpu.memory_space<vmem>>) dst(%dma_wait3A_102 : memref<10000x128xf32, #tpu.memory_space<vmem_shared>>)
      tpu.yield
    }) : () -> ()
    %dma_wait3A_74 = arith.constant 9920 : i32
    %dma_wait3A_75 = tpu.memref_slice %arg6[%dma_wait3A_74] : memref<10000xi32, #tpu.memory_space<vmem>> -> memref<80xi32, #tpu.memory_space<vmem>>
    %dma_wait3A_76 = arith.constant 0 : i32
    %dma_wait3A_77 = arith.constant 0 : i32
    %dma_wait3A_78 = tpu.memref_slice %arg2[%arg0, %dma_wait3A_76, %dma_wait3A_77] : memref<2x10000x128xf32, #tpu.memory_space<hbm>> -> memref<1x10000x128xf32, #tpu.memory_space<hbm>>
    %dma_wait3A_79 = tpu.memref_squeeze %dma_wait3A_78 : memref<1x10000x128xf32, #tpu.memory_space<hbm>> -> memref<10000x128xf32, #tpu.memory_space<hbm>>
    %dma_wait3A_80 = arith.constant 0 : i32
    %dma_wait3A_81 = arith.constant 0 : i32
    %dma_wait3A_82 = tpu.memref_slice %dma_wait3A_79[%dma_wait3A_80, %dma_wait3A_81] : memref<10000x128xf32, #tpu.memory_space<hbm>> -> memref<10000x128xf32, #tpu.memory_space<hbm>>
    tpu.wait_indirect_dma semaphore(%arg13 : memref<!tpu.dma_semaphore, #tpu.memory_space<semaphore_mem>>) src(%dma_wait3A_82 : memref<10000x128xf32, #tpu.memory_space<hbm>>) dst(%arg9 : memref<80x128xf32, #tpu.memory_space<vmem>>)
    "tpu.region"() ({
      %run_scoped3A = tpu.sem_alloc : memref<!tpu.dma_semaphore, #tpu.memory_space<semaphore_mem>>
      %dma_start3A_93 = arith.constant 9920 : i32
      %dma_start3A_94 = tpu.memref_slice %arg7[%dma_start3A_93] : memref<10000xi32, #tpu.memory_space<vmem>> -> memref<80xi32, #tpu.memory_space<vmem>>
      %dma_start3A_95 = arith.constant 0 : i32
      %dma_start3A_96 = arith.constant 0 : i32
      %dma_start3A_97 = tpu.memref_slice %arg11[%dma_start3A_95, %dma_start3A_96] : memref<10000x128xf32, #tpu.memory_space<vmem_shared>> -> memref<10000x128xf32, #tpu.memory_space<vmem_shared>>
      tpu.enqueue_indirect_dma source(%arg9 : memref<80x128xf32, #tpu.memory_space<vmem>>) target(%dma_start3A_97 : memref<10000x128xf32, #tpu.memory_space<vmem_shared>>) offsets(%dma_start3A_94 : memref<80xi32, #tpu.memory_space<vmem>>) semaphore(%run_scoped3A : memref<!tpu.dma_semaphore, #tpu.memory_space<semaphore_mem>>) {add = true}
      %dma_wait3A_98 = arith.constant 9920 : i32
      %dma_wait3A_99 = tpu.memref_slice %arg7[%dma_wait3A_98] : memref<10000xi32, #tpu.memory_space<vmem>> -> memref<80xi32, #tpu.memory_space<vmem>>
      %dma_wait3A_100 = arith.constant 0 : i32
      %dma_wait3A_101 = arith.constant 0 : i32
      %dma_wait3A_102 = tpu.memref_slice %arg11[%dma_wait3A_100, %dma_wait3A_101] : memref<10000x128xf32, #tpu.memory_space<vmem_shared>> -> memref<10000x128xf32, #tpu.memory_space<vmem_shared>>
      tpu.wait_indirect_dma semaphore(%run_scoped3A : memref<!tpu.dma_semaphore, #tpu.memory_space<semaphore_mem>>) src(%arg9 : memref<80x128xf32, #tpu.memory_space<vmem>>) dst(%dma_wait3A_102 : memref<10000x128xf32, #tpu.memory_space<vmem_shared>>)
      tpu.yield
    }) : () -> ()
    %barrier3A_83 = arith.constant 0 : index
    tpu.barrier barrier_id(%barrier3A_83)
    %mul3A_84 = arith.constant 624 : i32
    %mul3A_85 = arith.muli %arg1, %mul3A_84 : i32
    %mul3A_86 = arith.constant 624 : i32
    %mul3A_87 = arith.muli %arg1, %mul3A_86 : i32
    "tpu.region"() ({
      %run_scoped3A = tpu.sem_alloc : memref<!tpu.dma_semaphore, #tpu.memory_space<semaphore_mem>>
      %dma_start3A_93 = arith.constant 0 : i32
      %dma_start3A_94 = arith.constant 0 : i32
      %dma_start3A_95 = tpu.memref_slice %arg5[%arg0, %dma_start3A_93, %dma_start3A_94] : memref<2x10000x128xf32, #tpu.memory_space<hbm>> -> memref<1x10000x128xf32, #tpu.memory_space<hbm>>
      %dma_start3A_96 = tpu.memref_squeeze %dma_start3A_95 : memref<1x10000x128xf32, #tpu.memory_space<hbm>> -> memref<10000x128xf32, #tpu.memory_space<hbm>>
      %dma_start3A_97 = arith.constant 0 : i32
      %dma_start3A_98 = tpu.memref_slice %dma_start3A_96[%mul3A_87, %dma_start3A_97] : memref<10000x128xf32, #tpu.memory_space<hbm>> -> memref<624x128xf32, #tpu.memory_space<hbm>>
      %dma_start3A_99 = arith.constant 0 : i32
      %dma_start3A_100 = tpu.memref_slice %arg11[%mul3A_85, %dma_start3A_99] : memref<10000x128xf32, #tpu.memory_space<vmem_shared>> -> memref<624x128xf32, #tpu.memory_space<vmem_shared>>
      tpu.enqueue_dma source(%dma_start3A_100 : memref<624x128xf32, #tpu.memory_space<vmem_shared>>) target(%dma_start3A_98 : memref<624x128xf32, #tpu.memory_space<hbm>>) target_semaphore(%run_scoped3A : memref<!tpu.dma_semaphore, #tpu.memory_space<semaphore_mem>>)
      %dma_wait3A_101 = arith.constant 0 : i32
      %dma_wait3A_102 = arith.constant 0 : i32
      %dma_wait3A_103 = tpu.memref_slice %arg5[%arg0, %dma_wait3A_101, %dma_wait3A_102] : memref<2x10000x128xf32, #tpu.memory_space<hbm>> -> memref<1x10000x128xf32, #tpu.memory_space<hbm>>
      %dma_wait3A_104 = tpu.memref_squeeze %dma_wait3A_103 : memref<1x10000x128xf32, #tpu.memory_space<hbm>> -> memref<10000x128xf32, #tpu.memory_space<hbm>>
      %dma_wait3A_105 = arith.constant 0 : i32
      %dma_wait3A_106 = tpu.memref_slice %dma_wait3A_104[%mul3A_87, %dma_wait3A_105] : memref<10000x128xf32, #tpu.memory_space<hbm>> -> memref<624x128xf32, #tpu.memory_space<hbm>>
      %dma_wait3A_107 = arith.constant 0 : i32
      %dma_wait3A_108 = tpu.memref_slice %arg11[%mul3A_85, %dma_wait3A_107] : memref<10000x128xf32, #tpu.memory_space<vmem_shared>> -> memref<624x128xf32, #tpu.memory_space<vmem_shared>>
      tpu.wait_dma2 semaphore(%run_scoped3A : memref<!tpu.dma_semaphore, #tpu.memory_space<semaphore_mem>>) src(%dma_wait3A_108 : memref<624x128xf32, #tpu.memory_space<vmem_shared>>) dst(%dma_wait3A_106 : memref<624x128xf32, #tpu.memory_space<hbm>>)
      tpu.yield
    }) : () -> ()
    %eq3A_88 = arith.constant 0 : i32
    %eq3A_89 = arith.cmpi eq, %arg1, %eq3A_88 : i32
    %convert_element_type3A_90 = arith.extui %eq3A_89 : i1 to i32
    %cond3A_91 = arith.constant 0 : i32
    %cond3A_92 = arith.cmpi ne, %convert_element_type3A_90, %cond3A_91 : i32
    scf.if %cond3A_92 {
      "tpu.region"() ({
        %run_scoped3A = tpu.sem_alloc : memref<!tpu.dma_semaphore, #tpu.memory_space<semaphore_mem>>
        %dma_start3A_93 = arith.constant 0 : i32
        %dma_start3A_94 = arith.constant 0 : i32
        %dma_start3A_95 = tpu.memref_slice %arg5[%arg0, %dma_start3A_93, %dma_start3A_94] : memref<2x10000x128xf32, #tpu.memory_space<hbm>> -> memref<1x10000x128xf32, #tpu.memory_space<hbm>>
        %dma_start3A_96 = tpu.memref_squeeze %dma_start3A_95 : memref<1x10000x128xf32, #tpu.memory_space<hbm>> -> memref<10000x128xf32, #tpu.memory_space<hbm>>
        %dma_start3A_97 = arith.constant 9984 : i32
        %dma_start3A_98 = arith.constant 0 : i32
        %dma_start3A_99 = tpu.memref_slice %dma_start3A_96[%dma_start3A_97, %dma_start3A_98] : memref<10000x128xf32, #tpu.memory_space<hbm>> -> memref<16x128xf32, #tpu.memory_space<hbm>>
        %dma_start3A_100 = arith.constant 9984 : i32
        %dma_start3A_101 = arith.constant 0 : i32
        %dma_start3A_102 = tpu.memref_slice %arg11[%dma_start3A_100, %dma_start3A_101] : memref<10000x128xf32, #tpu.memory_space<vmem_shared>> -> memref<16x128xf32, #tpu.memory_space<vmem_shared>>
        tpu.enqueue_dma source(%dma_start3A_102 : memref<16x128xf32, #tpu.memory_space<vmem_shared>>) target(%dma_start3A_99 : memref<16x128xf32, #tpu.memory_space<hbm>>) target_semaphore(%run_scoped3A : memref<!tpu.dma_semaphore, #tpu.memory_space<semaphore_mem>>)
        %dma_wait3A_103 = arith.constant 0 : i32
        %dma_wait3A_104 = arith.constant 0 : i32
        %dma_wait3A_105 = tpu.memref_slice %arg5[%arg0, %dma_wait3A_103, %dma_wait3A_104] : memref<2x10000x128xf32, #tpu.memory_space<hbm>> -> memref<1x10000x128xf32, #tpu.memory_space<hbm>>
        %dma_wait3A_106 = tpu.memref_squeeze %dma_wait3A_105 : memref<1x10000x128xf32, #tpu.memory_space<hbm>> -> memref<10000x128xf32, #tpu.memory_space<hbm>>
        %dma_wait3A_107 = arith.constant 9984 : i32
        %dma_wait3A_108 = arith.constant 0 : i32
        %dma_wait3A_109 = tpu.memref_slice %dma_wait3A_106[%dma_wait3A_107, %dma_wait3A_108] : memref<10000x128xf32, #tpu.memory_space<hbm>> -> memref<16x128xf32, #tpu.memory_space<hbm>>
        %dma_wait3A_110 = arith.constant 9984 : i32
        %dma_wait3A_111 = arith.constant 0 : i32
        %dma_wait3A_112 = tpu.memref_slice %arg11[%dma_wait3A_110, %dma_wait3A_111] : memref<10000x128xf32, #tpu.memory_space<vmem_shared>> -> memref<16x128xf32, #tpu.memory_space<vmem_shared>>
        tpu.wait_dma2 semaphore(%run_scoped3A : memref<!tpu.dma_semaphore, #tpu.memory_space<semaphore_mem>>) src(%dma_wait3A_112 : memref<16x128xf32, #tpu.memory_space<vmem_shared>>) dst(%dma_wait3A_109 : memref<16x128xf32, #tpu.memory_space<hbm>>)
        tpu.yield
      }) : () -> ()
    } else {
    }
    return
  }
}

module attributes {stable_mosaic.version = 14 : i64} {
  func.func @_prep_body(%arg0: i32, %arg1: memref<10000x128xf32, #tpu.memory_space<vmem>>, %arg2: memref<2x10000x1xf32, #tpu.memory_space<vmem>>, %arg3: memref<1x10000x128xf32, #tpu.memory_space<vmem>>, %arg4: memref<10000x1xf32, #tpu.memory_space<vmem>>) attributes {dimension_semantics = [#tpu.dimension_semantics<arbitrary>], iteration_bounds = array<i64: 2>, scalar_prefetch = 0 : i64, scratch_operands = 0 : i64, tpu.core_type = #tpu.core_type<tc>, window_params = [{transform_indices = @transform_0, window_bounds = array<i64: 10000, 128>}, {pipeline_mode = #tpu.pipeline_mode<synchronous>, transform_indices = @transform_1, window_bounds = array<i64: 2, 10000, 1>}, {transform_indices = @transform_2, window_bounds = array<i64: 1, 10000, 128>}, {pipeline_mode = #tpu.pipeline_mode<synchronous>, transform_indices = @transform_3, window_bounds = array<i64: 10000, 1>}]} {
    %get3A = arith.constant 0 : index
    %get3A_0 = arith.constant 0 : index
    %get3A_1 = vector.load %arg1[%get3A, %get3A_0] : memref<10000x128xf32, #tpu.memory_space<vmem>>, vector<10000x128xf32>
    %reduce_sum3A = arith.constant dense<0.000000e+00> : vector<128xf32>
    %reduce_sum3A_2 = vector.multi_reduction <add>, %get3A_1, %reduce_sum3A [0] : vector<10000x128xf32> to vector<128xf32>
    %broadcast_in_dim3A = vector.shape_cast %reduce_sum3A_2 : vector<128xf32> to vector<1x128xf32>
    %div3A = arith.constant 1.000000e+04 : f32
    %div3A_3 = vector.broadcast %div3A : f32 to vector<1x128xf32>
    %div3A_4 = arith.divf %broadcast_in_dim3A, %div3A_3 : vector<1x128xf32>
    %sub3A = vector.broadcast %div3A_4 : vector<1x128xf32> to vector<10000x128xf32>
    %sub3A_5 = arith.subf %get3A_1, %sub3A : vector<10000x128xf32>
    %mul3A = arith.mulf %sub3A_5, %sub3A_5 : vector<10000x128xf32>
    %reduce_sum3A_6 = arith.constant dense<0.000000e+00> : vector<128xf32>
    %reduce_sum3A_7 = vector.multi_reduction <add>, %mul3A, %reduce_sum3A_6 [0] : vector<10000x128xf32> to vector<128xf32>
    %broadcast_in_dim3A_8 = vector.shape_cast %reduce_sum3A_7 : vector<128xf32> to vector<1x128xf32>
    %sub3A_9 = arith.constant 1.000000e+04 : f32
    %sub3A_10 = arith.constant 1.000000e+00 : f32
    %sub3A_11 = arith.subf %sub3A_9, %sub3A_10 : f32
    %div3A_12 = vector.broadcast %sub3A_11 : f32 to vector<1x128xf32>
    %div3A_13 = arith.divf %broadcast_in_dim3A_8, %div3A_12 : vector<1x128xf32>
    %sqrt3A = math.sqrt %div3A_13 : vector<1x128xf32>
    %eq3A = arith.constant 0.000000e+00 : f32
    %eq3A_14 = vector.broadcast %eq3A : f32 to vector<1x128xf32>
    %eq3A_15 = arith.cmpf oeq, %sqrt3A, %eq3A_14 : vector<1x128xf32>
    %jit3A = arith.constant 1.000000e+00 : f32
    %broadcast_in_dim3A_16 = vector.broadcast %jit3A : f32 to vector<1x128xf32>
    %select_n3A = arith.select %eq3A_15, %broadcast_in_dim3A_16, %sqrt3A : vector<1x128xi1>, vector<1x128xf32>
    %get3A_17 = arith.constant 0 : index
    %get3A_18 = arith.constant 0 : index
    %get3A_19 = arith.constant 0 : index
    %get3A_20 = vector.load %arg2[%get3A_17, %get3A_18, %get3A_19] : memref<2x10000x1xf32, #tpu.memory_space<vmem>>, vector<1x10000x1xf32>
    %get3A_21 = vector.shape_cast %get3A_20 : vector<1x10000x1xf32> to vector<10000x1xf32>
    %get3A_22 = arith.constant 1 : index
    %get3A_23 = arith.constant 0 : index
    %get3A_24 = arith.constant 0 : index
    %get3A_25 = vector.load %arg2[%get3A_22, %get3A_23, %get3A_24] : memref<2x10000x1xf32, #tpu.memory_space<vmem>>, vector<1x10000x1xf32>
    %get3A_26 = vector.shape_cast %get3A_25 : vector<1x10000x1xf32> to vector<10000x1xf32>
    %add3A = arith.addf %get3A_21, %get3A_26 : vector<10000x1xf32>
    %add3A_27 = arith.constant 1.000000e+00 : f32
    %add3A_28 = vector.broadcast %add3A_27 : f32 to vector<10000x1xf32>
    %add3A_29 = arith.addf %add3A, %add3A_28 : vector<10000x1xf32>
    %rsqrt3A = math.rsqrt %add3A_29 : vector<10000x1xf32>
    %div3A_30 = vector.broadcast %select_n3A : vector<1x128xf32> to vector<10000x128xf32>
    %div3A_31 = arith.divf %sub3A_5, %div3A_30 : vector<10000x128xf32>
    %mul3A_32 = vector.broadcast %rsqrt3A : vector<10000x1xf32> to vector<10000x128xf32>
    %mul3A_33 = arith.mulf %mul3A_32, %div3A_31 : vector<10000x128xf32>
    %broadcast_in_dim3A_34 = vector.shape_cast %mul3A_33 : vector<10000x128xf32> to vector<1x10000x128xf32>
    %swap3A = arith.constant 0 : index
    %swap3A_35 = arith.constant 0 : index
    %swap3A_36 = arith.constant 0 : index
    %swap3A_37 = vector.load %arg3[%swap3A, %swap3A_35, %swap3A_36] : memref<1x10000x128xf32, #tpu.memory_space<vmem>>, vector<1x10000x128xf32>
    tpu.vector_store %arg3[%swap3A, %swap3A_35, %swap3A_36], %broadcast_in_dim3A_34 {strides = array<i32>} : memref<1x10000x128xf32, #tpu.memory_space<vmem>>, vector<1x10000x128xf32>,
    %swap3A_38 = arith.constant 0 : index
    %swap3A_39 = arith.constant 0 : index
    %swap3A_40 = vector.load %arg4[%swap3A_38, %swap3A_39] : memref<10000x1xf32, #tpu.memory_space<vmem>>, vector<10000x1xf32>
    tpu.vector_store %arg4[%swap3A_38, %swap3A_39], %add3A_29 {strides = array<i32>} : memref<10000x1xf32, #tpu.memory_space<vmem>>, vector<10000x1xf32>,
    return
  }
  func.func @transform_0(%arg0: i32) -> (i32, i32) {
    %c0_i32 = arith.constant 0 : i32
    %c0_i32_0 = arith.constant 0 : i32
    return %c0_i32, %arg0 : i32, i32
  }
  func.func @transform_1(%arg0: i32) -> (i32, i32, i32) {
    %c0_i32 = arith.constant 0 : i32
    %c0_i32_0 = arith.constant 0 : i32
    %c0_i32_1 = arith.constant 0 : i32
    %c0_i32_2 = arith.constant 0 : i32
    return %c0_i32, %c0_i32_0, %c0_i32_1 : i32, i32, i32
  }
  func.func @transform_2(%arg0: i32) -> (i32, i32, i32) {
    %c0_i32 = arith.constant 0 : i32
    %c0_i32_0 = arith.constant 0 : i32
    %c0_i32_1 = arith.constant 0 : i32
    return %arg0, %c0_i32, %c0_i32_0 : i32, i32, i32
  }
  func.func @transform_3(%arg0: i32) -> (i32, i32) {
    %c0_i32 = arith.constant 0 : i32
    %c0_i32_0 = arith.constant 0 : i32
    %c0_i32_1 = arith.constant 0 : i32
    return %c0_i32, %c0_i32_0 : i32, i32
  }
}

module attributes {stable_mosaic.version = 14 : i64} {
  func.func @_mid_body(%arg0: i32, %arg1: memref<1x10000x128xf32, #tpu.memory_space<vmem>>, %arg2: memref<1x10000x128xf32, #tpu.memory_space<vmem>>, %arg3: memref<10000x1xf32, #tpu.memory_space<vmem>>, %arg4: memref<1x10000x128xf32, #tpu.memory_space<vmem>>) attributes {dimension_semantics = [#tpu.dimension_semantics<arbitrary>], iteration_bounds = array<i64: 2>, scalar_prefetch = 0 : i64, scratch_operands = 0 : i64, tpu.core_type = #tpu.core_type<tc>, window_params = [{transform_indices = @transform_0, window_bounds = array<i64: 1, 10000, 128>}, {transform_indices = @transform_1, window_bounds = array<i64: 1, 10000, 128>}, {pipeline_mode = #tpu.pipeline_mode<synchronous>, transform_indices = @transform_2, window_bounds = array<i64: 10000, 1>}, {transform_indices = @transform_3, window_bounds = array<i64: 1, 10000, 128>}]} {
    %get3A = arith.constant 0 : index
    %get3A_0 = arith.constant 0 : index
    %get3A_1 = vector.load %arg3[%get3A, %get3A_0] : memref<10000x1xf32, #tpu.memory_space<vmem>>, vector<10000x1xf32>
    %div3A = arith.constant 1.000000e+00 : f32
    %div3A_2 = vector.broadcast %div3A : f32 to vector<10000x1xf32>
    %div3A_3 = arith.divf %div3A_2, %get3A_1 : vector<10000x1xf32>
    %broadcast_in_dim3A = vector.shape_cast %div3A_3 : vector<10000x1xf32> to vector<1x10000x1xf32>
    %get3A_4 = arith.constant 0 : index
    %get3A_5 = arith.constant 0 : index
    %get3A_6 = arith.constant 0 : index
    %get3A_7 = vector.load %arg1[%get3A_4, %get3A_5, %get3A_6] : memref<1x10000x128xf32, #tpu.memory_space<vmem>>, vector<1x10000x128xf32>
    %get3A_8 = arith.constant 0 : index
    %get3A_9 = arith.constant 0 : index
    %get3A_10 = arith.constant 0 : index
    %get3A_11 = vector.load %arg2[%get3A_8, %get3A_9, %get3A_10] : memref<1x10000x128xf32, #tpu.memory_space<vmem>>, vector<1x10000x128xf32>
    %add3A = arith.addf %get3A_7, %get3A_11 : vector<1x10000x128xf32>
    %mul3A = vector.broadcast %broadcast_in_dim3A : vector<1x10000x1xf32> to vector<1x10000x128xf32>
    %mul3A_12 = arith.mulf %mul3A, %add3A : vector<1x10000x128xf32>
    %swap3A = arith.constant 0 : index
    %swap3A_13 = arith.constant 0 : index
    %swap3A_14 = arith.constant 0 : index
    %swap3A_15 = vector.load %arg4[%swap3A, %swap3A_13, %swap3A_14] : memref<1x10000x128xf32, #tpu.memory_space<vmem>>, vector<1x10000x128xf32>
    tpu.vector_store %arg4[%swap3A, %swap3A_13, %swap3A_14], %mul3A_12 {strides = array<i32>} : memref<1x10000x128xf32, #tpu.memory_space<vmem>>, vector<1x10000x128xf32>,
    return
  }
  func.func @transform_0(%arg0: i32) -> (i32, i32, i32) {
    %c0_i32 = arith.constant 0 : i32
    %c0_i32_0 = arith.constant 0 : i32
    %c0_i32_1 = arith.constant 0 : i32
    return %arg0, %c0_i32, %c0_i32_0 : i32, i32, i32
  }
  func.func @transform_1(%arg0: i32) -> (i32, i32, i32) {
    %c0_i32 = arith.constant 0 : i32
    %c0_i32_0 = arith.constant 0 : i32
    %c0_i32_1 = arith.constant 0 : i32
    return %arg0, %c0_i32, %c0_i32_0 : i32, i32, i32
  }
  func.func @transform_2(%arg0: i32) -> (i32, i32) {
    %c0_i32 = arith.constant 0 : i32
    %c0_i32_0 = arith.constant 0 : i32
    %c0_i32_1 = arith.constant 0 : i32
    return %c0_i32, %c0_i32_0 : i32, i32
  }
  func.func @transform_3(%arg0: i32) -> (i32, i32, i32) {
    %c0_i32 = arith.constant 0 : i32
    %c0_i32_0 = arith.constant 0 : i32
    %c0_i32_1 = arith.constant 0 : i32
    return %arg0, %c0_i32, %c0_i32_0 : i32, i32, i32
  }
}

module attributes {stable_mosaic.version = 14 : i64} {
  func.func @_final_body(%arg0: i32, %arg1: memref<1x10000x128xf32, #tpu.memory_space<vmem>>, %arg2: memref<1x10000x128xf32, #tpu.memory_space<vmem>>, %arg3: memref<10000x1xf32, #tpu.memory_space<vmem>>, %arg4: memref<10000x128xf32, #tpu.memory_space<vmem>>) attributes {dimension_semantics = [#tpu.dimension_semantics<arbitrary>], iteration_bounds = array<i64: 2>, scalar_prefetch = 0 : i64, scratch_operands = 0 : i64, tpu.core_type = #tpu.core_type<tc>, window_params = [{transform_indices = @transform_0, window_bounds = array<i64: 1, 10000, 128>}, {transform_indices = @transform_1, window_bounds = array<i64: 1, 10000, 128>}, {pipeline_mode = #tpu.pipeline_mode<synchronous>, transform_indices = @transform_2, window_bounds = array<i64: 10000, 1>}, {transform_indices = @transform_3, window_bounds = array<i64: 10000, 128>}]} {
    %get3A = arith.constant 0 : index
    %get3A_0 = arith.constant 0 : index
    %get3A_1 = vector.load %arg3[%get3A, %get3A_0] : memref<10000x1xf32, #tpu.memory_space<vmem>>, vector<10000x1xf32>
    %rsqrt3A = math.rsqrt %get3A_1 : vector<10000x1xf32>
    %get3A_2 = arith.constant 0 : index
    %get3A_3 = arith.constant 0 : index
    %get3A_4 = arith.constant 0 : index
    %get3A_5 = vector.load %arg1[%get3A_2, %get3A_3, %get3A_4] : memref<1x10000x128xf32, #tpu.memory_space<vmem>>, vector<1x10000x128xf32>
    %get3A_6 = vector.shape_cast %get3A_5 : vector<1x10000x128xf32> to vector<10000x128xf32>
    %get3A_7 = arith.constant 0 : index
    %get3A_8 = arith.constant 0 : index
    %get3A_9 = arith.constant 0 : index
    %get3A_10 = vector.load %arg2[%get3A_7, %get3A_8, %get3A_9] : memref<1x10000x128xf32, #tpu.memory_space<vmem>>, vector<1x10000x128xf32>
    %get3A_11 = vector.shape_cast %get3A_10 : vector<1x10000x128xf32> to vector<10000x128xf32>
    %add3A = arith.addf %get3A_6, %get3A_11 : vector<10000x128xf32>
    %mul3A = vector.broadcast %rsqrt3A : vector<10000x1xf32> to vector<10000x128xf32>
    %mul3A_12 = arith.mulf %mul3A, %add3A : vector<10000x128xf32>
    %swap3A = arith.constant 0 : index
    %swap3A_13 = arith.constant 0 : index
    %swap3A_14 = vector.load %arg4[%swap3A, %swap3A_13] : memref<10000x128xf32, #tpu.memory_space<vmem>>, vector<10000x128xf32>
    tpu.vector_store %arg4[%swap3A, %swap3A_13], %mul3A_12 {strides = array<i32>} : memref<10000x128xf32, #tpu.memory_space<vmem>>, vector<10000x128xf32>,
    return
  }
  func.func @transform_0(%arg0: i32) -> (i32, i32, i32) {
    %c0_i32 = arith.constant 0 : i32
    %c0_i32_0 = arith.constant 0 : i32
    %c0_i32_1 = arith.constant 0 : i32
    return %arg0, %c0_i32, %c0_i32_0 : i32, i32, i32
  }
  func.func @transform_1(%arg0: i32) -> (i32, i32, i32) {
    %c0_i32 = arith.constant 0 : i32
    %c0_i32_0 = arith.constant 0 : i32
    %c0_i32_1 = arith.constant 0 : i32
    return %arg0, %c0_i32, %c0_i32_0 : i32, i32, i32
  }
  func.func @transform_2(%arg0: i32) -> (i32, i32) {
    %c0_i32 = arith.constant 0 : i32
    %c0_i32_0 = arith.constant 0 : i32
    %c0_i32_1 = arith.constant 0 : i32
    return %c0_i32, %c0_i32_0 : i32, i32
  }
  func.func @transform_3(%arg0: i32) -> (i32, i32) {
    %c0_i32 = arith.constant 0 : i32
    %c0_i32_0 = arith.constant 0 : i32
    return %c0_i32, %arg0 : i32, i32
  }
}

</mosaic_0001>

<sc_bundles>
// kernel: kernel.11.cloned.1.call-start
scs
__scs_entry_jumppad:
0x0: {  	(pc) =	sbr.rel $0x88, $3  }
0x1: {  	(tag) =	ssettag $0x0;
	lr =	simm.s32 $0x1  }
0x2: {  	[smem:$0x3F9F] =	sst lr;
	_ =	strace $0xD0000000  }
0x3: {  	_ = 	snop  }
0x4: {  	_ = 	snop  }
0x5: {  	_ = 	snop  }
0x6: {  	_ = 	snop  }
0x7: {  	_ = 	snop  }
__scs_overlays_trampoline_lowered:
0x8: {  	[smem:$0x3FAE] =	sst s0  }
0x9: {  	[smem:$0x3FAF] =	sst s1  }
0xa: {  	[smem:$0x3FB0] =	sst s2  }
0xb: {  	[smem:$0x3FB1] =	sst s3  }
0xc: {  	[smem:$0x3FB2] =	sst s4  }
0xd: {  	[smem:$0x3FB3] =	sst s5  }
0xe: {  	[smem:$0x3FB4] =	sst s6  }
0xf: {  	[smem:$0x3FB5] =	sst s7  }
0x10: {  	[smem:$0x3FB6] =	sst s8  }
0x11: {  	[smem:$0x3FB7] =	sst s9;
	s0 =	simm.s32 @!p0 $0x0  }
0x12: {  	s1 =	sld [smem:$0x3F9D];
	s0 =	simm.s32 @p0 $0x1  }
0x13: {  	[smem:$0x3FB8] =	sst s0;
	s0 =	simm.s32 @!p1 $0x0  }
0x14: {  	s2 =	sld [smem:$0x3F9C];
	s0 =	simm.s32 @p1 $0x1  }
0x15: {  	[smem:$0x3FB9] =	sst s0;
	s0 =	simm.s32 @!p2 $0x0  }
0x16: {  	s3 =	sld [smem:$0x3FDB];
	s0 =	simm.s32 @p2 $0x1  }
0x17: {  	s4 =	simm.s32 $0x1BF5;
	[smem:$0x3FBB] =	sst s0  }
0x18: {  	s0 =	sld [smem:$0x3F9E];
	_ =	swait.ge [sflag:s4], $0x0  }
0x19: {  	s7 =	sld [smem:$0x3F9F]  }
0x1a: {  	s8 =	sadd.s32 $0xFFFFE003, lr  }
0x1b: {  	s9 =	sadd.s32 $0xFFFFFEF7, lr;
	s5 =	simm.s32 $0xFFFFFFFF;
	p2 =	slt.u32 s8, $0xFFFFF086  }
0x1c: {  	p1 =	slt.u32 s9, $0xF7A;
	s5 =	simm.s32 @!p2 $0x0  }
0x1d: {  	s5 =	simm.s32 @p1 $0x1;
	p0 =	seq.s32 s7, s2  }
0x1e: {  	s7 =	smul.u32 @!p0 $0xF7A, s2;
	p2 =	seq.s32 @!p0 s5, $0x0  }
0x1f: {  	s9 =	smul.u32 $0xF7A, s1;
	s8 =	simm.s32 @!p0 $0x1BF5;
	p2 =	por !p2, p0  }
0x20: {  	[sflag:s8] =	ssyncset.s32 @!p0 $0xFFFFF086;
	s6 =	sadd.s32 @!p0 s3, s7;
	s7 =	simm.s32 @!p0 $0x108  }
0x21: {  	s3 =	sadd.s32 s3, s9;
	s6 =	sadd.s32 @!p0 $0x88, s6;
	s7 =	simm.s32 @p2 $0x1082  }
0x22: {  	[simem:s7], [sflag:s8] =	dma.local @!p0 [hbm:s6], $0xF7A  }
0x23: {  	s9 =	sor.u32 $0xD0000000, s2;
	s6 =	simm.s32 $0x108;
	_ =	swait.ge @!p0 [sflag:s8], $0x0  }
0x24: {  	s3 =	sadd.s32 $0x88, s3;
	s6 =	simm.s32 @!p1 $0x1082;
	[sflag:s4] =	ssyncset.s32 $0xFFFFF086  }
0x25: {  	[simem:s6], [sflag:s4] =	dma.local [hbm:s3], $0xF7A  }
0x26: {  	[smem:$0x3F9F] =	sst s1;
	(tag) =	ssettag s2;
	_ =	strace s9  }
0x27: {  	s1 =	sld [smem:$0x3FAF]  }
0x28: {  	s2 =	sld [smem:$0x3FB0]  }
0x29: {  	s4 =	sld [smem:$0x3FB2]  }
0x2a: {  	p0 =	seq.s32 s5, $0x0;
	s5 =	sld [smem:$0x3FB3]  }
0x2b: {  	s6 =	sld [smem:$0x3FB4]  }
0x2c: {  	s7 =	sld [smem:$0x3FB5]  }
0x2d: {  	s3 =	simm.s32 $0x108;
	s8 =	sld [smem:$0x3FB6]  }
0x2e: {  	s3 =	simm.s32 @!p0 $0x1082;
	s9 =	sld [smem:$0x3FB7]  }
0x2f: {  	lr =	sadd.s32 s0, s3;
	s0 =	sld [smem:$0x3FAE]  }
0x30: {  	s3 =	sld [smem:$0x3FB1]  }
0x31: {  	[smem:$0x3FBA] =	sst s10  }
0x32: {  	s10 =	sld [smem:$0x3FB8];
	_ =	sdelay $0x3  }
0x33: {  	p0 =	seq.s32 s10, $0x1;
	s10 =	sld [smem:$0x3FBA];
	_ =	sdelay $0x3  }
0x34: {  	[smem:$0x3FBA] =	sst s10  }
0x35: {  	s10 =	sld [smem:$0x3FB9];
	_ =	sdelay $0x3  }
0x36: {  	p1 =	seq.s32 s10, $0x1;
	s10 =	sld [smem:$0x3FBA];
	_ =	sdelay $0x3  }
0x37: {  	[smem:$0x3FBA] =	sst s10  }
0x38: {  	s10 =	sld [smem:$0x3FBB]  }
0x39: {  	_ = 	snop;
	(pc) =	sbr.ind lr, $3  }
0x3a: {  	_ = 	snop  }
0x3b: {  	_ = 	snop  }
0x3c: {  	p2 =	seq.s32 s10, $0x1;
	s10 =	sld [smem:$0x3FBA]  }
0x3d: {  	_ =	shalt  }
0x3e: {  	_ =	shalt  }
0x3f: {  	_ =	shalt  }
0x40: {  	_ =	shalt  }
0x41: {  	_ =	shalt  }
0x42: {  	_ =	shalt  }
0x43: {  	_ =	shalt  }
0x44: {  	_ =	shalt  }
0x45: {  	_ =	shalt  }
0x46: {  	_ =	shalt  }
0x47: {  	_ =	shalt  }
0x48: {  	_ =	shalt  }
0x49: {  	_ =	shalt  }
0x4a: {  	_ =	shalt  }
0x4b: {  	_ =	shalt  }
0x4c: {  	_ =	shalt  }
0x4d: {  	_ =	shalt  }
0x4e: {  	_ =	shalt  }
0x4f: {  	_ =	shalt  }
0x50: {  	_ =	shalt  }
0x51: {  	_ =	shalt  }
0x52: {  	_ =	shalt  }
0x53: {  	_ =	shalt  }
0x54: {  	_ =	shalt  }
0x55: {  	_ =	shalt  }
0x56: {  	_ =	shalt  }
0x57: {  	_ =	shalt  }
0x58: {  	_ =	shalt  }
0x59: {  	_ =	shalt  }
0x5a: {  	_ =	shalt  }
0x5b: {  	_ =	shalt  }
0x5c: {  	_ =	shalt  }
0x5d: {  	_ =	shalt  }
0x5e: {  	_ =	shalt  }
0x5f: {  	_ =	shalt  }
0x60: {  	_ =	shalt  }
0x61: {  	_ =	shalt  }
0x62: {  	_ =	shalt  }
0x63: {  	_ =	shalt  }
0x64: {  	_ =	shalt  }
0x65: {  	_ =	shalt  }
0x66: {  	_ =	shalt  }
0x67: {  	_ =	shalt  }
0x68: {  	_ =	shalt  }
0x69: {  	_ =	shalt  }
0x6a: {  	_ =	shalt  }
0x6b: {  	_ =	shalt  }
0x6c: {  	_ =	shalt  }
0x6d: {  	_ =	shalt  }
0x6e: {  	_ =	shalt  }
0x6f: {  	_ =	shalt  }
0x70: {  	_ =	shalt  }
0x71: {  	_ =	shalt  }
0x72: {  	_ =	shalt  }
0x73: {  	_ =	shalt  }
0x74: {  	_ =	shalt  }
0x75: {  	_ =	shalt  }
0x76: {  	_ =	shalt  }
0x77: {  	_ =	shalt  }
0x78: {  	_ =	shalt  }
0x79: {  	_ =	shalt  }
0x7a: {  	_ =	shalt  }
0x7b: {  	_ =	shalt  }
0x7c: {  	_ =	shalt  }
0x7d: {  	_ =	shalt  }
0x7e: {  	_ =	shalt  }
0x7f: {  	_ =	shalt  }
0x80: {  	_ =	shalt  }
0x81: {  	_ =	shalt  }
0x82: {  	_ =	shalt  }
0x83: {  	_ =	shalt  }
0x84: {  	_ =	shalt  }
0x85: {  	_ =	shalt  }
0x86: {  	_ =	shalt  }
0x87: {  	_ =	shalt  }
.Lfunc_end0:
.L_simem_size_0:
called_computation.1_lowered:
.L_overlay_start_0:
0x88: {  	s2 =	sld [smem:$0x3FD9]  }
0x89: {  	s3 =	sld [smem:$0x3FFE];
	_ =	sdelay $0x1  }
0x8a: {  	s1 =	srdreg.scid  }
0x8b: {  	s0 =	sand.u32 $0x1, s1  }
0x8c: {  	s17 =	sshll.u32 s0, $0xA;
	s2 =	sadd.s32 s3, s2  }
0x8d: {  	s2 =	sadd.s32 s2, s17  }
0x8e: {  	[smem:$0x3FC6] =	sst s2  }
0x8f: {  	_ = 	snop  }
0x90: {  	s2 =	sld [smem:$0x3FD0];
	(tm) =	ssettm $0x1  }
0x91: {  	s18 =	sld [smem:$0x3FFB];
	_ =	sdelay $0x3  }
0x92: {  	_ =	strace s18  }
0x93: {  	s3 =	sld [smem:$0x3FFC];
	_ =	sdelay $0x3  }
0x94: {  	_ =	strace s3  }
0x95: {  	s3 =	sld [smem:$0x3FFD];
	_ =	sdelay $0x3  }
0x96: {  	_ =	strace s3  }
0x97: {  	_ =	strace $0x8FFFFFFF  }
0x98: {  	s19 =	sld [smem:$0x3FDB];
	_ =	sdelay $0x1  }
0x99: {  	s4 =	simm.s32 $_scs_section_size  }
0x9a: {  	s5 =	simm.s32 $_size__tile_overlayer_lowered;
	s6 =	simm.s32 $_tile_overlayer_lowered  }
0x9b: {  	s22 =	simm.s32 $0x1BFF;
	s21 =	sshll.u32 s6, $0x1;
	s3 =	sadd.s32 s4, s19  }
0x9c: {  	s7 =	simm.s32 $0x0;
	s20 =	sshll.u32 s5, $0x1;
	s5 =	sadd.s32 s21, s3  }
0x9d: {  	[timem:s7], [sflag:s22] =	dma.local [hbm:s5], s20  }
0x9e: {  	_ =	swait.ge [sflag:s22], s20  }
0x9f: {  	s4 =	ssub.s32 $0x0, s20;
	[sflag:s22] =	ssyncset.done $0x0  }
0xa0: {  	[sflag:s22] =	ssyncadd.s32 s4;
	_ =	sdelay $0x1  }
0xa1: {  	s23 =	simm.s32 $0x1B8B  }
0xa2: {  	_ =	swait.ge [sflag:s23], $0x1  }
0xa3: {  	[sflag:s23] =	ssyncset.done $0x0  }
0xa4: {  	s25 =	simm.s32 $0x1B8E;
	s24 =	sld [smem:$0x3FFE];
	[sflag:s23] =	ssyncadd.s32 $0xFFFFFFFF  }
0xa5: {  	s26 =	simm.s32 $execute0_lowered;
	[smem:$0x3FD2] =	sst s25  }
0xa6: {  	s5 =	sshll.u32 s26, $0x1;
	_ =	strace $0x80000049;
	[dreg:$0x1] =	wrdreg $0xFFFFFFFF  }
0xa7: {  	s28 =	simm.s32 $_size_execute0_lowered;
	s3 =	sadd.s32 s3, s5;
	[dreg:$0x0] =	wrdreg $0x0  }
0xa8: {  	s5 =	sshll.u32 s28, $0x1;
	[dreg:$0x2] =	wrdreg s3  }
0xa9: {  	[dreg:$0x3] =	wrdreg s5  }
0xaa: {  	[dreg:$0x4] =	wrdreg $0xC0  }
0xab: {  	_ =	task [dreg:s7], $0x5FFFF  }
0xac: {  	[dreg:$0x1] =	wrdreg $0xFFFFFFFF  }
0xad: {  	[dreg:$0x0] =	wrdreg $0x60  }
0xae: {  	[dreg:$0x2] =	wrdreg s2  }
0xaf: {  	[dreg:$0x3] =	wrdreg s24  }
0xb0: {  	[dreg:$0x4] =	wrdreg $0xC7000  }
0xb1: {  	[dreg:$0x5] =	wrdreg $0x9  }
0xb2: {  	_ =	task.clear_ibuf [dreg:s7], $0x6FFFF;
	_ =	strace $0x90000049  }
0xb3: {  	s29 =	simm.s32 $0x9;
	_ =	strace $0x8000004B  }
0xb4: {  	_ =	swait.ge [sflag:s29], $0x1  }
0xb5: {  	[sflag:s29] =	ssyncadd.s32 $0xFFFFFFFF  }
0xb6: {  	_ =	strace $0x9000004B  }
0xb7: {  	_ =	sfence  }
0xb8: {  	s30 =	sld [smem:$0x0];
	_ =	sdelay $0x2  }
0xb9: {  	s31 =	sshll.u32 s1, $0xD;
	s1 =	sshrl.u32 s1, $0x2  }
0xba: {  	s3 =	sand.u32 $0x4000, s31;
	s1 =	sadd.s32 s1, s30  }
0xbb: {  	s0 =	sor.u32 s3, s0;
	s1 =	sshll.u32 s1, $0x11  }
0xbc: {  	s0 =	sor.u32 s1, s0  }
0xbd: {  	s0 =	sadd.s32 $0x8F2B, s0  }
0xbe: {  	[sflag:s0] =	ssyncadd.remote.s32 $0x1  }
0xbf: {  	_ =	sfence.sel $0xFFFF  }
0xc0: {  	[dreg:$0x0] =	wrdreg $0xFFFFFFFF;
	(pc) =	sbr.abs _section_cstart, $3  }
0xc1: {  	[dreg:$0x1] =	wrdreg $0xFFFFFFFF  }
0xc2: {  	_ =	task.clear_ibuf [dreg:s7], $0x2FFFF;
	_ =	strace $0x9FFFFFFF  }
0xc3: {  	(tm) =	ssettm $0x7FFFFFFF  }
tec
execute0_lowered:
.L_overlay_start_1:
0x0: {  	(tag) =	ssettag $0x1  }
0x1: {  	s0 =	rddreg [dreg:$0x0]  }
0x2: {  	s4 =	rddreg [dreg:$0x1]  }
0x3: {  	s1 =	rddreg [dreg:$0x2];
	s2 =	stileid.u32;
	s3 =	simm.s32 $0x0  }
0x4: {  	s6 =	srdreg.scid;
	s18 =	simm.s32 $0x4F00;
	s19 =	simm.s32 $0x4  }
0x5: {  	s21 =	simm.s32 $0x50;
	s22 =	simm.s32 $0x7700;
	s23 =	simm.s32 $0x9F00  }
0x6: {  	s24 =	simm.s32 $0x1;
	s26 =	simm.s32 $0x2;
	s5 =	smul.u32 $0x4E2, s2  }
0x7: {  	s28 =	simm.s32 $0x3;
	s30 =	simm.s32 $0x4E40;
	s7 =	smul.u32 $0x4E000, s2  }
0x8: {  	[smem:$0x7FF] =	sst s3;
	s6 =	sand.u32 $0x1, s6;
	s31 =	smul.u32 $0x2700, s2  }
0x9: {  	s12 =	sadd.s32 $0x138000, s1;
	p0 =	sne.s32 s2, $0x0;
	s15 =	smul.u32 $0x27100, s6  }
0xa: {  	_ =	strace $0x8000004A;
	s6 =	ssub.s32 $0x2, s6;
	s14 =	sadd.s32 s5, s4  }
0xb: {  	s29 =	sshrl.u32 s6, $0x1;
	s7 =	sshrl.u32 s7, $0x2;
	s16 =	sadd.s32 s15, s4  }
0xc: {  	s17 =	ssub.s32 s6, s29;
	s4 =	sadd.s32 s7, s1;
	s13 =	sadd.s32 $0xC00, s14  }
0xd: {  	s14 =	sadd.s32 $0x5C00, s14;
	s15 =	sadd.s32 s0, s15;
	s5 =	sadd.s32 $0x2800, s4  }
0xe: {  	s6 =	sadd.s32 $0x5000, s4;
	s7 =	sadd.s32 $0x7800, s4;
	s8 =	sadd.s32 $0xA000, s4  }
0xf: {  	s9 =	sadd.s32 $0xC800, s4;
	s10 =	sadd.s32 $0xF000, s4;
	s16 =	sadd.s32 $0xAC00, s16  }
0x10: {  	v0 =	vimm.f32 $0.0e+00;
	s11 =	sadd.s32 $0x11800, s4;
	s17 =	smax.u32 s17, $0x1;
	s25 =	sadd.s32 s31, s16  }
.LBB2_1:
0x11: {  	s31 =	simm.s32 $0x0;
	s0 =	simm.s32 $0x200  }
.LBB2_2:
0x12: {  	p1 =	sne.s32 s0, $0x9E00;
	[tilespmem:s31+$0x4F70] =	vst v0  }
0x13: {  	[tilespmem:s31+$0x4F00] =	vst v0  }
0x14: {  	[tilespmem:s31+$0x4F10] =	vst v0  }
.Ltmp0:
0x15: {  	[tilespmem:s31+$0x4F20] =	vst v0;
	(pc) =	sbr.rel @p1 .LBB2_2-.Ltmp0, $4  }
0x16: {  	[tilespmem:s31+$0x4F30] =	vst v0  }
0x17: {  	[tilespmem:s31+$0x4F40] =	vst v0  }
0x18: {  	[tilespmem:s31+$0x4F50] =	vst v0  }
0x19: {  	[tilespmem:s31+$0x4F60] =	vst v0;
	s31 =	sshra.s32 s0, $0x2;
	s0 =	sadd.s32 $0x200, s0  }
0x1a: {  	[tilespmem:s31+$0x4F70] =	vst v0  }
0x1b: {  	[tilespmem:s31+$0x4F00] =	vst v0  }
0x1c: {  	[tilespmem:s31+$0x4F10] =	vst v0  }
0x1d: {  	[tilespmem:s31+$0x4F20] =	vst v0  }
0x1e: {  	[tilespmem:s31+$0x4F30] =	vst v0  }
0x1f: {  	[tilespmem:s31+$0x4F40] =	vst v0  }
0x20: {  	[tilespmem:s31+$0x4F50] =	vst v0  }
0x21: {  	[tilespmem:s31+$0x4F60] =	vst v0  }
0x22: {  	[spmem:s4] =	stream.linear.scatter [tilespmem:s18], [sflag:$0x4], $0x2800, $0x38;
	[tilespmem:$0x1FF80] =	vst v63  }
0x23: {  	_ =	swait.ge [sflag:s19], $0x2800  }
0x24: {  	[sflag:s19] =	ssyncset.done $0x0  }
0x25: {  	[sflag:s19] =	ssyncadd.s32 $0xFFFFD800  }
0x26: {  	[spmem:s5] =	stream.linear.scatter [tilespmem:s18], [sflag:$0x4], $0x2800, $0x38;
	[tilespmem:$0x1FF80] =	vst v63  }
0x27: {  	_ =	swait.ge [sflag:s19], $0x2800  }
0x28: {  	[sflag:s19] =	ssyncset.done $0x0  }
0x29: {  	[sflag:s19] =	ssyncadd.s32 $0xFFFFD800  }
0x2a: {  	[spmem:s6] =	stream.linear.scatter [tilespmem:s18], [sflag:$0x4], $0x2800, $0x38;
	[tilespmem:$0x1FF80] =	vst v63  }
0x2b: {  	_ =	swait.ge [sflag:s19], $0x2800  }
0x2c: {  	[sflag:s19] =	ssyncset.done $0x0  }
0x2d: {  	[sflag:s19] =	ssyncadd.s32 $0xFFFFD800  }
0x2e: {  	[spmem:s7] =	stream.linear.scatter [tilespmem:s18], [sflag:$0x4], $0x2800, $0x38;
	[tilespmem:$0x1FF80] =	vst v63  }
0x2f: {  	_ =	swait.ge [sflag:s19], $0x2800  }
0x30: {  	[sflag:s19] =	ssyncset.done $0x0  }
0x31: {  	[sflag:s19] =	ssyncadd.s32 $0xFFFFD800  }
0x32: {  	[spmem:s8] =	stream.linear.scatter [tilespmem:s18], [sflag:$0x4], $0x2800, $0x38;
	[tilespmem:$0x1FF80] =	vst v63  }
0x33: {  	_ =	swait.ge [sflag:s19], $0x2800  }
0x34: {  	[sflag:s19] =	ssyncset.done $0x0  }
0x35: {  	[sflag:s19] =	ssyncadd.s32 $0xFFFFD800  }
0x36: {  	[spmem:s9] =	stream.linear.scatter [tilespmem:s18], [sflag:$0x4], $0x2800, $0x38;
	[tilespmem:$0x1FF80] =	vst v63  }
0x37: {  	_ =	swait.ge [sflag:s19], $0x2800  }
0x38: {  	[sflag:s19] =	ssyncset.done $0x0  }
0x39: {  	[sflag:s19] =	ssyncadd.s32 $0xFFFFD800  }
0x3a: {  	[spmem:s10] =	stream.linear.scatter [tilespmem:s18], [sflag:$0x4], $0x2800, $0x38;
	[tilespmem:$0x1FF80] =	vst v63  }
0x3b: {  	_ =	swait.ge [sflag:s19], $0x2800  }
0x3c: {  	[sflag:s19] =	ssyncset.done $0x0  }
0x3d: {  	[sflag:s19] =	ssyncadd.s32 $0xFFFFD800  }
0x3e: {  	[spmem:s11] =	stream.linear.scatter [tilespmem:s18], [sflag:$0x4], $0x2000, $0x38;
	[tilespmem:$0x1FF80] =	vst v63  }
0x3f: {  	_ =	swait.ge [sflag:s19], $0x2000  }
0x40: {  	[sflag:s19] =	ssyncset.done $0x0  }
0x41: {  	s0 =	simm.s32 @!p0 $0x4F00;
	[sflag:s19] =	ssyncadd.s32 $0xFFFFE000  }
0x42: {  	[spmem:s12] =	stream.linear.scatter @!p0 [tilespmem:s0], [sflag:$0x4], $0x800, $0x38;
	[tilespmem:$0x1FF80] =	vst v63  }
0x43: {  	s0 =	simm.s32 @!p0 $0x4  }
0x44: {  	_ =	swait.ge @!p0 [sflag:s0], $0x800  }
0x45: {  	[sflag:s0] =	ssyncset.done @!p0 $0x0  }
0x46: {  	s29 =	simm.s32 $0x0;
	[sflag:s0] =	ssyncadd.s32 @!p0 $0xFFFFF800  }
0x47: {  	[tilespmem:s29], [sflag:$0x4] =	stream.linear.gather [hbm4b:s13+s29], $0x2710, $0x38;
	[tilespmem:$0x1FF80] =	vst v63  }
0x48: {  	_ =	swait.ge [sflag:s19], $0x2710  }
0x49: {  	[sflag:s19] =	ssyncset.done $0x0  }
0x4a: {  	s2 =	simm.s32 $0x2780;
	[sflag:s19] =	ssyncadd.s32 $0xFFFFD8F0  }
0x4b: {  	[tilespmem:s2], [sflag:$0x4] =	stream.linear.gather [hbm4b:s14+s29], $0x2710, $0x38;
	[tilespmem:$0x1FF80] =	vst v63  }
0x4c: {  	_ =	swait.ge [sflag:s19], $0x2710  }
0x4d: {  	[sflag:s19] =	ssyncset.done $0x0  }
0x4e: {  	[sflag:s19] =	ssyncadd.s32 $0xFFFFD8F0  }
0x4f: {  	[bflag:$0x0] =	sbarrier.arrive $0xFFFF  }
0x50: {  	[tilespmem:s18], [sflag:$0x1] =	stream.indirect.gather [hbm4b:s15+s21], $0x80, s29, s21, $0xb8;
	[tilespmem:$0x1FF80] =	vst v63  }
0x51: {  	_ = 	snop  }
0x52: {  	[tilespmem:s22], [sflag:$0x2] =	stream.indirect.gather [hbm4b:s15+s21], $0x80, s21, s21, $0xb8;
	[tilespmem:$0x1FF80] =	vst v63  }
0x53: {  	s2 =	simm.s32 $0xA0  }
0x54: {  	[tilespmem:s23], [sflag:$0x3] =	stream.indirect.gather [hbm4b:s15+s21], $0x80, s2, s21, $0xb8;
	[tilespmem:$0x1FF80] =	vst v63  }
0x55: {  	_ =	swait.ge [sflag:s24], $0x2800  }
0x56: {  	[sflag:s24] =	ssyncset.done $0x0  }
0x57: {  	s20 =	simm.s32 $0x2780;
	[sflag:s24] =	ssyncadd.s32 $0xFFFFD800  }
0x58: {  	[spmem:s1] =	stream.indirect.scatter.add.f32 [tilespmem:s18], [sflag:$0x4], $0x80, s20, s21, $0xb8;
	[tilespmem:$0x1FF80] =	vst v63  }
0x59: {  	_ =	swait.ge [sflag:s19], $0x2800  }
0x5a: {  	[sflag:s19] =	ssyncset.done $0x0  }
0x5b: {  	s29 =	simm.s32 $0xF0;
	[sflag:s19] =	ssyncadd.s32 $0xFFFFD800  }
0x5c: {  	[tilespmem:s18], [sflag:$0x1] =	stream.indirect.gather [hbm4b:s15+s21], $0x80, s29, s21, $0xb8;
	[tilespmem:$0x1FF80] =	vst v63  }
0x5d: {  	_ =	swait.ge [sflag:s26], $0x2800  }
0x5e: {  	[sflag:s26] =	ssyncset.done $0x0  }
0x5f: {  	s2 =	simm.s32 $0x27D0;
	[sflag:s26] =	ssyncadd.s32 $0xFFFFD800  }
0x60: {  	[spmem:s1] =	stream.indirect.scatter.add.f32 [tilespmem:s22], [sflag:$0x4], $0x80, s2, s21, $0xb8;
	[tilespmem:$0x1FF80] =	vst v63  }
0x61: {  	_ =	swait.ge [sflag:s19], $0x2800  }
0x62: {  	[sflag:s19] =	ssyncset.done $0x0  }
0x63: {  	s20 =	simm.s32 $0x140;
	[sflag:s19] =	ssyncadd.s32 $0xFFFFD800  }
0x64: {  	[tilespmem:s22], [sflag:$0x2] =	stream.indirect.gather [hbm4b:s15+s21], $0x80, s20, s21, $0xb8;
	[tilespmem:$0x1FF80] =	vst v63  }
0x65: {  	_ =	swait.ge [sflag:s28], $0x2800  }
0x66: {  	[sflag:s28] =	ssyncset.done $0x0  }
0x67: {  	s29 =	simm.s32 $0x2820;
	[sflag:s28] =	ssyncadd.s32 $0xFFFFD800  }
0x68: {  	[spmem:s1] =	stream.indirect.scatter.add.f32 [tilespmem:s23], [sflag:$0x4], $0x80, s29, s21, $0xb8;
	[tilespmem:$0x1FF80] =	vst v63  }
0x69: {  	_ =	swait.ge [sflag:s19], $0x2800  }
0x6a: {  	s31 =	simm.s32 $0xF0;
	s0 =	simm.s32 $0x780;
	[sflag:s19] =	ssyncset.done $0x0  }
.LBB2_4:
0x6b: {  	s20 =	sadd.s32 $0xA0, s31  }
0x6c: {  	[sflag:s19] =	ssyncadd.s32 $0xFFFFD800;
	s2 =	smov.u32 s0;
	s29 =	sadd.s32 $0x3C0, s0  }
0x6d: {  	[tilespmem:s23], [sflag:$0x3] =	stream.indirect.gather [hbm4b:s15+s21], $0x80, s20, s21, $0xb8;
	[tilespmem:$0x1FF80] =	vst v63  }
0x6e: {  	p1 =	sne.s32 s0, $0x9600;
	_ =	swait.ge [sflag:s24], $0x2800  }
0x6f: {  	[sflag:s24] =	ssyncset.done $0x0  }
0x70: {  	s0 =	sadd.s32 $0x2780, s31;
	[sflag:s24] =	ssyncadd.s32 $0xFFFFD800  }
0x71: {  	[spmem:s1] =	stream.indirect.scatter.add.f32 [tilespmem:s18], [sflag:$0x4], $0x80, s0, s21, $0xb8;
	[tilespmem:$0x1FF80] =	vst v63  }
0x72: {  	_ =	swait.ge [sflag:s19], $0x2800  }
0x73: {  	[sflag:s19] =	ssyncset.done $0x0  }
0x74: {  	s0 =	sadd.s32 $0xF0, s31;
	[sflag:s19] =	ssyncadd.s32 $0xFFFFD800  }
0x75: {  	[tilespmem:s18], [sflag:$0x1] =	stream.indirect.gather [hbm4b:s15+s21], $0x80, s0, s21, $0xb8;
	[tilespmem:$0x1FF80] =	vst v63  }
0x76: {  	_ =	swait.ge [sflag:s26], $0x2800  }
0x77: {  	[sflag:s26] =	ssyncset.done $0x0  }
0x78: {  	s0 =	sadd.s32 $0x27D0, s31;
	[sflag:s26] =	ssyncadd.s32 $0xFFFFD800  }
0x79: {  	[spmem:s1] =	stream.indirect.scatter.add.f32 [tilespmem:s22], [sflag:$0x4], $0x80, s0, s21, $0xb8;
	[tilespmem:$0x1FF80] =	vst v63  }
0x7a: {  	_ =	swait.ge [sflag:s19], $0x2800  }
0x7b: {  	[sflag:s19] =	ssyncset.done $0x0  }
0x7c: {  	s0 =	sadd.s32 $0x140, s31;
	[sflag:s19] =	ssyncadd.s32 $0xFFFFD800  }
0x7d: {  	[tilespmem:s22], [sflag:$0x2] =	stream.indirect.gather [hbm4b:s15+s21], $0x80, s0, s21, $0xb8;
	[tilespmem:$0x1FF80] =	vst v63  }
0x7e: {  	_ =	swait.ge [sflag:s28], $0x2800  }
.Ltmp1:
0x7f: {  	[sflag:s28] =	ssyncset.done $0x0;
	(pc) =	sbr.rel @p1 .LBB2_4-.Ltmp1, $4  }
0x80: {  	s0 =	sadd.s32 $0x2820, s31;
	[sflag:s28] =	ssyncadd.s32 $0xFFFFD800  }
0x81: {  	[spmem:s1] =	stream.indirect.scatter.add.f32 [tilespmem:s23], [sflag:$0x4], $0x80, s0, s21, $0xb8;
	[tilespmem:$0x1FF80] =	vst v63  }
0x82: {  	_ =	swait.ge [sflag:s19], $0x2800  }
0x83: {  	s31 =	sshra.s32 s2, $0x2;
	s0 =	smov.u32 s29;
	[sflag:s19] =	ssyncset.done $0x0  }
0x84: {  	s0 =	sadd.s32 $0xA0, s31;
	[sflag:s19] =	ssyncadd.s32 $0xFFFFD800  }
0x85: {  	[tilespmem:s23], [sflag:$0x3] =	stream.indirect.gather [hbm4b:s15+s21], $0x80, s0, s21, $0xb8;
	[tilespmem:$0x1FF80] =	vst v63  }
0x86: {  	_ =	swait.ge [sflag:s24], $0x2800  }
0x87: {  	[sflag:s24] =	ssyncset.done $0x0  }
0x88: {  	s2 =	sadd.s32 $0x2780, s31;
	[sflag:s24] =	ssyncadd.s32 $0xFFFFD800  }
0x89: {  	[spmem:s1] =	stream.indirect.scatter.add.f32 [tilespmem:s18], [sflag:$0x4], $0x80, s2, s21, $0xb8;
	[tilespmem:$0x1FF80] =	vst v63  }
0x8a: {  	_ =	swait.ge [sflag:s19], $0x2800  }
0x8b: {  	[sflag:s19] =	ssyncset.done $0x0  }
0x8c: {  	s20 =	sadd.s32 $0xF0, s31;
	[sflag:s19] =	ssyncadd.s32 $0xFFFFD800  }
0x8d: {  	[tilespmem:s18], [sflag:$0x1] =	stream.indirect.gather [hbm4b:s15+s21], $0x80, s20, s21, $0xb8;
	[tilespmem:$0x1FF80] =	vst v63  }
0x8e: {  	_ =	swait.ge [sflag:s26], $0x2800  }
0x8f: {  	[sflag:s26] =	ssyncset.done $0x0  }
0x90: {  	s29 =	sadd.s32 $0x27D0, s31;
	[sflag:s26] =	ssyncadd.s32 $0xFFFFD800  }
0x91: {  	[spmem:s1] =	stream.indirect.scatter.add.f32 [tilespmem:s22], [sflag:$0x4], $0x80, s29, s21, $0xb8;
	[tilespmem:$0x1FF80] =	vst v63  }
0x92: {  	_ =	swait.ge [sflag:s19], $0x2800  }
0x93: {  	[sflag:s19] =	ssyncset.done $0x0  }
0x94: {  	s2 =	sadd.s32 $0x140, s31;
	[sflag:s19] =	ssyncadd.s32 $0xFFFFD800  }
0x95: {  	[tilespmem:s22], [sflag:$0x2] =	stream.indirect.gather [hbm4b:s15+s21], $0x80, s2, s21, $0xb8;
	[tilespmem:$0x1FF80] =	vst v63  }
0x96: {  	_ =	swait.ge [sflag:s28], $0x2800  }
0x97: {  	[sflag:s28] =	ssyncset.done $0x0  }
0x98: {  	s20 =	sadd.s32 $0x2820, s31;
	[sflag:s28] =	ssyncadd.s32 $0xFFFFD800  }
0x99: {  	[spmem:s1] =	stream.indirect.scatter.add.f32 [tilespmem:s23], [sflag:$0x4], $0x80, s20, s21, $0xb8;
	[tilespmem:$0x1FF80] =	vst v63  }
0x9a: {  	_ =	swait.ge [sflag:s19], $0x2800  }
0x9b: {  	[sflag:s19] =	ssyncset.done $0x0  }
0x9c: {  	[sflag:s19] =	ssyncadd.s32 $0xFFFFD800  }
0x9d: {  	_ =	swait.ge [sflag:s24], $0x2800  }
0x9e: {  	[sflag:s24] =	ssyncset.done $0x0  }
0x9f: {  	s29 =	simm.s32 $0x4DF0;
	[sflag:s24] =	ssyncadd.s32 $0xFFFFD800  }
0xa0: {  	[spmem:s1] =	stream.indirect.scatter.add.f32 [tilespmem:s18], [sflag:$0x4], $0x80, s29, s21, $0xb8;
	[tilespmem:$0x1FF80] =	vst v63  }
0xa1: {  	_ =	swait.ge [sflag:s19], $0x2800  }
0xa2: {  	[sflag:s19] =	ssyncset.done $0x0  }
0xa3: {  	[sflag:s19] =	ssyncadd.s32 $0xFFFFD800  }
0xa4: {  	_ =	swait.ge [sflag:s26], $0x2800  }
0xa5: {  	[sflag:s26] =	ssyncset.done $0x0  }
0xa6: {  	[sflag:s26] =	ssyncadd.s32 $0xFFFFD800  }
0xa7: {  	[spmem:s1] =	stream.indirect.scatter.add.f32 [tilespmem:s22], [sflag:$0x4], $0x80, s30, s21, $0xb8;
	[tilespmem:$0x1FF80] =	vst v63  }
0xa8: {  	_ =	swait.ge [sflag:s19], $0x2800  }
0xa9: {  	s31 =	stileid.u32;
	[sflag:s19] =	ssyncset.done $0x0  }
0xaa: {  	s0 =	sshll.u32 s31, $0x6;
	[sflag:s19] =	ssyncadd.s32 $0xFFFFD800  }
0xab: {  	s0 =	sor.u32 $0x1C04, s0;
	s2 =	sshrl.u32 s4, $0x3;
	[bflag:$0x0] =	sbarrier.arrive $0xFFFF  }
0xac: {  	[hbm:s25], [sflag:s0] =	dma.local [spmem:s2], $0x2700  }
0xad: {  	s3 =	sadd.s32 $0x1, s3;
	_ =	swait.ge [sflag:s19], $0x2700  }
0xae: {  	p1 =	sne.s32 s3, s17;
	[sflag:s19] =	ssyncset.done $0x0  }
0xaf: {  	s20 =	sshrl.u32 @!p0 s12, $0x3;
	s2 =	sadd.s32 @!p0 $0x27000, s16;
	[sflag:s19] =	ssyncadd.s32 $0xFFFFD900  }
0xb0: {  	[hbm:s2], [sflag:s0] =	dma.local @!p0 [spmem:s20], $0x100  }
.Ltmp2:
0xb1: {  	_ = 	snop;
	(pc) =	sbr.rel @p1 .LBB2_1-.Ltmp2, $4  }
0xb2: {  	s0 =	simm.s32 @!p0 $0x4  }
0xb3: {  	_ =	swait.ge @!p0 [sflag:s0], $0x100  }
0xb4: {  	[sflag:s0] =	ssyncset.done @!p0 $0x0  }
0xb5: {  	[sflag:s0] =	ssyncadd.s32 @!p0 $0xFFFFFF00  }
0xb6: {  	_ =	sfence.sel $0x180000  }
0xb7: {  	[bflag:$0x0] =	sbarrier.arrive $0xFFFF  }
0xb8: {  	_ =	strace $0x9000004A  }
0xb9: {  	[bflag:$0x2] =	sbarrier.arrive $0xFFFF  }
0xba: {  	s0 =	rddreg [dreg:$0x3]  }
0xbb: {  	s0 =	sadd.s32 @!p0 $0x100000, s0  }
0xbc: {  	[sflag:s0] =	ssyncadd.tile.s32 @!p0 $0x1;
	_ =	shalt  }
.Lfunc_end2:
_tile_overlayer_lowered:
.L_overlay_start_2:
0xbd: {  	(tag) =	ssettag $0x2  }
0xbe: {  	s0 =	rddreg [dreg:$0x0];
	s2 =	stileid.u32  }
0xbf: {  	s1 =	rddreg [dreg:$0x1];
	p0 =	sne.s32 s2, $0x0  }
0xc0: {  	s3 =	rddreg [dreg:$0x2];
	[bflag:$0x3] =	sbarrier.arrive $0xFFFF;
	s2 =	simm.s32 @!p0 $0x1C04  }
0xc1: {  	[timem:s3], [sflag:s2] =	dma.local @!p0 [hbm:s0], s1  }
0xc2: {  	s0 =	simm.s32 @!p0 $0x4  }
0xc3: {  	_ =	swait.ge @!p0 [sflag:s0], s1  }
0xc4: {  	s1 =	ssub.s32 @!p0 $0x0, s1;
	[sflag:s0] =	ssyncset.done @!p0 $0x0  }
0xc5: {  	[sflag:s0] =	ssyncadd.s32 @!p0 s1  }
0xc6: {  	[bflag:$0x3] =	sbarrier.arrive $0xFFFF  }
0xc7: {  	_ =	shalt  }

// kernel: kernel.14.cloned.1.call-start
scs
__scs_entry_jumppad:
0x0: {  	(pc) =	sbr.rel $0x88, $3  }
0x1: {  	(tag) =	ssettag $0x0;
	lr =	simm.s32 $0x1  }
0x2: {  	[smem:$0x3F9F] =	sst lr;
	_ =	strace $0xD0000000  }
0x3: {  	_ = 	snop  }
0x4: {  	_ = 	snop  }
0x5: {  	_ = 	snop  }
0x6: {  	_ = 	snop  }
0x7: {  	_ = 	snop  }
__scs_overlays_trampoline_lowered:
0x8: {  	[smem:$0x3FAE] =	sst s0  }
0x9: {  	[smem:$0x3FAF] =	sst s1  }
0xa: {  	[smem:$0x3FB0] =	sst s2  }
0xb: {  	[smem:$0x3FB1] =	sst s3  }
0xc: {  	[smem:$0x3FB2] =	sst s4  }
0xd: {  	[smem:$0x3FB3] =	sst s5  }
0xe: {  	[smem:$0x3FB4] =	sst s6  }
0xf: {  	[smem:$0x3FB5] =	sst s7  }
0x10: {  	[smem:$0x3FB6] =	sst s8  }
0x11: {  	[smem:$0x3FB7] =	sst s9;
	s0 =	simm.s32 @!p0 $0x0  }
0x12: {  	s1 =	sld [smem:$0x3F9D];
	s0 =	simm.s32 @p0 $0x1  }
0x13: {  	[smem:$0x3FB8] =	sst s0;
	s0 =	simm.s32 @!p1 $0x0  }
0x14: {  	s2 =	sld [smem:$0x3F9C];
	s0 =	simm.s32 @p1 $0x1  }
0x15: {  	[smem:$0x3FB9] =	sst s0;
	s0 =	simm.s32 @!p2 $0x0  }
0x16: {  	s3 =	sld [smem:$0x3FDB];
	s0 =	simm.s32 @p2 $0x1  }
0x17: {  	s4 =	simm.s32 $0x1BF5;
	[smem:$0x3FBB] =	sst s0  }
0x18: {  	s0 =	sld [smem:$0x3F9E];
	_ =	swait.ge [sflag:s4], $0x0  }
0x19: {  	s7 =	sld [smem:$0x3F9F]  }
0x1a: {  	s8 =	sadd.s32 $0xFFFFE003, lr  }
0x1b: {  	s9 =	sadd.s32 $0xFFFFFEF7, lr;
	s5 =	simm.s32 $0xFFFFFFFF;
	p2 =	slt.u32 s8, $0xFFFFF086  }
0x1c: {  	p1 =	slt.u32 s9, $0xF7A;
	s5 =	simm.s32 @!p2 $0x0  }
0x1d: {  	s5 =	simm.s32 @p1 $0x1;
	p0 =	seq.s32 s7, s2  }
0x1e: {  	s7 =	smul.u32 @!p0 $0xF7A, s2;
	p2 =	seq.s32 @!p0 s5, $0x0  }
0x1f: {  	s9 =	smul.u32 $0xF7A, s1;
	s8 =	simm.s32 @!p0 $0x1BF5;
	p2 =	por !p2, p0  }
0x20: {  	[sflag:s8] =	ssyncset.s32 @!p0 $0xFFFFF086;
	s6 =	sadd.s32 @!p0 s3, s7;
	s7 =	simm.s32 @!p0 $0x108  }
0x21: {  	s3 =	sadd.s32 s3, s9;
	s6 =	sadd.s32 @!p0 $0x88, s6;
	s7 =	simm.s32 @p2 $0x1082  }
0x22: {  	[simem:s7], [sflag:s8] =	dma.local @!p0 [hbm:s6], $0xF7A  }
0x23: {  	s9 =	sor.u32 $0xD0000000, s2;
	s6 =	simm.s32 $0x108;
	_ =	swait.ge @!p0 [sflag:s8], $0x0  }
0x24: {  	s3 =	sadd.s32 $0x88, s3;
	s6 =	simm.s32 @!p1 $0x1082;
	[sflag:s4] =	ssyncset.s32 $0xFFFFF086  }
0x25: {  	[simem:s6], [sflag:s4] =	dma.local [hbm:s3], $0xF7A  }
0x26: {  	[smem:$0x3F9F] =	sst s1;
	(tag) =	ssettag s2;
	_ =	strace s9  }
0x27: {  	s1 =	sld [smem:$0x3FAF]  }
0x28: {  	s2 =	sld [smem:$0x3FB0]  }
0x29: {  	s4 =	sld [smem:$0x3FB2]  }
0x2a: {  	p0 =	seq.s32 s5, $0x0;
	s5 =	sld [smem:$0x3FB3]  }
0x2b: {  	s6 =	sld [smem:$0x3FB4]  }
0x2c: {  	s7 =	sld [smem:$0x3FB5]  }
0x2d: {  	s3 =	simm.s32 $0x108;
	s8 =	sld [smem:$0x3FB6]  }
0x2e: {  	s3 =	simm.s32 @!p0 $0x1082;
	s9 =	sld [smem:$0x3FB7]  }
0x2f: {  	lr =	sadd.s32 s0, s3;
	s0 =	sld [smem:$0x3FAE]  }
0x30: {  	s3 =	sld [smem:$0x3FB1]  }
0x31: {  	[smem:$0x3FBA] =	sst s10  }
0x32: {  	s10 =	sld [smem:$0x3FB8];
	_ =	sdelay $0x3  }
0x33: {  	p0 =	seq.s32 s10, $0x1;
	s10 =	sld [smem:$0x3FBA];
	_ =	sdelay $0x3  }
0x34: {  	[smem:$0x3FBA] =	sst s10  }
0x35: {  	s10 =	sld [smem:$0x3FB9];
	_ =	sdelay $0x3  }
0x36: {  	p1 =	seq.s32 s10, $0x1;
	s10 =	sld [smem:$0x3FBA];
	_ =	sdelay $0x3  }
0x37: {  	[smem:$0x3FBA] =	sst s10  }
0x38: {  	s10 =	sld [smem:$0x3FBB]  }
0x39: {  	_ = 	snop;
	(pc) =	sbr.ind lr, $3  }
0x3a: {  	_ = 	snop  }
0x3b: {  	_ = 	snop  }
0x3c: {  	p2 =	seq.s32 s10, $0x1;
	s10 =	sld [smem:$0x3FBA]  }
0x3d: {  	_ =	shalt  }
0x3e: {  	_ =	shalt  }
0x3f: {  	_ =	shalt  }
0x40: {  	_ =	shalt  }
0x41: {  	_ =	shalt  }
0x42: {  	_ =	shalt  }
0x43: {  	_ =	shalt  }
0x44: {  	_ =	shalt  }
0x45: {  	_ =	shalt  }
0x46: {  	_ =	shalt  }
0x47: {  	_ =	shalt  }
0x48: {  	_ =	shalt  }
0x49: {  	_ =	shalt  }
0x4a: {  	_ =	shalt  }
0x4b: {  	_ =	shalt  }
0x4c: {  	_ =	shalt  }
0x4d: {  	_ =	shalt  }
0x4e: {  	_ =	shalt  }
0x4f: {  	_ =	shalt  }
0x50: {  	_ =	shalt  }
0x51: {  	_ =	shalt  }
0x52: {  	_ =	shalt  }
0x53: {  	_ =	shalt  }
0x54: {  	_ =	shalt  }
0x55: {  	_ =	shalt  }
0x56: {  	_ =	shalt  }
0x57: {  	_ =	shalt  }
0x58: {  	_ =	shalt  }
0x59: {  	_ =	shalt  }
0x5a: {  	_ =	shalt  }
0x5b: {  	_ =	shalt  }
0x5c: {  	_ =	shalt  }
0x5d: {  	_ =	shalt  }
0x5e: {  	_ =	shalt  }
0x5f: {  	_ =	shalt  }
0x60: {  	_ =	shalt  }
0x61: {  	_ =	shalt  }
0x62: {  	_ =	shalt  }
0x63: {  	_ =	shalt  }
0x64: {  	_ =	shalt  }
0x65: {  	_ =	shalt  }
0x66: {  	_ =	shalt  }
0x67: {  	_ =	shalt  }
0x68: {  	_ =	shalt  }
0x69: {  	_ =	shalt  }
0x6a: {  	_ =	shalt  }
0x6b: {  	_ =	shalt  }
0x6c: {  	_ =	shalt  }
0x6d: {  	_ =	shalt  }
0x6e: {  	_ =	shalt  }
0x6f: {  	_ =	shalt  }
0x70: {  	_ =	shalt  }
0x71: {  	_ =	shalt  }
0x72: {  	_ =	shalt  }
0x73: {  	_ =	shalt  }
0x74: {  	_ =	shalt  }
0x75: {  	_ =	shalt  }
0x76: {  	_ =	shalt  }
0x77: {  	_ =	shalt  }
0x78: {  	_ =	shalt  }
0x79: {  	_ =	shalt  }
0x7a: {  	_ =	shalt  }
0x7b: {  	_ =	shalt  }
0x7c: {  	_ =	shalt  }
0x7d: {  	_ =	shalt  }
0x7e: {  	_ =	shalt  }
0x7f: {  	_ =	shalt  }
0x80: {  	_ =	shalt  }
0x81: {  	_ =	shalt  }
0x82: {  	_ =	shalt  }
0x83: {  	_ =	shalt  }
0x84: {  	_ =	shalt  }
0x85: {  	_ =	shalt  }
0x86: {  	_ =	shalt  }
0x87: {  	_ =	shalt  }
.Lfunc_end0:
.L_simem_size_0:
called_computation.2_lowered:
.L_overlay_start_0:
0x88: {  	s2 =	sld [smem:$0x3FD9]  }
0x89: {  	s3 =	sld [smem:$0x3FFE];
	_ =	sdelay $0x1  }
0x8a: {  	s1 =	srdreg.scid  }
0x8b: {  	s0 =	sand.u32 $0x1, s1  }
0x8c: {  	s17 =	sshll.u32 s0, $0xA;
	s2 =	sadd.s32 s3, s2  }
0x8d: {  	s2 =	sadd.s32 s2, s17  }
0x8e: {  	[smem:$0x3FC6] =	sst s2  }
0x8f: {  	_ = 	snop  }
0x90: {  	s2 =	sld [smem:$0x3FD0];
	(tm) =	ssettm $0x1  }
0x91: {  	s18 =	sld [smem:$0x3FFB];
	_ =	sdelay $0x3  }
0x92: {  	_ =	strace s18  }
0x93: {  	s3 =	sld [smem:$0x3FFC];
	_ =	sdelay $0x3  }
0x94: {  	_ =	strace s3  }
0x95: {  	s3 =	sld [smem:$0x3FFD];
	_ =	sdelay $0x3  }
0x96: {  	_ =	strace s3  }
0x97: {  	_ =	strace $0x8FFFFFFF  }
0x98: {  	s19 =	sld [smem:$0x3FDB];
	_ =	sdelay $0x1  }
0x99: {  	s4 =	simm.s32 $_scs_section_size  }
0x9a: {  	s5 =	simm.s32 $_size__tile_overlayer_lowered;
	s6 =	simm.s32 $_tile_overlayer_lowered  }
0x9b: {  	s22 =	simm.s32 $0x1BFF;
	s21 =	sshll.u32 s6, $0x1;
	s3 =	sadd.s32 s4, s19  }
0x9c: {  	s7 =	simm.s32 $0x0;
	s20 =	sshll.u32 s5, $0x1;
	s5 =	sadd.s32 s21, s3  }
0x9d: {  	[timem:s7], [sflag:s22] =	dma.local [hbm:s5], s20  }
0x9e: {  	_ =	swait.ge [sflag:s22], s20  }
0x9f: {  	s4 =	ssub.s32 $0x0, s20;
	[sflag:s22] =	ssyncset.done $0x0  }
0xa0: {  	[sflag:s22] =	ssyncadd.s32 s4;
	_ =	sdelay $0x1  }
0xa1: {  	s23 =	simm.s32 $0x1B8B  }
0xa2: {  	_ =	swait.ge [sflag:s23], $0x1  }
0xa3: {  	[sflag:s23] =	ssyncset.done $0x0  }
0xa4: {  	s25 =	simm.s32 $0x1B8E;
	s24 =	sld [smem:$0x3FFE];
	[sflag:s23] =	ssyncadd.s32 $0xFFFFFFFF  }
0xa5: {  	s26 =	simm.s32 $execute0_lowered;
	[smem:$0x3FD2] =	sst s25  }
0xa6: {  	s5 =	sshll.u32 s26, $0x1;
	_ =	strace $0x8000004C;
	[dreg:$0x1] =	wrdreg $0xFFFFFFFF  }
0xa7: {  	s28 =	simm.s32 $_size_execute0_lowered;
	s3 =	sadd.s32 s3, s5;
	[dreg:$0x0] =	wrdreg $0x0  }
0xa8: {  	s5 =	sshll.u32 s28, $0x1;
	[dreg:$0x2] =	wrdreg s3  }
0xa9: {  	[dreg:$0x3] =	wrdreg s5  }
0xaa: {  	[dreg:$0x4] =	wrdreg $0xC0  }
0xab: {  	_ =	task [dreg:s7], $0x5FFFF  }
0xac: {  	[dreg:$0x1] =	wrdreg $0xFFFFFFFF  }
0xad: {  	[dreg:$0x0] =	wrdreg $0x60  }
0xae: {  	[dreg:$0x2] =	wrdreg s24  }
0xaf: {  	[dreg:$0x3] =	wrdreg s2  }
0xb0: {  	[dreg:$0x4] =	wrdreg $0xC7000  }
0xb1: {  	[dreg:$0x5] =	wrdreg $0x9  }
0xb2: {  	_ =	task.clear_ibuf [dreg:s7], $0x6FFFF;
	_ =	strace $0x9000004C  }
0xb3: {  	s29 =	simm.s32 $0x9;
	_ =	strace $0x8000004E  }
0xb4: {  	_ =	swait.ge [sflag:s29], $0x1  }
0xb5: {  	[sflag:s29] =	ssyncadd.s32 $0xFFFFFFFF  }
0xb6: {  	_ =	strace $0x9000004E  }
0xb7: {  	_ =	sfence  }
0xb8: {  	s30 =	sld [smem:$0x0];
	_ =	sdelay $0x2  }
0xb9: {  	s31 =	sshll.u32 s1, $0xD;
	s1 =	sshrl.u32 s1, $0x2  }
0xba: {  	s3 =	sand.u32 $0x4000, s31;
	s1 =	sadd.s32 s1, s30  }
0xbb: {  	s0 =	sor.u32 s3, s0;
	s1 =	sshll.u32 s1, $0x11  }
0xbc: {  	s0 =	sor.u32 s1, s0  }
0xbd: {  	s0 =	sadd.s32 $0x8F2B, s0  }
0xbe: {  	[sflag:s0] =	ssyncadd.remote.s32 $0x1  }
0xbf: {  	_ =	sfence.sel $0xFFFF  }
0xc0: {  	[dreg:$0x0] =	wrdreg $0xFFFFFFFF;
	(pc) =	sbr.abs _section_cstart, $3  }
0xc1: {  	[dreg:$0x1] =	wrdreg $0xFFFFFFFF  }
0xc2: {  	_ =	task.clear_ibuf [dreg:s7], $0x2FFFF;
	_ =	strace $0x9FFFFFFF  }
0xc3: {  	(tm) =	ssettm $0x7FFFFFFF  }
tec
execute0_lowered:
.L_overlay_start_1:
0x0: {  	(tag) =	ssettag $0x1  }
0x1: {  	s0 =	rddreg [dreg:$0x0]  }
0x2: {  	s16 =	rddreg [dreg:$0x1]  }
0x3: {  	s1 =	rddreg [dreg:$0x2]  }
0x4: {  	s2 =	srdreg.scid;
	s3 =	stileid.u32  }
0x5: {  	s19 =	simm.s32 $0x4;
	s21 =	simm.s32 $0x50;
	s22 =	simm.s32 $0x7700  }
0x6: {  	s23 =	simm.s32 $0x9F00;
	s24 =	simm.s32 $0x1;
	s26 =	simm.s32 $0x2  }
0x7: {  	s28 =	simm.s32 $0x3;
	s30 =	simm.s32 $0x4E40;
	s5 =	smul.u32 $0x4E000, s3  }
0x8: {  	s4 =	sand.u32 $0x1, s2;
	s2 =	simm.s32 $0x0;
	s6 =	smul.u32 $0x4E2, s3  }
0x9: {  	s12 =	sadd.s32 $0x138000, s1;
	s31 =	smul.u32 $0x2700, s3;
	p0 =	sne.s32 s3, $0x0  }
0xa: {  	s17 =	smul.u32 $0x27100, s4;
	[smem:$0x7FF] =	sst s2;
	s4 =	ssub.s32 $0x2, s4  }
0xb: {  	_ =	strace $0x8000004D;
	s7 =	sshrl.u32 s4, $0x1;
	s5 =	sshrl.u32 s5, $0x2  }
0xc: {  	s15 =	sadd.s32 s17, s0;
	s18 =	ssub.s32 s4, s7;
	s4 =	sadd.s32 s5, s1  }
0xd: {  	s0 =	sadd.s32 s6, s0;
	s16 =	sadd.s32 s16, s17;
	s5 =	sadd.s32 $0x2800, s4  }
0xe: {  	s6 =	sadd.s32 $0x5000, s4;
	s7 =	sadd.s32 $0x7800, s4;
	s8 =	sadd.s32 $0xA000, s4  }
0xf: {  	s9 =	sadd.s32 $0xC800, s4;
	s10 =	sadd.s32 $0xF000, s4;
	s11 =	sadd.s32 $0x11800, s4  }
0x10: {  	s13 =	sadd.s32 $0xC00, s0;
	s14 =	sadd.s32 $0x5C00, s0;
	s15 =	sadd.s32 $0xAC00, s15  }
0x11: {  	v0 =	vimm.f32 $0.0e+00;
	s17 =	smax.u32 s18, $0x1;
	s18 =	simm.s32 $0x4F00;
	s25 =	sadd.s32 s31, s16  }
.LBB2_1:
0x12: {  	s31 =	simm.s32 $0x0;
	s0 =	simm.s32 $0x200  }
.LBB2_2:
0x13: {  	p1 =	sne.s32 s0, $0x9E00;
	[tilespmem:s31+$0x4F70] =	vst v0  }
0x14: {  	[tilespmem:s31+$0x4F00] =	vst v0  }
0x15: {  	[tilespmem:s31+$0x4F10] =	vst v0  }
.Ltmp0:
0x16: {  	[tilespmem:s31+$0x4F20] =	vst v0;
	(pc) =	sbr.rel @p1 .LBB2_2-.Ltmp0, $4  }
0x17: {  	[tilespmem:s31+$0x4F30] =	vst v0  }
0x18: {  	[tilespmem:s31+$0x4F40] =	vst v0  }
0x19: {  	[tilespmem:s31+$0x4F50] =	vst v0  }
0x1a: {  	[tilespmem:s31+$0x4F60] =	vst v0;
	s31 =	sshra.s32 s0, $0x2;
	s0 =	sadd.s32 $0x200, s0  }
0x1b: {  	[tilespmem:s31+$0x4F70] =	vst v0  }
0x1c: {  	[tilespmem:s31+$0x4F00] =	vst v0  }
0x1d: {  	[tilespmem:s31+$0x4F10] =	vst v0  }
0x1e: {  	[tilespmem:s31+$0x4F20] =	vst v0  }
0x1f: {  	[tilespmem:s31+$0x4F30] =	vst v0  }
0x20: {  	[tilespmem:s31+$0x4F40] =	vst v0  }
0x21: {  	[tilespmem:s31+$0x4F50] =	vst v0  }
0x22: {  	[tilespmem:s31+$0x4F60] =	vst v0  }
0x23: {  	[spmem:s4] =	stream.linear.scatter [tilespmem:s18], [sflag:$0x4], $0x2800, $0x38;
	[tilespmem:$0x1FF80] =	vst v63  }
0x24: {  	_ =	swait.ge [sflag:s19], $0x2800  }
0x25: {  	[sflag:s19] =	ssyncset.done $0x0  }
0x26: {  	[sflag:s19] =	ssyncadd.s32 $0xFFFFD800  }
0x27: {  	[spmem:s5] =	stream.linear.scatter [tilespmem:s18], [sflag:$0x4], $0x2800, $0x38;
	[tilespmem:$0x1FF80] =	vst v63  }
0x28: {  	_ =	swait.ge [sflag:s19], $0x2800  }
0x29: {  	[sflag:s19] =	ssyncset.done $0x0  }
0x2a: {  	[sflag:s19] =	ssyncadd.s32 $0xFFFFD800  }
0x2b: {  	[spmem:s6] =	stream.linear.scatter [tilespmem:s18], [sflag:$0x4], $0x2800, $0x38;
	[tilespmem:$0x1FF80] =	vst v63  }
0x2c: {  	_ =	swait.ge [sflag:s19], $0x2800  }
0x2d: {  	[sflag:s19] =	ssyncset.done $0x0  }
0x2e: {  	[sflag:s19] =	ssyncadd.s32 $0xFFFFD800  }
0x2f: {  	[spmem:s7] =	stream.linear.scatter [tilespmem:s18], [sflag:$0x4], $0x2800, $0x38;
	[tilespmem:$0x1FF80] =	vst v63  }
0x30: {  	_ =	swait.ge [sflag:s19], $0x2800  }
0x31: {  	[sflag:s19] =	ssyncset.done $0x0  }
0x32: {  	[sflag:s19] =	ssyncadd.s32 $0xFFFFD800  }
0x33: {  	[spmem:s8] =	stream.linear.scatter [tilespmem:s18], [sflag:$0x4], $0x2800, $0x38;
	[tilespmem:$0x1FF80] =	vst v63  }
0x34: {  	_ =	swait.ge [sflag:s19], $0x2800  }
0x35: {  	[sflag:s19] =	ssyncset.done $0x0  }
0x36: {  	[sflag:s19] =	ssyncadd.s32 $0xFFFFD800  }
0x37: {  	[spmem:s9] =	stream.linear.scatter [tilespmem:s18], [sflag:$0x4], $0x2800, $0x38;
	[tilespmem:$0x1FF80] =	vst v63  }
0x38: {  	_ =	swait.ge [sflag:s19], $0x2800  }
0x39: {  	[sflag:s19] =	ssyncset.done $0x0  }
0x3a: {  	[sflag:s19] =	ssyncadd.s32 $0xFFFFD800  }
0x3b: {  	[spmem:s10] =	stream.linear.scatter [tilespmem:s18], [sflag:$0x4], $0x2800, $0x38;
	[tilespmem:$0x1FF80] =	vst v63  }
0x3c: {  	_ =	swait.ge [sflag:s19], $0x2800  }
0x3d: {  	[sflag:s19] =	ssyncset.done $0x0  }
0x3e: {  	[sflag:s19] =	ssyncadd.s32 $0xFFFFD800  }
0x3f: {  	[spmem:s11] =	stream.linear.scatter [tilespmem:s18], [sflag:$0x4], $0x2000, $0x38;
	[tilespmem:$0x1FF80] =	vst v63  }
0x40: {  	_ =	swait.ge [sflag:s19], $0x2000  }
0x41: {  	[sflag:s19] =	ssyncset.done $0x0  }
0x42: {  	s0 =	simm.s32 @!p0 $0x4F00;
	[sflag:s19] =	ssyncadd.s32 $0xFFFFE000  }
0x43: {  	[spmem:s12] =	stream.linear.scatter @!p0 [tilespmem:s0], [sflag:$0x4], $0x800, $0x38;
	[tilespmem:$0x1FF80] =	vst v63  }
0x44: {  	s0 =	simm.s32 @!p0 $0x4  }
0x45: {  	_ =	swait.ge @!p0 [sflag:s0], $0x800  }
0x46: {  	[sflag:s0] =	ssyncset.done @!p0 $0x0  }
0x47: {  	s29 =	simm.s32 $0x0;
	[sflag:s0] =	ssyncadd.s32 @!p0 $0xFFFFF800  }
0x48: {  	[tilespmem:s29], [sflag:$0x4] =	stream.linear.gather [hbm4b:s13+s29], $0x2710, $0x38;
	[tilespmem:$0x1FF80] =	vst v63  }
0x49: {  	_ =	swait.ge [sflag:s19], $0x2710  }
0x4a: {  	[sflag:s19] =	ssyncset.done $0x0  }
0x4b: {  	s3 =	simm.s32 $0x2780;
	[sflag:s19] =	ssyncadd.s32 $0xFFFFD8F0  }
0x4c: {  	[tilespmem:s3], [sflag:$0x4] =	stream.linear.gather [hbm4b:s14+s29], $0x2710, $0x38;
	[tilespmem:$0x1FF80] =	vst v63  }
0x4d: {  	_ =	swait.ge [sflag:s19], $0x2710  }
0x4e: {  	[sflag:s19] =	ssyncset.done $0x0  }
0x4f: {  	[sflag:s19] =	ssyncadd.s32 $0xFFFFD8F0  }
0x50: {  	[bflag:$0x0] =	sbarrier.arrive $0xFFFF  }
0x51: {  	[tilespmem:s18], [sflag:$0x1] =	stream.indirect.gather [hbm4b:s15+s21], $0x80, s29, s21, $0xb8;
	[tilespmem:$0x1FF80] =	vst v63  }
0x52: {  	_ = 	snop  }
0x53: {  	[tilespmem:s22], [sflag:$0x2] =	stream.indirect.gather [hbm4b:s15+s21], $0x80, s21, s21, $0xb8;
	[tilespmem:$0x1FF80] =	vst v63  }
0x54: {  	s3 =	simm.s32 $0xA0  }
0x55: {  	[tilespmem:s23], [sflag:$0x3] =	stream.indirect.gather [hbm4b:s15+s21], $0x80, s3, s21, $0xb8;
	[tilespmem:$0x1FF80] =	vst v63  }
0x56: {  	_ =	swait.ge [sflag:s24], $0x2800  }
0x57: {  	[sflag:s24] =	ssyncset.done $0x0  }
0x58: {  	s20 =	simm.s32 $0x2780;
	[sflag:s24] =	ssyncadd.s32 $0xFFFFD800  }
0x59: {  	[spmem:s1] =	stream.indirect.scatter.add.f32 [tilespmem:s18], [sflag:$0x4], $0x80, s20, s21, $0xb8;
	[tilespmem:$0x1FF80] =	vst v63  }
0x5a: {  	_ =	swait.ge [sflag:s19], $0x2800  }
0x5b: {  	[sflag:s19] =	ssyncset.done $0x0  }
0x5c: {  	s29 =	simm.s32 $0xF0;
	[sflag:s19] =	ssyncadd.s32 $0xFFFFD800  }
0x5d: {  	[tilespmem:s18], [sflag:$0x1] =	stream.indirect.gather [hbm4b:s15+s21], $0x80, s29, s21, $0xb8;
	[tilespmem:$0x1FF80] =	vst v63  }
0x5e: {  	_ =	swait.ge [sflag:s26], $0x2800  }
0x5f: {  	[sflag:s26] =	ssyncset.done $0x0  }
0x60: {  	s3 =	simm.s32 $0x27D0;
	[sflag:s26] =	ssyncadd.s32 $0xFFFFD800  }
0x61: {  	[spmem:s1] =	stream.indirect.scatter.add.f32 [tilespmem:s22], [sflag:$0x4], $0x80, s3, s21, $0xb8;
	[tilespmem:$0x1FF80] =	vst v63  }
0x62: {  	_ =	swait.ge [sflag:s19], $0x2800  }
0x63: {  	[sflag:s19] =	ssyncset.done $0x0  }
0x64: {  	s20 =	simm.s32 $0x140;
	[sflag:s19] =	ssyncadd.s32 $0xFFFFD800  }
0x65: {  	[tilespmem:s22], [sflag:$0x2] =	stream.indirect.gather [hbm4b:s15+s21], $0x80, s20, s21, $0xb8;
	[tilespmem:$0x1FF80] =	vst v63  }
0x66: {  	_ =	swait.ge [sflag:s28], $0x2800  }
0x67: {  	[sflag:s28] =	ssyncset.done $0x0  }
0x68: {  	s29 =	simm.s32 $0x2820;
	[sflag:s28] =	ssyncadd.s32 $0xFFFFD800  }
0x69: {  	[spmem:s1] =	stream.indirect.scatter.add.f32 [tilespmem:s23], [sflag:$0x4], $0x80, s29, s21, $0xb8;
	[tilespmem:$0x1FF80] =	vst v63  }
0x6a: {  	_ =	swait.ge [sflag:s19], $0x2800  }
0x6b: {  	s31 =	simm.s32 $0xF0;
	s0 =	simm.s32 $0x780;
	[sflag:s19] =	ssyncset.done $0x0  }
.LBB2_4:
0x6c: {  	s20 =	sadd.s32 $0xA0, s31  }
0x6d: {  	[sflag:s19] =	ssyncadd.s32 $0xFFFFD800;
	s3 =	smov.u32 s0;
	s29 =	sadd.s32 $0x3C0, s0  }
0x6e: {  	[tilespmem:s23], [sflag:$0x3] =	stream.indirect.gather [hbm4b:s15+s21], $0x80, s20, s21, $0xb8;
	[tilespmem:$0x1FF80] =	vst v63  }
0x6f: {  	p1 =	sne.s32 s0, $0x9600;
	_ =	swait.ge [sflag:s24], $0x2800  }
0x70: {  	[sflag:s24] =	ssyncset.done $0x0  }
0x71: {  	s0 =	sadd.s32 $0x2780, s31;
	[sflag:s24] =	ssyncadd.s32 $0xFFFFD800  }
0x72: {  	[spmem:s1] =	stream.indirect.scatter.add.f32 [tilespmem:s18], [sflag:$0x4], $0x80, s0, s21, $0xb8;
	[tilespmem:$0x1FF80] =	vst v63  }
0x73: {  	_ =	swait.ge [sflag:s19], $0x2800  }
0x74: {  	[sflag:s19] =	ssyncset.done $0x0  }
0x75: {  	s0 =	sadd.s32 $0xF0, s31;
	[sflag:s19] =	ssyncadd.s32 $0xFFFFD800  }
0x76: {  	[tilespmem:s18], [sflag:$0x1] =	stream.indirect.gather [hbm4b:s15+s21], $0x80, s0, s21, $0xb8;
	[tilespmem:$0x1FF80] =	vst v63  }
0x77: {  	_ =	swait.ge [sflag:s26], $0x2800  }
0x78: {  	[sflag:s26] =	ssyncset.done $0x0  }
0x79: {  	s0 =	sadd.s32 $0x27D0, s31;
	[sflag:s26] =	ssyncadd.s32 $0xFFFFD800  }
0x7a: {  	[spmem:s1] =	stream.indirect.scatter.add.f32 [tilespmem:s22], [sflag:$0x4], $0x80, s0, s21, $0xb8;
	[tilespmem:$0x1FF80] =	vst v63  }
0x7b: {  	_ =	swait.ge [sflag:s19], $0x2800  }
0x7c: {  	[sflag:s19] =	ssyncset.done $0x0  }
0x7d: {  	s0 =	sadd.s32 $0x140, s31;
	[sflag:s19] =	ssyncadd.s32 $0xFFFFD800  }
0x7e: {  	[tilespmem:s22], [sflag:$0x2] =	stream.indirect.gather [hbm4b:s15+s21], $0x80, s0, s21, $0xb8;
	[tilespmem:$0x1FF80] =	vst v63  }
0x7f: {  	_ =	swait.ge [sflag:s28], $0x2800  }
.Ltmp1:
0x80: {  	[sflag:s28] =	ssyncset.done $0x0;
	(pc) =	sbr.rel @p1 .LBB2_4-.Ltmp1, $4  }
0x81: {  	s0 =	sadd.s32 $0x2820, s31;
	[sflag:s28] =	ssyncadd.s32 $0xFFFFD800  }
0x82: {  	[spmem:s1] =	stream.indirect.scatter.add.f32 [tilespmem:s23], [sflag:$0x4], $0x80, s0, s21, $0xb8;
	[tilespmem:$0x1FF80] =	vst v63  }
0x83: {  	_ =	swait.ge [sflag:s19], $0x2800  }
0x84: {  	s31 =	sshra.s32 s3, $0x2;
	s0 =	smov.u32 s29;
	[sflag:s19] =	ssyncset.done $0x0  }
0x85: {  	s0 =	sadd.s32 $0xA0, s31;
	[sflag:s19] =	ssyncadd.s32 $0xFFFFD800  }
0x86: {  	[tilespmem:s23], [sflag:$0x3] =	stream.indirect.gather [hbm4b:s15+s21], $0x80, s0, s21, $0xb8;
	[tilespmem:$0x1FF80] =	vst v63  }
0x87: {  	_ =	swait.ge [sflag:s24], $0x2800  }
0x88: {  	[sflag:s24] =	ssyncset.done $0x0  }
0x89: {  	s3 =	sadd.s32 $0x2780, s31;
	[sflag:s24] =	ssyncadd.s32 $0xFFFFD800  }
0x8a: {  	[spmem:s1] =	stream.indirect.scatter.add.f32 [tilespmem:s18], [sflag:$0x4], $0x80, s3, s21, $0xb8;
	[tilespmem:$0x1FF80] =	vst v63  }
0x8b: {  	_ =	swait.ge [sflag:s19], $0x2800  }
0x8c: {  	[sflag:s19] =	ssyncset.done $0x0  }
0x8d: {  	s20 =	sadd.s32 $0xF0, s31;
	[sflag:s19] =	ssyncadd.s32 $0xFFFFD800  }
0x8e: {  	[tilespmem:s18], [sflag:$0x1] =	stream.indirect.gather [hbm4b:s15+s21], $0x80, s20, s21, $0xb8;
	[tilespmem:$0x1FF80] =	vst v63  }
0x8f: {  	_ =	swait.ge [sflag:s26], $0x2800  }
0x90: {  	[sflag:s26] =	ssyncset.done $0x0  }
0x91: {  	s29 =	sadd.s32 $0x27D0, s31;
	[sflag:s26] =	ssyncadd.s32 $0xFFFFD800  }
0x92: {  	[spmem:s1] =	stream.indirect.scatter.add.f32 [tilespmem:s22], [sflag:$0x4], $0x80, s29, s21, $0xb8;
	[tilespmem:$0x1FF80] =	vst v63  }
0x93: {  	_ =	swait.ge [sflag:s19], $0x2800  }
0x94: {  	[sflag:s19] =	ssyncset.done $0x0  }
0x95: {  	s3 =	sadd.s32 $0x140, s31;
	[sflag:s19] =	ssyncadd.s32 $0xFFFFD800  }
0x96: {  	[tilespmem:s22], [sflag:$0x2] =	stream.indirect.gather [hbm4b:s15+s21], $0x80, s3, s21, $0xb8;
	[tilespmem:$0x1FF80] =	vst v63  }
0x97: {  	_ =	swait.ge [sflag:s28], $0x2800  }
0x98: {  	[sflag:s28] =	ssyncset.done $0x0  }
0x99: {  	s20 =	sadd.s32 $0x2820, s31;
	[sflag:s28] =	ssyncadd.s32 $0xFFFFD800  }
0x9a: {  	[spmem:s1] =	stream.indirect.scatter.add.f32 [tilespmem:s23], [sflag:$0x4], $0x80, s20, s21, $0xb8;
	[tilespmem:$0x1FF80] =	vst v63  }
0x9b: {  	_ =	swait.ge [sflag:s19], $0x2800  }
0x9c: {  	[sflag:s19] =	ssyncset.done $0x0  }
0x9d: {  	[sflag:s19] =	ssyncadd.s32 $0xFFFFD800  }
0x9e: {  	_ =	swait.ge [sflag:s24], $0x2800  }
0x9f: {  	[sflag:s24] =	ssyncset.done $0x0  }
0xa0: {  	s29 =	simm.s32 $0x4DF0;
	[sflag:s24] =	ssyncadd.s32 $0xFFFFD800  }
0xa1: {  	[spmem:s1] =	stream.indirect.scatter.add.f32 [tilespmem:s18], [sflag:$0x4], $0x80, s29, s21, $0xb8;
	[tilespmem:$0x1FF80] =	vst v63  }
0xa2: {  	_ =	swait.ge [sflag:s19], $0x2800  }
0xa3: {  	[sflag:s19] =	ssyncset.done $0x0  }
0xa4: {  	[sflag:s19] =	ssyncadd.s32 $0xFFFFD800  }
0xa5: {  	_ =	swait.ge [sflag:s26], $0x2800  }
0xa6: {  	[sflag:s26] =	ssyncset.done $0x0  }
0xa7: {  	[sflag:s26] =	ssyncadd.s32 $0xFFFFD800  }
0xa8: {  	[spmem:s1] =	stream.indirect.scatter.add.f32 [tilespmem:s22], [sflag:$0x4], $0x80, s30, s21, $0xb8;
	[tilespmem:$0x1FF80] =	vst v63  }
0xa9: {  	_ =	swait.ge [sflag:s19], $0x2800  }
0xaa: {  	s31 =	stileid.u32;
	[sflag:s19] =	ssyncset.done $0x0  }
0xab: {  	s0 =	sshll.u32 s31, $0x6;
	[sflag:s19] =	ssyncadd.s32 $0xFFFFD800  }
0xac: {  	s0 =	sor.u32 $0x1C04, s0;
	s3 =	sshrl.u32 s4, $0x3;
	[bflag:$0x0] =	sbarrier.arrive $0xFFFF  }
0xad: {  	[hbm:s25], [sflag:s0] =	dma.local [spmem:s3], $0x2700  }
0xae: {  	s2 =	sadd.s32 $0x1, s2;
	_ =	swait.ge [sflag:s19], $0x2700  }
0xaf: {  	p1 =	sne.s32 s2, s17;
	[sflag:s19] =	ssyncset.done $0x0  }
0xb0: {  	s20 =	sshrl.u32 @!p0 s12, $0x3;
	s3 =	sadd.s32 @!p0 $0x27000, s16;
	[sflag:s19] =	ssyncadd.s32 $0xFFFFD900  }
0xb1: {  	[hbm:s3], [sflag:s0] =	dma.local @!p0 [spmem:s20], $0x100  }
.Ltmp2:
0xb2: {  	_ = 	snop;
	(pc) =	sbr.rel @p1 .LBB2_1-.Ltmp2, $4  }
0xb3: {  	s0 =	simm.s32 @!p0 $0x4  }
0xb4: {  	_ =	swait.ge @!p0 [sflag:s0], $0x100  }
0xb5: {  	[sflag:s0] =	ssyncset.done @!p0 $0x0  }
0xb6: {  	[sflag:s0] =	ssyncadd.s32 @!p0 $0xFFFFFF00  }
0xb7: {  	_ =	sfence.sel $0x180000  }
0xb8: {  	[bflag:$0x0] =	sbarrier.arrive $0xFFFF  }
0xb9: {  	_ =	strace $0x9000004D  }
0xba: {  	[bflag:$0x2] =	sbarrier.arrive $0xFFFF  }
0xbb: {  	s0 =	rddreg [dreg:$0x3]  }
0xbc: {  	s0 =	sadd.s32 @!p0 $0x100000, s0  }
0xbd: {  	[sflag:s0] =	ssyncadd.tile.s32 @!p0 $0x1;
	_ =	shalt  }
.Lfunc_end2:
_tile_overlayer_lowered:
.L_overlay_start_2:
0xbe: {  	(tag) =	ssettag $0x2  }
0xbf: {  	s0 =	rddreg [dreg:$0x0];
	s2 =	stileid.u32  }
0xc0: {  	s1 =	rddreg [dreg:$0x1];
	p0 =	sne.s32 s2, $0x0  }
0xc1: {  	s3 =	rddreg [dreg:$0x2];
	[bflag:$0x3] =	sbarrier.arrive $0xFFFF;
	s2 =	simm.s32 @!p0 $0x1C04  }
0xc2: {  	[timem:s3], [sflag:s2] =	dma.local @!p0 [hbm:s0], s1  }
0xc3: {  	s0 =	simm.s32 @!p0 $0x4  }
0xc4: {  	_ =	swait.ge @!p0 [sflag:s0], s1  }
0xc5: {  	s1 =	ssub.s32 @!p0 $0x0, s1;
	[sflag:s0] =	ssyncset.done @!p0 $0x0  }
0xc6: {  	[sflag:s0] =	ssyncadd.s32 @!p0 s1  }
0xc7: {  	[bflag:$0x3] =	sbarrier.arrive $0xFFFF  }
0xc8: {  	_ =	shalt  }

// kernel: kernel.8.cloned.1.call-start
scs
__scs_entry_jumppad:
0x0: {  	(pc) =	sbr.rel $0x88, $3  }
0x1: {  	(tag) =	ssettag $0x0;
	lr =	simm.s32 $0x1  }
0x2: {  	[smem:$0x3F9F] =	sst lr;
	_ =	strace $0xD0000000  }
0x3: {  	_ = 	snop  }
0x4: {  	_ = 	snop  }
0x5: {  	_ = 	snop  }
0x6: {  	_ = 	snop  }
0x7: {  	_ = 	snop  }
__scs_overlays_trampoline_lowered:
0x8: {  	[smem:$0x3FAE] =	sst s0  }
0x9: {  	[smem:$0x3FAF] =	sst s1  }
0xa: {  	[smem:$0x3FB0] =	sst s2  }
0xb: {  	[smem:$0x3FB1] =	sst s3  }
0xc: {  	[smem:$0x3FB2] =	sst s4  }
0xd: {  	[smem:$0x3FB3] =	sst s5  }
0xe: {  	[smem:$0x3FB4] =	sst s6  }
0xf: {  	[smem:$0x3FB5] =	sst s7  }
0x10: {  	[smem:$0x3FB6] =	sst s8  }
0x11: {  	[smem:$0x3FB7] =	sst s9;
	s0 =	simm.s32 @!p0 $0x0  }
0x12: {  	s1 =	sld [smem:$0x3F9D];
	s0 =	simm.s32 @p0 $0x1  }
0x13: {  	[smem:$0x3FB8] =	sst s0;
	s0 =	simm.s32 @!p1 $0x0  }
0x14: {  	s2 =	sld [smem:$0x3F9C];
	s0 =	simm.s32 @p1 $0x1  }
0x15: {  	[smem:$0x3FB9] =	sst s0;
	s0 =	simm.s32 @!p2 $0x0  }
0x16: {  	s3 =	sld [smem:$0x3FDB];
	s0 =	simm.s32 @p2 $0x1  }
0x17: {  	s4 =	simm.s32 $0x1BF5;
	[smem:$0x3FBB] =	sst s0  }
0x18: {  	s0 =	sld [smem:$0x3F9E];
	_ =	swait.ge [sflag:s4], $0x0  }
0x19: {  	s7 =	sld [smem:$0x3F9F]  }
0x1a: {  	s8 =	sadd.s32 $0xFFFFE003, lr  }
0x1b: {  	s9 =	sadd.s32 $0xFFFFFEF7, lr;
	s5 =	simm.s32 $0xFFFFFFFF;
	p2 =	slt.u32 s8, $0xFFFFF086  }
0x1c: {  	p1 =	slt.u32 s9, $0xF7A;
	s5 =	simm.s32 @!p2 $0x0  }
0x1d: {  	s5 =	simm.s32 @p1 $0x1;
	p0 =	seq.s32 s7, s2  }
0x1e: {  	s7 =	smul.u32 @!p0 $0xF7A, s2;
	p2 =	seq.s32 @!p0 s5, $0x0  }
0x1f: {  	s9 =	smul.u32 $0xF7A, s1;
	s8 =	simm.s32 @!p0 $0x1BF5;
	p2 =	por !p2, p0  }
0x20: {  	[sflag:s8] =	ssyncset.s32 @!p0 $0xFFFFF086;
	s6 =	sadd.s32 @!p0 s3, s7;
	s7 =	simm.s32 @!p0 $0x108  }
0x21: {  	s3 =	sadd.s32 s3, s9;
	s6 =	sadd.s32 @!p0 $0x88, s6;
	s7 =	simm.s32 @p2 $0x1082  }
0x22: {  	[simem:s7], [sflag:s8] =	dma.local @!p0 [hbm:s6], $0xF7A  }
0x23: {  	s9 =	sor.u32 $0xD0000000, s2;
	s6 =	simm.s32 $0x108;
	_ =	swait.ge @!p0 [sflag:s8], $0x0  }
0x24: {  	s3 =	sadd.s32 $0x88, s3;
	s6 =	simm.s32 @!p1 $0x1082;
	[sflag:s4] =	ssyncset.s32 $0xFFFFF086  }
0x25: {  	[simem:s6], [sflag:s4] =	dma.local [hbm:s3], $0xF7A  }
0x26: {  	[smem:$0x3F9F] =	sst s1;
	(tag) =	ssettag s2;
	_ =	strace s9  }
0x27: {  	s1 =	sld [smem:$0x3FAF]  }
0x28: {  	s2 =	sld [smem:$0x3FB0]  }
0x29: {  	s4 =	sld [smem:$0x3FB2]  }
0x2a: {  	p0 =	seq.s32 s5, $0x0;
	s5 =	sld [smem:$0x3FB3]  }
0x2b: {  	s6 =	sld [smem:$0x3FB4]  }
0x2c: {  	s7 =	sld [smem:$0x3FB5]  }
0x2d: {  	s3 =	simm.s32 $0x108;
	s8 =	sld [smem:$0x3FB6]  }
0x2e: {  	s3 =	simm.s32 @!p0 $0x1082;
	s9 =	sld [smem:$0x3FB7]  }
0x2f: {  	lr =	sadd.s32 s0, s3;
	s0 =	sld [smem:$0x3FAE]  }
0x30: {  	s3 =	sld [smem:$0x3FB1]  }
0x31: {  	[smem:$0x3FBA] =	sst s10  }
0x32: {  	s10 =	sld [smem:$0x3FB8];
	_ =	sdelay $0x3  }
0x33: {  	p0 =	seq.s32 s10, $0x1;
	s10 =	sld [smem:$0x3FBA];
	_ =	sdelay $0x3  }
0x34: {  	[smem:$0x3FBA] =	sst s10  }
0x35: {  	s10 =	sld [smem:$0x3FB9];
	_ =	sdelay $0x3  }
0x36: {  	p1 =	seq.s32 s10, $0x1;
	s10 =	sld [smem:$0x3FBA];
	_ =	sdelay $0x3  }
0x37: {  	[smem:$0x3FBA] =	sst s10  }
0x38: {  	s10 =	sld [smem:$0x3FBB]  }
0x39: {  	_ = 	snop;
	(pc) =	sbr.ind lr, $3  }
0x3a: {  	_ = 	snop  }
0x3b: {  	_ = 	snop  }
0x3c: {  	p2 =	seq.s32 s10, $0x1;
	s10 =	sld [smem:$0x3FBA]  }
0x3d: {  	_ =	shalt  }
0x3e: {  	_ =	shalt  }
0x3f: {  	_ =	shalt  }
0x40: {  	_ =	shalt  }
0x41: {  	_ =	shalt  }
0x42: {  	_ =	shalt  }
0x43: {  	_ =	shalt  }
0x44: {  	_ =	shalt  }
0x45: {  	_ =	shalt  }
0x46: {  	_ =	shalt  }
0x47: {  	_ =	shalt  }
0x48: {  	_ =	shalt  }
0x49: {  	_ =	shalt  }
0x4a: {  	_ =	shalt  }
0x4b: {  	_ =	shalt  }
0x4c: {  	_ =	shalt  }
0x4d: {  	_ =	shalt  }
0x4e: {  	_ =	shalt  }
0x4f: {  	_ =	shalt  }
0x50: {  	_ =	shalt  }
0x51: {  	_ =	shalt  }
0x52: {  	_ =	shalt  }
0x53: {  	_ =	shalt  }
0x54: {  	_ =	shalt  }
0x55: {  	_ =	shalt  }
0x56: {  	_ =	shalt  }
0x57: {  	_ =	shalt  }
0x58: {  	_ =	shalt  }
0x59: {  	_ =	shalt  }
0x5a: {  	_ =	shalt  }
0x5b: {  	_ =	shalt  }
0x5c: {  	_ =	shalt  }
0x5d: {  	_ =	shalt  }
0x5e: {  	_ =	shalt  }
0x5f: {  	_ =	shalt  }
0x60: {  	_ =	shalt  }
0x61: {  	_ =	shalt  }
0x62: {  	_ =	shalt  }
0x63: {  	_ =	shalt  }
0x64: {  	_ =	shalt  }
0x65: {  	_ =	shalt  }
0x66: {  	_ =	shalt  }
0x67: {  	_ =	shalt  }
0x68: {  	_ =	shalt  }
0x69: {  	_ =	shalt  }
0x6a: {  	_ =	shalt  }
0x6b: {  	_ =	shalt  }
0x6c: {  	_ =	shalt  }
0x6d: {  	_ =	shalt  }
0x6e: {  	_ =	shalt  }
0x6f: {  	_ =	shalt  }
0x70: {  	_ =	shalt  }
0x71: {  	_ =	shalt  }
0x72: {  	_ =	shalt  }
0x73: {  	_ =	shalt  }
0x74: {  	_ =	shalt  }
0x75: {  	_ =	shalt  }
0x76: {  	_ =	shalt  }
0x77: {  	_ =	shalt  }
0x78: {  	_ =	shalt  }
0x79: {  	_ =	shalt  }
0x7a: {  	_ =	shalt  }
0x7b: {  	_ =	shalt  }
0x7c: {  	_ =	shalt  }
0x7d: {  	_ =	shalt  }
0x7e: {  	_ =	shalt  }
0x7f: {  	_ =	shalt  }
0x80: {  	_ =	shalt  }
0x81: {  	_ =	shalt  }
0x82: {  	_ =	shalt  }
0x83: {  	_ =	shalt  }
0x84: {  	_ =	shalt  }
0x85: {  	_ =	shalt  }
0x86: {  	_ =	shalt  }
0x87: {  	_ =	shalt  }
.Lfunc_end0:
.L_simem_size_0:
called_computation_lowered:
.L_overlay_start_0:
0x88: {  	s2 =	sld [smem:$0x3FD9]  }
0x89: {  	s3 =	sld [smem:$0x3FFE];
	_ =	sdelay $0x1  }
0x8a: {  	s1 =	srdreg.scid  }
0x8b: {  	s0 =	sand.u32 $0x1, s1  }
0x8c: {  	s17 =	sshll.u32 s0, $0xA;
	s2 =	sadd.s32 s3, s2  }
0x8d: {  	s2 =	sadd.s32 s2, s17  }
0x8e: {  	[smem:$0x3FC6] =	sst s2  }
0x8f: {  	_ = 	snop  }
0x90: {  	s2 =	sld [smem:$0x3FD0];
	(tm) =	ssettm $0x1  }
0x91: {  	s18 =	sld [smem:$0x3FFB];
	_ =	sdelay $0x3  }
0x92: {  	_ =	strace s18  }
0x93: {  	s3 =	sld [smem:$0x3FFC];
	_ =	sdelay $0x3  }
0x94: {  	_ =	strace s3  }
0x95: {  	s3 =	sld [smem:$0x3FFD];
	_ =	sdelay $0x3  }
0x96: {  	_ =	strace s3  }
0x97: {  	_ =	strace $0x8FFFFFFF  }
0x98: {  	s19 =	sld [smem:$0x3FDB];
	_ =	sdelay $0x1  }
0x99: {  	s4 =	simm.s32 $_scs_section_size  }
0x9a: {  	s5 =	simm.s32 $_size__tile_overlayer_lowered;
	s6 =	simm.s32 $_tile_overlayer_lowered  }
0x9b: {  	s22 =	simm.s32 $0x1BFF;
	s21 =	sshll.u32 s6, $0x1;
	s3 =	sadd.s32 s4, s19  }
0x9c: {  	s7 =	simm.s32 $0x0;
	s20 =	sshll.u32 s5, $0x1;
	s5 =	sadd.s32 s21, s3  }
0x9d: {  	[timem:s7], [sflag:s22] =	dma.local [hbm:s5], s20  }
0x9e: {  	_ =	swait.ge [sflag:s22], s20  }
0x9f: {  	s4 =	ssub.s32 $0x0, s20;
	[sflag:s22] =	ssyncset.done $0x0  }
0xa0: {  	[sflag:s22] =	ssyncadd.s32 s4;
	_ =	sdelay $0x1  }
0xa1: {  	s23 =	simm.s32 $0x1B8B  }
0xa2: {  	_ =	swait.ge [sflag:s23], $0x1  }
0xa3: {  	[sflag:s23] =	ssyncset.done $0x0  }
0xa4: {  	s25 =	simm.s32 $0x1B8E;
	s24 =	sld [smem:$0x3FFE];
	[sflag:s23] =	ssyncadd.s32 $0xFFFFFFFF  }
0xa5: {  	s26 =	simm.s32 $execute0_lowered;
	[smem:$0x3FD2] =	sst s25  }
0xa6: {  	s5 =	sshll.u32 s26, $0x1;
	_ =	strace $0x80000046;
	[dreg:$0x1] =	wrdreg $0xFFFFFFFF  }
0xa7: {  	s28 =	simm.s32 $_size_execute0_lowered;
	s3 =	sadd.s32 s3, s5;
	[dreg:$0x0] =	wrdreg $0x0  }
0xa8: {  	s5 =	sshll.u32 s28, $0x1;
	[dreg:$0x2] =	wrdreg s3  }
0xa9: {  	[dreg:$0x3] =	wrdreg s5  }
0xaa: {  	[dreg:$0x4] =	wrdreg $0xC0  }
0xab: {  	_ =	task [dreg:s7], $0x5FFFF  }
0xac: {  	[dreg:$0x1] =	wrdreg $0xFFFFFFFF  }
0xad: {  	[dreg:$0x0] =	wrdreg $0x60  }
0xae: {  	[dreg:$0x2] =	wrdreg s24  }
0xaf: {  	[dreg:$0x3] =	wrdreg s2  }
0xb0: {  	[dreg:$0x4] =	wrdreg $0x17000  }
0xb1: {  	[dreg:$0x5] =	wrdreg $0x9  }
0xb2: {  	_ =	task.clear_ibuf [dreg:s7], $0x6FFFF;
	_ =	strace $0x90000046  }
0xb3: {  	s29 =	simm.s32 $0x9;
	_ =	strace $0x80000048  }
0xb4: {  	_ =	swait.ge [sflag:s29], $0x1  }
0xb5: {  	[sflag:s29] =	ssyncadd.s32 $0xFFFFFFFF  }
0xb6: {  	_ =	strace $0x90000048  }
0xb7: {  	_ =	sfence  }
0xb8: {  	s30 =	sld [smem:$0x0];
	_ =	sdelay $0x2  }
0xb9: {  	s31 =	sshll.u32 s1, $0xD;
	s1 =	sshrl.u32 s1, $0x2  }
0xba: {  	s3 =	sand.u32 $0x4000, s31;
	s1 =	sadd.s32 s1, s30  }
0xbb: {  	s0 =	sor.u32 s3, s0;
	s1 =	sshll.u32 s1, $0x11  }
0xbc: {  	s0 =	sor.u32 s1, s0  }
0xbd: {  	s0 =	sadd.s32 $0x8F2B, s0  }
0xbe: {  	[sflag:s0] =	ssyncadd.remote.s32 $0x1  }
0xbf: {  	_ =	sfence.sel $0xFFFF  }
0xc0: {  	[dreg:$0x0] =	wrdreg $0xFFFFFFFF;
	(pc) =	sbr.abs _section_cstart, $3  }
0xc1: {  	[dreg:$0x1] =	wrdreg $0xFFFFFFFF  }
0xc2: {  	_ =	task.clear_ibuf [dreg:s7], $0x2FFFF;
	_ =	strace $0x9FFFFFFF  }
0xc3: {  	(tm) =	ssettm $0x7FFFFFFF  }
tec
execute0_lowered:
.L_overlay_start_1:
0x0: {  	(tag) =	ssettag $0x1  }
0x1: {  	s5 =	rddreg [dreg:$0x0]  }
0x2: {  	s0 =	srdreg.scid;
	s1 =	rddreg [dreg:$0x1]  }
0x3: {  	s2 =	rddreg [dreg:$0x2];
	s11 =	stileid.u32;
	s3 =	simm.s32 $0x0  }
0x4: {  	s15 =	simm.s32 $0x1;
	s4 =	sand.u32 $0x1, s0;
	s0 =	rddreg [dreg:$0x3]  }
0x5: {  	s16 =	simm.s32 $0x1360;
	s17 =	simm.s32 $0x0;
	[smem:$0x7FF] =	sst s3  }
0x6: {  	s8 =	smul.u32 $0x270, s11;
	s12 =	sadd.s32 $0xAE00, s5;
	p0 =	sne.s32 s11, $0x0  }
0x7: {  	s6 =	sshll.u32 s4, $0x4;
	_ =	strace $0x80000047;
	s7 =	ssub.s32 $0x2, s4  }
0x8: {  	s10 =	smul.u32 $0x2710, s4;
	s4 =	sadd.s32 $0xAC00, s5;
	s6 =	sor.u32 s11, s6  }
0x9: {  	s28 =	sshrl.u32 s7, $0x1;
	s11 =	simm.s32 $0x1480;
	s6 =	smul.u32 $0x271, s6  }
0xa: {  	s13 =	ssub.s32 s7, s28;
	s29 =	sadd.s32 s8, s10;
	s30 =	sshrl.u32 s10, $0x3  }
0xb: {  	s31 =	sshrl.u32 s29, $0x3;
	s14 =	sadd.s32 s12, s30;
	s10 =	smax.u32 s13, $0x1  }
0xc: {  	s13 =	simm.s32 $0x1400;
	s9 =	sadd.s32 s6, s5;
	s5 =	sadd.s32 s8, s2  }
0xd: {  	s6 =	sadd.s32 $0x2700, s2;
	s8 =	sadd.s32 s12, s31;
	s12 =	simm.s32 $0x2  }
0xe: {  	s7 =	sadd.s32 $0x5C00, s9;
	s9 =	sadd.s32 $0x4E0, s14;
	s14 =	simm.s32 $0x28  }
.LBB2_1:
0xf: {  	[tilespmem:s11], [sflag:$0x2] =	stream.linear.gather [hbm4b:s1+s3], $0x270, $0x38;
	[tilespmem:$0x1978] =	vst v63  }
0x10: {  	_ =	swait.ge [sflag:s12], $0x270  }
0x11: {  	[sflag:s12] =	ssyncset.done $0x0  }
0x12: {  	[sflag:s12] =	ssyncadd.s32 $0xFFFFFD90  }
0x13: {  	[spmem:s5] =	stream.linear.scatter [tilespmem:s11], [sflag:$0x2], $0x270, $0x38;
	[tilespmem:$0x1978] =	vst v63  }
0x14: {  	_ =	swait.ge [sflag:s12], $0x270  }
0x15: {  	[sflag:s12] =	ssyncset.done $0x0  }
0x16: {  	s18 =	simm.s32 @!p0 $0x1480;
	[sflag:s12] =	ssyncadd.s32 $0xFFFFFD90  }
0x17: {  	[spmem:s6] =	stream.linear.scatter @!p0 [tilespmem:s18], [sflag:$0x2], $0x10, $0x38;
	[tilespmem:$0x1978] =	vst v63  }
0x18: {  	s18 =	simm.s32 @!p0 $0x2  }
0x19: {  	_ =	swait.ge @!p0 [sflag:s18], $0x10  }
0x1a: {  	[sflag:s18] =	ssyncset.done @!p0 $0x0  }
0x1b: {  	[sflag:s18] =	ssyncadd.s32 @!p0 $0xFFFFFFF0  }
0x1c: {  	[tilespmem:s13], [sflag:$0x2] =	stream.linear.gather [hbm4b:s4+s3], $0x80, $0x38;
	[tilespmem:$0x1978] =	vst v63  }
0x1d: {  	_ =	swait.ge [sflag:s12], $0x80  }
0x1e: {  	[sflag:s12] =	ssyncset.done $0x0  }
0x1f: {  	[sflag:s12] =	ssyncadd.s32 $0xFFFFFF80  }
0x20: {  	[tilespmem:s3], [sflag:$0x2] =	stream.linear.gather [hbm4b:s7+s3], $0x1388, $0x38;
	[tilespmem:$0x1978] =	vst v63  }
0x21: {  	_ =	swait.ge [sflag:s12], $0x1388  }
0x22: {  	[sflag:s12] =	ssyncset.done $0x0  }
0x23: {  	[sflag:s12] =	ssyncadd.s32 $0xFFFFEC78  }
0x24: {  	s30 =	simm.s32 $0x0;
	[bflag:$0x0] =	sbarrier.arrive $0xFFFF  }
0x25: {  	[spmem:s2] =	stream.indirect.scatter.add.f32 [tilespmem:s13], [sflag:$0x1], $0x1, s30, s14, $0xb8;
	[tilespmem:$0x1978] =	vst v63  }
0x26: {  	s31 =	simm.s32 $0x28  }
0x27: {  	[spmem:s2] =	stream.indirect.scatter.add.f32 [tilespmem:s13], [sflag:$0x1], $0x1, s31, s14, $0xb8;
	[tilespmem:$0x1978] =	vst v63  }
0x28: {  	_ =	swait.ge [sflag:s15], $0x28  }
0x29: {  	[sflag:s15] =	ssyncset.done $0x0  }
0x2a: {  	[sflag:s15] =	ssyncadd.s32 $0xFFFFFFD8  }
0x2b: {  	_ =	swait.ge [sflag:s15], $0x28  }
0x2c: {  	s19 =	simm.s32 $0x280;
	s18 =	simm.s32 $0x140;
	[sflag:s15] =	ssyncset.done $0x0  }
.LBB2_2:
0x2d: {  	s20 =	sshra.s32 s18, $0x2  }
0x2e: {  	[sflag:s15] =	ssyncadd.s32 $0xFFFFFFD8;
	s18 =	smov.u32 s19;
	s21 =	sadd.s32 $0x140, s19  }
0x2f: {  	[spmem:s2] =	stream.indirect.scatter.add.f32 [tilespmem:s13], [sflag:$0x1], $0x1, s20, s14, $0xb8;
	[tilespmem:$0x1978] =	vst v63  }
0x30: {  	p1 =	sne.s32 s19, $0x4C40;
	s19 =	sadd.s32 $0x28, s20  }
0x31: {  	[spmem:s2] =	stream.indirect.scatter.add.f32 [tilespmem:s13], [sflag:$0x1], $0x1, s19, s14, $0xb8;
	[tilespmem:$0x1978] =	vst v63  }
.Ltmp0:
0x32: {  	_ =	swait.ge [sflag:s15], $0x28;
	(pc) =	sbr.rel @p1 .LBB2_2-.Ltmp0, $4  }
0x33: {  	[sflag:s15] =	ssyncset.done $0x0  }
0x34: {  	[sflag:s15] =	ssyncadd.s32 $0xFFFFFFD8  }
0x35: {  	_ =	swait.ge [sflag:s15], $0x28  }
0x36: {  	s19 =	smov.u32 s21;
	[sflag:s15] =	ssyncset.done $0x0  }
0x37: {  	s18 =	sshra.s32 s18, $0x2;
	[sflag:s15] =	ssyncadd.s32 $0xFFFFFFD8  }
0x38: {  	[spmem:s2] =	stream.indirect.scatter.add.f32 [tilespmem:s13], [sflag:$0x1], $0x1, s18, s14, $0xb8;
	[tilespmem:$0x1978] =	vst v63  }
0x39: {  	s18 =	sadd.s32 $0x28, s18  }
0x3a: {  	[spmem:s2] =	stream.indirect.scatter.add.f32 [tilespmem:s13], [sflag:$0x1], $0x1, s18, s14, $0xb8;
	[tilespmem:$0x1978] =	vst v63  }
0x3b: {  	_ =	swait.ge [sflag:s15], $0x28  }
0x3c: {  	[sflag:s15] =	ssyncset.done $0x0  }
0x3d: {  	[sflag:s15] =	ssyncadd.s32 $0xFFFFFFD8  }
0x3e: {  	_ =	swait.ge [sflag:s15], $0x28  }
0x3f: {  	[sflag:s15] =	ssyncset.done $0x0  }
0x40: {  	[sflag:s15] =	ssyncadd.s32 $0xFFFFFFD8  }
0x41: {  	[spmem:s2] =	stream.indirect.scatter.add.f32 [tilespmem:s13], [sflag:$0x2], $0x1, s16, s14, $0xb8;
	[tilespmem:$0x1978] =	vst v63  }
0x42: {  	_ =	swait.ge [sflag:s12], $0x28  }
0x43: {  	[sflag:s12] =	ssyncset.done $0x0  }
0x44: {  	[sflag:s12] =	ssyncadd.s32 $0xFFFFFFD8  }
0x45: {  	[bflag:$0x0] =	sbarrier.arrive $0xFFFF  }
0x46: {  	[tilespmem:s11], [sflag:$0x2] =	stream.linear.gather [spmem:s5], $0x270, $0x38;
	[tilespmem:$0x1978] =	vst v63  }
0x47: {  	_ =	swait.ge [sflag:s12], $0x270  }
0x48: {  	[sflag:s12] =	ssyncset.done $0x0  }
0x49: {  	[sflag:s12] =	ssyncadd.s32 $0xFFFFFD90  }
0x4a: {  	[hbm4b:s8+s3] =	stream.linear.scatter [tilespmem:s11], [sflag:$0x2], $0x270, $0x38;
	[tilespmem:$0x1978] =	vst v63  }
0x4b: {  	_ =	swait.ge [sflag:s12], $0x270  }
0x4c: {  	[sflag:s12] =	ssyncset.done $0x0  }
0x4d: {  	s19 =	simm.s32 @!p0 $0x2;
	s18 =	simm.s32 @!p0 $0x1480;
	[sflag:s12] =	ssyncadd.s32 $0xFFFFFD90  }
0x4e: {  	[tilespmem:s18], [sflag:$0x2] =	stream.linear.gather @!p0 [spmem:s6], $0x10, $0x38;
	[tilespmem:$0x1978] =	vst v63  }
0x4f: {  	s17 =	sadd.s32 $0x1, s17;
	_ =	swait.ge @!p0 [sflag:s19], $0x10  }
0x50: {  	p1 =	sne.s32 s17, s10;
	[sflag:s19] =	ssyncset.done @!p0 $0x0  }
.Ltmp1:
0x51: {  	s20 =	simm.s32 @!p0 $0x0;
	[sflag:s19] =	ssyncadd.s32 @!p0 $0xFFFFFFF0;
	(pc) =	sbr.rel @p1 .LBB2_1-.Ltmp1, $4  }
0x52: {  	[hbm4b:s9+s20] =	stream.linear.scatter @!p0 [tilespmem:s18], [sflag:$0x2], $0x10, $0x38;
	[tilespmem:$0x1978] =	vst v63  }
0x53: {  	_ =	swait.ge @!p0 [sflag:s19], $0x10  }
0x54: {  	[sflag:s19] =	ssyncset.done @!p0 $0x0  }
0x55: {  	[sflag:s19] =	ssyncadd.s32 @!p0 $0xFFFFFFF0  }
0x56: {  	_ =	sfence.sel $0x180000  }
0x57: {  	[bflag:$0x0] =	sbarrier.arrive $0xFFFF  }
0x58: {  	_ =	strace $0x90000047  }
0x59: {  	s0 =	sadd.s32 @!p0 $0x100000, s0;
	[bflag:$0x2] =	sbarrier.arrive $0xFFFF  }
0x5a: {  	[sflag:s0] =	ssyncadd.tile.s32 @!p0 $0x1;
	_ =	shalt  }
.Lfunc_end2:
_tile_overlayer_lowered:
.L_overlay_start_2:
0x5b: {  	(tag) =	ssettag $0x2  }
0x5c: {  	s0 =	rddreg [dreg:$0x0];
	s2 =	stileid.u32  }
0x5d: {  	s1 =	rddreg [dreg:$0x1];
	p0 =	sne.s32 s2, $0x0  }
0x5e: {  	s3 =	rddreg [dreg:$0x2];
	[bflag:$0x3] =	sbarrier.arrive $0xFFFF;
	s2 =	simm.s32 @!p0 $0x1C02  }
0x5f: {  	[timem:s3], [sflag:s2] =	dma.local @!p0 [hbm:s0], s1  }
0x60: {  	s0 =	simm.s32 @!p0 $0x2  }
0x61: {  	_ =	swait.ge @!p0 [sflag:s0], s1  }
0x62: {  	s1 =	ssub.s32 @!p0 $0x0, s1;
	[sflag:s0] =	ssyncset.done @!p0 $0x0  }
0x63: {  	[sflag:s0] =	ssyncadd.s32 @!p0 s1  }
0x64: {  	[bflag:$0x3] =	sbarrier.arrive $0xFFFF  }
0x65: {  	_ =	shalt  }

</sc_bundles>
